<compile_context>
chip_gen: v7x
topology: tpu7x:2x2x1
jax: 0.10.2.dev20260603
libtpu: 0.0.44.dev20260713+nightly
codegen_flags: <defaults>
</compile_context>

<pallas_src>
import functools

import jax
import jax.numpy as jnp
from jax import lax
from jax.experimental import pallas as pl
from jax.experimental.pallas import tpu as pltpu
from jax.experimental.pallas import tpu_sc as plsc

N = 10000
E = 320000
D_IN = 128
H = 64
DEGW = 8
NC = 2
NS = 16
NW = NC * NS
EPW = E // NW
C = 200
NCHUNK = EPW // C
DEPTH = 5
RPT = 624
RTAIL = N - NS * RPT

_F32 = jnp.float32


def _sc_agg(compute_deg):
    mesh = plsc.VectorSubcoreMesh(core_axis_name="c", subcore_axis_name="s")
    out_type = [jax.ShapeDtypeStruct((NC, N, H), _F32)]
    scratch = (
        [pltpu.VMEM((NCHUNK, 2, C), jnp.int32)]
        + [pltpu.VMEM((C, H), _F32)] * DEPTH
        + [pltpu.VMEM_SHARED((N, H), _F32)]
        + [pltpu.SemaphoreType.DMA] * (DEPTH + 1)
    )
    if compute_deg:
        out_type.append(jax.ShapeDtypeStruct((NC, N, DEGW), _F32))
        scratch += [
            pltpu.VMEM((C, DEGW), _F32),
            pltpu.VMEM_SHARED((N, DEGW), _F32),
        ]

    def body(x_hbm, ei_hbm, z64_hbm, *rest):
        if compute_deg:
            (ones_hbm, z16_hbm, part_hbm, degpart_hbm, *mid) = rest
            *mid, ones_v, dacc_sh = mid
        else:
            (part_hbm, *mid) = rest
        idx_all = mid[0]
        rows = mid[1:1 + DEPTH]
        acc_sh = mid[1 + DEPTH]
        sem_i = mid[2 + DEPTH]
        sems = mid[3 + DEPTH:3 + 2 * DEPTH]
        bufs = tuple(zip(rows, sems))
        c = lax.axis_index("c")
        s = lax.axis_index("s")
        wid = s * NC + c
        r0 = pl.multiple_of(s * RPT, 8)
        t0 = NS * RPT
        pltpu.async_copy(ei_hbm.at[wid], idx_all, sem_i)
        pltpu.sync_copy(z64_hbm.at[pl.ds(r0, RPT)], acc_sh.at[pl.ds(r0, RPT)])
        if compute_deg:
            pltpu.sync_copy(z16_hbm.at[pl.ds(r0, RPT)], dacc_sh.at[pl.ds(r0, RPT)])
            pltpu.sync_copy(ones_hbm, ones_v)

        @pl.when(s == 0)
        def _():
            pltpu.sync_copy(z64_hbm.at[pl.ds(t0, RTAIL)],
                            acc_sh.at[pl.ds(t0, RTAIL)])
            if compute_deg:
                pltpu.sync_copy(z16_hbm.at[pl.ds(t0, RTAIL)],
                                dacc_sh.at[pl.ds(t0, RTAIL)])

        pltpu.make_async_copy(ei_hbm.at[wid], idx_all, sem_i).wait()
        plsc.subcore_barrier()

        def gstart(k, rows_v, sem):
            pltpu.async_copy(x_hbm.at[idx_all.at[k, 0]], rows_v, sem)

        def scatter(k, rows_v, sem):
            pltpu.make_async_copy(x_hbm.at[idx_all.at[k, 0]], rows_v,
                                  sem).wait()
            pltpu.sync_copy(rows_v, acc_sh.at[idx_all.at[k, 1]], add=True)
            if compute_deg:
                pltpu.sync_copy(ones_v, dacc_sh.at[idx_all.at[k, 1]],
                                add=True)

        for j in range(DEPTH):
            gstart(j, *bufs[j])

        nfull = (NCHUNK - DEPTH) // DEPTH

        def step(k, carry):
            for j in range(DEPTH):
                idx = DEPTH * k + j
                scatter(idx, *bufs[j])
                gstart(idx + DEPTH, *bufs[j])
            return carry

        lax.fori_loop(0, nfull, step, 0)
        for idx in range(DEPTH * nfull, NCHUNK):
            scatter(idx, *bufs[idx % DEPTH])
            if idx + DEPTH < NCHUNK:
                gstart(idx + DEPTH, *bufs[idx % DEPTH])
        plsc.subcore_barrier()
        pltpu.sync_copy(acc_sh.at[pl.ds(r0, RPT)],
                        part_hbm.at[c, pl.ds(r0, RPT)])
        if compute_deg:
            pltpu.sync_copy(dacc_sh.at[pl.ds(r0, RPT)],
                            degpart_hbm.at[c, pl.ds(r0, RPT)])

        @pl.when(s == 0)
        def _():
            pltpu.sync_copy(acc_sh.at[pl.ds(t0, RTAIL)],
                            part_hbm.at[c, pl.ds(t0, RTAIL)])
            if compute_deg:
                pltpu.sync_copy(dacc_sh.at[pl.ds(t0, RTAIL)],
                                degpart_hbm.at[c, pl.ds(t0, RTAIL)])

    return pl.kernel(body, out_type=out_type, mesh=mesh,
                     scratch_types=scratch,
                     compiler_params=pltpu.CompilerParams(
                         use_tc_tiling_on_sc=False))


def _sc_deg():
    mesh = plsc.VectorSubcoreMesh(core_axis_name="c", subcore_axis_name="s")
    out_type = [jax.ShapeDtypeStruct((NC, N, DEGW), _F32)]
    scratch = [
        pltpu.VMEM((NCHUNK, 2, C), jnp.int32),
        pltpu.VMEM((C, DEGW), _F32),
        pltpu.VMEM_SHARED((N, DEGW), _F32),
        pltpu.SemaphoreType.DMA,
    ]

    def body(ei_hbm, z16_hbm, ones_hbm, degpart_hbm, idx_all, ones_v,
             dacc_sh, sem_i):
        c = lax.axis_index("c")
        s = lax.axis_index("s")
        wid = s * NC + c
        r0 = pl.multiple_of(s * RPT, 8)
        t0 = NS * RPT
        pltpu.async_copy(ei_hbm.at[wid], idx_all, sem_i)
        pltpu.sync_copy(z16_hbm.at[pl.ds(r0, RPT)], dacc_sh.at[pl.ds(r0, RPT)])
        pltpu.sync_copy(ones_hbm, ones_v)

        @pl.when(s == 0)
        def _():
            pltpu.sync_copy(z16_hbm.at[pl.ds(t0, RTAIL)],
                            dacc_sh.at[pl.ds(t0, RTAIL)])

        pltpu.make_async_copy(ei_hbm.at[wid], idx_all, sem_i).wait()
        plsc.subcore_barrier()

        def step(k, carry):
            pltpu.sync_copy(ones_v, dacc_sh.at[idx_all.at[k, 1]], add=True)
            return carry

        lax.fori_loop(0, NCHUNK, step, 0)
        plsc.subcore_barrier()
        pltpu.sync_copy(dacc_sh.at[pl.ds(r0, RPT)],
                        degpart_hbm.at[c, pl.ds(r0, RPT)])

        @pl.when(s == 0)
        def _():
            pltpu.sync_copy(dacc_sh.at[pl.ds(t0, RTAIL)],
                            degpart_hbm.at[c, pl.ds(t0, RTAIL)])

    return pl.kernel(body, out_type=out_type, mesh=mesh,
                     scratch_types=scratch,
                     compiler_params=pltpu.CompilerParams(
                         use_tc_tiling_on_sc=False))


def _enc_body(x_ref, w_ref, b_ref, o_ref):
    h = lax.dot_general(x_ref[...], w_ref[...], (((1,), (1,)), ((), ())),
                        preferred_element_type=_F32)
    o_ref[...] = jnp.maximum(h + b_ref[...], 0.0)


def _comb_W(basis_ref, comp_ref):
    W = comp_ref[0, 0] * basis_ref[0]
    W = W + comp_ref[0, 1] * basis_ref[1]
    W = W + comp_ref[0, 2] * basis_ref[2]
    W = W + comp_ref[0, 3] * basis_ref[3]
    return W


def _agg_mean(p_ref, dp_ref):
    deg = dp_ref[0] + dp_ref[1]
    inv = 1.0 / jnp.maximum(deg[:, 0:1], 1.0)
    return (p_ref[0] + p_ref[1]) * inv


def _comb_body(p_ref, dp_ref, x_ref, basis_ref, comp_ref, root_ref, b_ref,
               o_ref):
    agg = _agg_mean(p_ref, dp_ref)
    W = _comb_W(basis_ref, comp_ref)
    x = x_ref[...]
    h = (lax.dot_general(agg, W, (((1,), (0,)), ((), ())),
                         preferred_element_type=_F32)
         + lax.dot_general(x, root_ref[...], (((1,), (0,)), ((), ())),
                           preferred_element_type=_F32)
         + b_ref[...])
    o_ref[...] = jnp.maximum(h, 0.0) + x


def _final_body(p_ref, dp_ref, x_ref, basis_ref, comp_ref, root_ref, b_ref,
                dw_ref, db_ref, cw_ref, cb_ref, x_out, d_out, c_out):
    _comb_body(p_ref, dp_ref, x_ref, basis_ref, comp_ref, root_ref, b_ref,
               x_out)
    x = x_out[...]
    d_out[...] = lax.dot_general(x, dw_ref[...], (((1,), (1,)), ((), ())),
                                 preferred_element_type=_F32) + db_ref[...]
    c_out[...] = lax.dot_general(x, cw_ref[...], (((1,), (1,)), ((), ())),
                                 preferred_element_type=_F32) + cb_ref[...]


_sc_agg_only = _sc_agg(False)
_sc_deg_count = _sc_deg()

_tc_enc = pl.pallas_call(
    _enc_body, out_shape=jax.ShapeDtypeStruct((N, H), _F32))
_tc_comb = pl.pallas_call(
    _comb_body, out_shape=jax.ShapeDtypeStruct((N, H), _F32))
_tc_final = pl.pallas_call(
    _final_body, out_shape=(jax.ShapeDtypeStruct((N, H), _F32),
                            jax.ShapeDtypeStruct((N, 2), _F32),
                            jax.ShapeDtypeStruct((N, 2), _F32)))


def kernel(x_node, edge_index_node, enc_W, enc_b, l0_basis, l0_comp, l0_root,
           l0_bias, l1_basis, l1_comp, l1_root, l1_bias, cls_delay_W,
           cls_delay_b, cls_cancel_W, cls_cancel_b):
    ei_chunks = jnp.transpose(
        edge_index_node.reshape(2, NW, NCHUNK, C), (1, 2, 0, 3))
    z64 = jnp.zeros((N, H), _F32)
    z16 = jnp.zeros((N, DEGW), _F32)
    ones = jnp.ones((C, DEGW), _F32)

    dp, = _sc_deg_count(ei_chunks, z16, ones)
    x0 = _tc_enc(x_node, enc_W, enc_b)
    p0, = _sc_agg_only(x0, ei_chunks, z64)
    x1 = _tc_comb(p0, dp, x0, l0_basis, l0_comp, l0_root, l0_bias)
    p1, = _sc_agg_only(x1, ei_chunks, z64)
    x2, delay_out, cancel_out = _tc_final(
        p1, dp, x1, l1_basis, l1_comp, l1_root, l1_bias,
        cls_delay_W, cls_delay_b, cls_cancel_W, cls_cancel_b)
    return (x2, delay_out, cancel_out)

# --- scband reference (transcript-rebuilt; emitter-appended) ---
"""Pipeline reference for scband-rgcn-83099027243199 (READ-ONLY COPY).

The authoritative reference and input builder live on the scoring server;
editing this copy changes nothing except your own understanding.
"""

import jax, jax.numpy as jnp
import numpy as np

N = 10000
E = 320000
D_IN = 128
H = 64
NUM_CLASSES = 2
NUM_BASES = 4


def setup_inputs(seed: int = 0) -> dict:
    key = jax.random.key(seed)
    ks = jax.random.split(key, 20)
    inp = {}
    inp["x_node"] = jax.random.normal(ks[0], (N, D_IN), dtype=jnp.float32)
    inp["edge_index_node"] = jax.random.randint(ks[1], (2, E), 0, N, dtype=jnp.int32)
    # node encoder Linear(D_IN, H)
    inp["enc_W"] = jax.random.normal(ks[2], (H, D_IN), dtype=jnp.float32) * 0.05
    inp["enc_b"] = jnp.zeros((H,), dtype=jnp.float32)
    # two RGCNConv layers (num_relations=1, num_bases=4): basis-decomposed weight,
    # root weight, bias
    inp["l0_basis"] = jax.random.normal(ks[3], (NUM_BASES, H, H), dtype=jnp.float32) * 0.05
    inp["l0_comp"] = jax.random.normal(ks[4], (1, NUM_BASES), dtype=jnp.float32) * 0.5
    inp["l0_root"] = jax.random.normal(ks[5], (H, H), dtype=jnp.float32) * 0.05
    inp["l0_bias"] = jnp.zeros((H,), dtype=jnp.float32)
    inp["l1_basis"] = jax.random.normal(ks[6], (NUM_BASES, H, H), dtype=jnp.float32) * 0.05
    inp["l1_comp"] = jax.random.normal(ks[7], (1, NUM_BASES), dtype=jnp.float32) * 0.5
    inp["l1_root"] = jax.random.normal(ks[8], (H, H), dtype=jnp.float32) * 0.05
    inp["l1_bias"] = jnp.zeros((H,), dtype=jnp.float32)
    # classifier heads
    inp["cls_delay_W"] = jax.random.normal(ks[9], (NUM_CLASSES, H), dtype=jnp.float32) * 0.05
    inp["cls_delay_b"] = jnp.zeros((NUM_CLASSES,), dtype=jnp.float32)
    inp["cls_cancel_W"] = jax.random.normal(ks[10], (NUM_CLASSES, H), dtype=jnp.float32) * 0.05
    inp["cls_cancel_b"] = jnp.zeros((NUM_CLASSES,), dtype=jnp.float32)
    return inp


def _rgcn_conv(x, src, dst, basis, comp, root, bias):
    # basis decomposition: W_r = sum_b comp[r, b] * basis[b]; num_relations = 1
    W = jnp.einsum("rb,bio->io", comp, basis)
    msg = x[src] @ W                       # gather + per-edge transform
    agg = jax.ops.segment_sum(msg, dst, num_segments=N)  # scatter-add
    deg = jax.ops.segment_sum(jnp.ones((dst.shape[0],), x.dtype), dst, num_segments=N)
    agg = agg / jnp.maximum(deg, 1.0)[:, None]           # mean aggregation (PyG RGCNConv default)
    return agg + x @ root + bias


def reference(x_node, edge_index_node, enc_W, enc_b,
              l0_basis, l0_comp, l0_root, l0_bias,
              l1_basis, l1_comp, l1_root, l1_bias,
              cls_delay_W, cls_delay_b, cls_cancel_W, cls_cancel_b):
    x = jax.nn.relu(x_node @ enc_W.T + enc_b)
    src = edge_index_node[0]
    dst = edge_index_node[1]
    for (basis, comp, root, bias) in ((l0_basis, l0_comp, l0_root, l0_bias),
                                      (l1_basis, l1_comp, l1_root, l1_bias)):
        h = _rgcn_conv(x, src, dst, basis, comp, root, bias)
        # eval mode: dropout is identity; residual connection
        x = jax.nn.relu(h) + x
    delay_out = x @ cls_delay_W.T + cls_delay_b
    cancel_out = x @ cls_cancel_W.T + cls_cancel_b
    return (x, delay_out, cancel_out)

if __name__ == "__main__":
    import jax
    _d = setup_inputs()
    print(jax.jit(kernel)(*tuple(_d.values())))

</pallas_src>

<mosaic_0001>
#map = affine_map<(d0, d1) -> (0, 0)>
#map1 = affine_map<(d0, d1) -> (0, 0, 0, 0)>
#map2 = affine_map<(d0, d1) -> (0, 0, 0)>
module attributes {stable_mosaic.version = 14 : i64} {
  func.func @body(%arg0: i32, %arg1: i32, %arg2: memref<10000x64xf32, #tpu.memory_space<hbm>>, %arg3: memref<32x50x2x200xi32, #tpu.memory_space<hbm>>, %arg4: memref<10000x64xf32, #tpu.memory_space<hbm>>, %arg5: memref<2x10000x64xf32, #tpu.memory_space<hbm>>, %arg6: memref<50x2x200xi32, #tpu.memory_space<vmem>>, %arg7: memref<200x64xf32, #tpu.memory_space<vmem>>, %arg8: memref<200x64xf32, #tpu.memory_space<vmem>>, %arg9: memref<200x64xf32, #tpu.memory_space<vmem>>, %arg10: memref<200x64xf32, #tpu.memory_space<vmem>>, %arg11: memref<200x64xf32, #tpu.memory_space<vmem>>, %arg12: memref<10000x64xf32, #tpu.memory_space<vmem_shared>>, %arg13: memref<!tpu.dma_semaphore, #tpu.memory_space<semaphore_mem>>, %arg14: memref<!tpu.dma_semaphore, #tpu.memory_space<semaphore_mem>>, %arg15: memref<!tpu.dma_semaphore, #tpu.memory_space<semaphore_mem>>, %arg16: memref<!tpu.dma_semaphore, #tpu.memory_space<semaphore_mem>>, %arg17: memref<!tpu.dma_semaphore, #tpu.memory_space<semaphore_mem>>, %arg18: memref<!tpu.dma_semaphore, #tpu.memory_space<semaphore_mem>>) attributes {dimension_semantics = [#tpu.dimension_semantics<core_parallel>, #tpu.dimension_semantics<subcore_parallel>], iteration_bounds = array<i64: 2, 16>, scalar_prefetch = 0 : i64, scratch_operands = 13 : i64, tpu.core_type = #tpu.core_type<sc_vector_subcore>, window_params = [{transform_indices = #map}, {transform_indices = #map1}, {transform_indices = #map}, {transform_indices = #map2}]} {
    %mul3A = arith.constant 2 : i32
    %mul3A_0 = arith.muli %arg1, %mul3A : i32
    %add3A = arith.addi %mul3A_0, %arg0 : i32
    %mul3A_1 = arith.constant 624 : i32
    %mul3A_2 = arith.muli %arg1, %mul3A_1 : i32
    %multiple_of3A = tpu.assume_multiple %mul3A_2, 8 : i32
    %dma_start3A = arith.constant 0 : i32
    %dma_start3A_3 = arith.constant 0 : i32
    %dma_start3A_4 = arith.constant 0 : i32
    %dma_start3A_5 = tpu.memref_slice %arg3[%add3A, %dma_start3A, %dma_start3A_3, %dma_start3A_4] : memref<32x50x2x200xi32, #tpu.memory_space<hbm>> -> memref<1x50x2x200xi32, #tpu.memory_space<hbm>>
    %dma_start3A_6 = tpu.memref_squeeze %dma_start3A_5 : memref<1x50x2x200xi32, #tpu.memory_space<hbm>> -> memref<50x2x200xi32, #tpu.memory_space<hbm>>
    %dma_start3A_7 = arith.constant 0 : i32
    %dma_start3A_8 = arith.constant 0 : i32
    %dma_start3A_9 = arith.constant 0 : i32
    %dma_start3A_10 = tpu.memref_slice %arg3[%add3A, %dma_start3A_7, %dma_start3A_8, %dma_start3A_9] : memref<32x50x2x200xi32, #tpu.memory_space<hbm>> -> memref<1x50x2x200xi32, #tpu.memory_space<hbm>>
    %dma_start3A_11 = tpu.memref_squeeze %dma_start3A_10 : memref<1x50x2x200xi32, #tpu.memory_space<hbm>> -> memref<50x2x200xi32, #tpu.memory_space<hbm>>
    tpu.enqueue_dma source(%dma_start3A_11 : memref<50x2x200xi32, #tpu.memory_space<hbm>>) target(%arg6 : memref<50x2x200xi32, #tpu.memory_space<vmem>>) target_semaphore(%arg13 : memref<!tpu.dma_semaphore, #tpu.memory_space<semaphore_mem>>)
    "tpu.region"() ({
      %run_scoped3A_123 = tpu.sem_alloc : memref<!tpu.dma_semaphore, #tpu.memory_space<semaphore_mem>>
      %dma_start3A_124 = arith.constant 0 : i32
      %dma_start3A_125 = tpu.memref_slice %arg12[%multiple_of3A, %dma_start3A_124] : memref<10000x64xf32, #tpu.memory_space<vmem_shared>> -> memref<624x64xf32, #tpu.memory_space<vmem_shared>>
      %dma_start3A_126 = arith.constant 0 : i32
      %dma_start3A_127 = tpu.memref_slice %arg4[%multiple_of3A, %dma_start3A_126] : memref<10000x64xf32, #tpu.memory_space<hbm>> -> memref<624x64xf32, #tpu.memory_space<hbm>>
      tpu.enqueue_dma source(%dma_start3A_127 : memref<624x64xf32, #tpu.memory_space<hbm>>) target(%dma_start3A_125 : memref<624x64xf32, #tpu.memory_space<vmem_shared>>) target_semaphore(%run_scoped3A_123 : memref<!tpu.dma_semaphore, #tpu.memory_space<semaphore_mem>>)
      %dma_wait3A_128 = arith.constant 0 : i32
      %dma_wait3A_129 = tpu.memref_slice %arg12[%multiple_of3A, %dma_wait3A_128] : memref<10000x64xf32, #tpu.memory_space<vmem_shared>> -> memref<624x64xf32, #tpu.memory_space<vmem_shared>>
      %dma_wait3A_130 = arith.constant 0 : i32
      %dma_wait3A_131 = tpu.memref_slice %arg4[%multiple_of3A, %dma_wait3A_130] : memref<10000x64xf32, #tpu.memory_space<hbm>> -> memref<624x64xf32, #tpu.memory_space<hbm>>
      tpu.wait_dma2 semaphore(%run_scoped3A_123 : memref<!tpu.dma_semaphore, #tpu.memory_space<semaphore_mem>>) src(%dma_wait3A_131 : memref<624x64xf32, #tpu.memory_space<hbm>>) dst(%dma_wait3A_129 : memref<624x64xf32, #tpu.memory_space<vmem_shared>>)
      tpu.yield
    }) : () -> ()
    %eq3A = arith.constant 0 : i32
    %eq3A_12 = arith.cmpi eq, %arg1, %eq3A : i32
    %convert_element_type3A = arith.extui %eq3A_12 : i1 to i32
    %cond3A = arith.constant 0 : i32
    %cond3A_13 = arith.cmpi ne, %convert_element_type3A, %cond3A : i32
    scf.if %cond3A_13 {
      "tpu.region"() ({
        %run_scoped3A_123 = tpu.sem_alloc : memref<!tpu.dma_semaphore, #tpu.memory_space<semaphore_mem>>
        %dma_start3A_124 = arith.constant 9984 : i32
        %dma_start3A_125 = arith.constant 0 : i32
        %dma_start3A_126 = tpu.memref_slice %arg12[%dma_start3A_124, %dma_start3A_125] : memref<10000x64xf32, #tpu.memory_space<vmem_shared>> -> memref<16x64xf32, #tpu.memory_space<vmem_shared>>
        %dma_start3A_127 = arith.constant 9984 : i32
        %dma_start3A_128 = arith.constant 0 : i32
        %dma_start3A_129 = tpu.memref_slice %arg4[%dma_start3A_127, %dma_start3A_128] : memref<10000x64xf32, #tpu.memory_space<hbm>> -> memref<16x64xf32, #tpu.memory_space<hbm>>
        tpu.enqueue_dma source(%dma_start3A_129 : memref<16x64xf32, #tpu.memory_space<hbm>>) target(%dma_start3A_126 : memref<16x64xf32, #tpu.memory_space<vmem_shared>>) target_semaphore(%run_scoped3A_123 : memref<!tpu.dma_semaphore, #tpu.memory_space<semaphore_mem>>)
        %dma_wait3A_130 = arith.constant 9984 : i32
        %dma_wait3A_131 = arith.constant 0 : i32
        %dma_wait3A_132 = tpu.memref_slice %arg12[%dma_wait3A_130, %dma_wait3A_131] : memref<10000x64xf32, #tpu.memory_space<vmem_shared>> -> memref<16x64xf32, #tpu.memory_space<vmem_shared>>
        %dma_wait3A_133 = arith.constant 9984 : i32
        %dma_wait3A_134 = arith.constant 0 : i32
        %dma_wait3A_135 = tpu.memref_slice %arg4[%dma_wait3A_133, %dma_wait3A_134] : memref<10000x64xf32, #tpu.memory_space<hbm>> -> memref<16x64xf32, #tpu.memory_space<hbm>>
        tpu.wait_dma2 semaphore(%run_scoped3A_123 : memref<!tpu.dma_semaphore, #tpu.memory_space<semaphore_mem>>) src(%dma_wait3A_135 : memref<16x64xf32, #tpu.memory_space<hbm>>) dst(%dma_wait3A_132 : memref<16x64xf32, #tpu.memory_space<vmem_shared>>)
        tpu.yield
      }) : () -> ()
    } else {
    }
    %dma_wait3A = arith.constant 0 : i32
    %dma_wait3A_14 = arith.constant 0 : i32
    %dma_wait3A_15 = arith.constant 0 : i32
    %dma_wait3A_16 = tpu.memref_slice %arg3[%add3A, %dma_wait3A, %dma_wait3A_14, %dma_wait3A_15] : memref<32x50x2x200xi32, #tpu.memory_space<hbm>> -> memref<1x50x2x200xi32, #tpu.memory_space<hbm>>
    %dma_wait3A_17 = tpu.memref_squeeze %dma_wait3A_16 : memref<1x50x2x200xi32, #tpu.memory_space<hbm>> -> memref<50x2x200xi32, #tpu.memory_space<hbm>>
    %dma_wait3A_18 = arith.constant 0 : i32
    %dma_wait3A_19 = arith.constant 0 : i32
    %dma_wait3A_20 = arith.constant 0 : i32
    %dma_wait3A_21 = tpu.memref_slice %arg3[%add3A, %dma_wait3A_18, %dma_wait3A_19, %dma_wait3A_20] : memref<32x50x2x200xi32, #tpu.memory_space<hbm>> -> memref<1x50x2x200xi32, #tpu.memory_space<hbm>>
    %dma_wait3A_22 = tpu.memref_squeeze %dma_wait3A_21 : memref<1x50x2x200xi32, #tpu.memory_space<hbm>> -> memref<50x2x200xi32, #tpu.memory_space<hbm>>
    tpu.wait_dma2 semaphore(%arg13 : memref<!tpu.dma_semaphore, #tpu.memory_space<semaphore_mem>>) src(%dma_wait3A_22 : memref<50x2x200xi32, #tpu.memory_space<hbm>>) dst(%arg6 : memref<50x2x200xi32, #tpu.memory_space<vmem>>)
    %barrier3A = arith.constant 0 : index
    tpu.barrier barrier_id(%barrier3A)
    %dma_start3A_23 = arith.constant 0 : i32
    %dma_start3A_24 = arith.constant 0 : i32
    %dma_start3A_25 = arith.constant 0 : i32
    %dma_start3A_26 = tpu.memref_slice %arg6[%dma_start3A_23, %dma_start3A_24, %dma_start3A_25] : memref<50x2x200xi32, #tpu.memory_space<vmem>> -> memref<1x1x200xi32, #tpu.memory_space<vmem>>
    %dma_start3A_27 = tpu.memref_squeeze %dma_start3A_26 : memref<1x1x200xi32, #tpu.memory_space<vmem>> -> memref<200xi32, #tpu.memory_space<vmem>>
    %dma_start3A_28 = arith.constant 0 : i32
    %dma_start3A_29 = arith.constant 0 : i32
    %dma_start3A_30 = tpu.memref_slice %arg2[%dma_start3A_28, %dma_start3A_29] : memref<10000x64xf32, #tpu.memory_space<hbm>> -> memref<10000x64xf32, #tpu.memory_space<hbm>>
    tpu.enqueue_indirect_dma source(%dma_start3A_30 : memref<10000x64xf32, #tpu.memory_space<hbm>>) target(%arg7 : memref<200x64xf32, #tpu.memory_space<vmem>>) offsets(%dma_start3A_27 : memref<200xi32, #tpu.memory_space<vmem>>) semaphore(%arg14 : memref<!tpu.dma_semaphore, #tpu.memory_space<semaphore_mem>>)
    %dma_start3A_31 = arith.constant 1 : i32
    %dma_start3A_32 = arith.constant 0 : i32
    %dma_start3A_33 = arith.constant 0 : i32
    %dma_start3A_34 = tpu.memref_slice %arg6[%dma_start3A_31, %dma_start3A_32, %dma_start3A_33] : memref<50x2x200xi32, #tpu.memory_space<vmem>> -> memref<1x1x200xi32, #tpu.memory_space<vmem>>
    %dma_start3A_35 = tpu.memref_squeeze %dma_start3A_34 : memref<1x1x200xi32, #tpu.memory_space<vmem>> -> memref<200xi32, #tpu.memory_space<vmem>>
    %dma_start3A_36 = arith.constant 0 : i32
    %dma_start3A_37 = arith.constant 0 : i32
    %dma_start3A_38 = tpu.memref_slice %arg2[%dma_start3A_36, %dma_start3A_37] : memref<10000x64xf32, #tpu.memory_space<hbm>> -> memref<10000x64xf32, #tpu.memory_space<hbm>>
    tpu.enqueue_indirect_dma source(%dma_start3A_38 : memref<10000x64xf32, #tpu.memory_space<hbm>>) target(%arg8 : memref<200x64xf32, #tpu.memory_space<vmem>>) offsets(%dma_start3A_35 : memref<200xi32, #tpu.memory_space<vmem>>) semaphore(%arg15 : memref<!tpu.dma_semaphore, #tpu.memory_space<semaphore_mem>>)
    %dma_start3A_39 = arith.constant 2 : i32
    %dma_start3A_40 = arith.constant 0 : i32
    %dma_start3A_41 = arith.constant 0 : i32
    %dma_start3A_42 = tpu.memref_slice %arg6[%dma_start3A_39, %dma_start3A_40, %dma_start3A_41] : memref<50x2x200xi32, #tpu.memory_space<vmem>> -> memref<1x1x200xi32, #tpu.memory_space<vmem>>
    %dma_start3A_43 = tpu.memref_squeeze %dma_start3A_42 : memref<1x1x200xi32, #tpu.memory_space<vmem>> -> memref<200xi32, #tpu.memory_space<vmem>>
    %dma_start3A_44 = arith.constant 0 : i32
    %dma_start3A_45 = arith.constant 0 : i32
    %dma_start3A_46 = tpu.memref_slice %arg2[%dma_start3A_44, %dma_start3A_45] : memref<10000x64xf32, #tpu.memory_space<hbm>> -> memref<10000x64xf32, #tpu.memory_space<hbm>>
    tpu.enqueue_indirect_dma source(%dma_start3A_46 : memref<10000x64xf32, #tpu.memory_space<hbm>>) target(%arg9 : memref<200x64xf32, #tpu.memory_space<vmem>>) offsets(%dma_start3A_43 : memref<200xi32, #tpu.memory_space<vmem>>) semaphore(%arg16 : memref<!tpu.dma_semaphore, #tpu.memory_space<semaphore_mem>>)
    %dma_start3A_47 = arith.constant 3 : i32
    %dma_start3A_48 = arith.constant 0 : i32
    %dma_start3A_49 = arith.constant 0 : i32
    %dma_start3A_50 = tpu.memref_slice %arg6[%dma_start3A_47, %dma_start3A_48, %dma_start3A_49] : memref<50x2x200xi32, #tpu.memory_space<vmem>> -> memref<1x1x200xi32, #tpu.memory_space<vmem>>
    %dma_start3A_51 = tpu.memref_squeeze %dma_start3A_50 : memref<1x1x200xi32, #tpu.memory_space<vmem>> -> memref<200xi32, #tpu.memory_space<vmem>>
    %dma_start3A_52 = arith.constant 0 : i32
    %dma_start3A_53 = arith.constant 0 : i32
    %dma_start3A_54 = tpu.memref_slice %arg2[%dma_start3A_52, %dma_start3A_53] : memref<10000x64xf32, #tpu.memory_space<hbm>> -> memref<10000x64xf32, #tpu.memory_space<hbm>>
    tpu.enqueue_indirect_dma source(%dma_start3A_54 : memref<10000x64xf32, #tpu.memory_space<hbm>>) target(%arg10 : memref<200x64xf32, #tpu.memory_space<vmem>>) offsets(%dma_start3A_51 : memref<200xi32, #tpu.memory_space<vmem>>) semaphore(%arg17 : memref<!tpu.dma_semaphore, #tpu.memory_space<semaphore_mem>>)
    %dma_start3A_55 = arith.constant 4 : i32
    %dma_start3A_56 = arith.constant 0 : i32
    %dma_start3A_57 = arith.constant 0 : i32
    %dma_start3A_58 = tpu.memref_slice %arg6[%dma_start3A_55, %dma_start3A_56, %dma_start3A_57] : memref<50x2x200xi32, #tpu.memory_space<vmem>> -> memref<1x1x200xi32, #tpu.memory_space<vmem>>
    %dma_start3A_59 = tpu.memref_squeeze %dma_start3A_58 : memref<1x1x200xi32, #tpu.memory_space<vmem>> -> memref<200xi32, #tpu.memory_space<vmem>>
    %dma_start3A_60 = arith.constant 0 : i32
    %dma_start3A_61 = arith.constant 0 : i32
    %dma_start3A_62 = tpu.memref_slice %arg2[%dma_start3A_60, %dma_start3A_61] : memref<10000x64xf32, #tpu.memory_space<hbm>> -> memref<10000x64xf32, #tpu.memory_space<hbm>>
    tpu.enqueue_indirect_dma source(%dma_start3A_62 : memref<10000x64xf32, #tpu.memory_space<hbm>>) target(%arg11 : memref<200x64xf32, #tpu.memory_space<vmem>>) offsets(%dma_start3A_59 : memref<200xi32, #tpu.memory_space<vmem>>) semaphore(%arg18 : memref<!tpu.dma_semaphore, #tpu.memory_space<semaphore_mem>>)
    %scan3A = arith.constant 0 : i32
    %scan3A_63 = arith.constant 0 : i32
    %scan3A_64 = arith.constant 9 : i32
    %scan3A_65 = arith.addi %scan3A_63, %scan3A_64 : i32
    %scan3A_66 = arith.constant 1 : i32
    scf.for %scan3A_123 = %scan3A_63 to %scan3A_65 step %scan3A_66  : i32 {
      %mul3A_124 = arith.constant 5 : i32
      %mul3A_125 = arith.muli %mul3A_124, %scan3A_123 : i32
      %add3A_126 = arith.constant 0 : i32
      %add3A_127 = arith.addi %mul3A_125, %add3A_126 : i32
      %dma_wait3A_128 = arith.constant 0 : i32
      %dma_wait3A_129 = arith.constant 0 : i32
      %dma_wait3A_130 = tpu.memref_slice %arg6[%add3A_127, %dma_wait3A_128, %dma_wait3A_129] : memref<50x2x200xi32, #tpu.memory_space<vmem>> -> memref<1x1x200xi32, #tpu.memory_space<vmem>>
      %dma_wait3A_131 = tpu.memref_squeeze %dma_wait3A_130 : memref<1x1x200xi32, #tpu.memory_space<vmem>> -> memref<200xi32, #tpu.memory_space<vmem>>
      %dma_wait3A_132 = arith.constant 0 : i32
      %dma_wait3A_133 = arith.constant 0 : i32
      %dma_wait3A_134 = tpu.memref_slice %arg2[%dma_wait3A_132, %dma_wait3A_133] : memref<10000x64xf32, #tpu.memory_space<hbm>> -> memref<10000x64xf32, #tpu.memory_space<hbm>>
      tpu.wait_indirect_dma semaphore(%arg14 : memref<!tpu.dma_semaphore, #tpu.memory_space<semaphore_mem>>) src(%dma_wait3A_134 : memref<10000x64xf32, #tpu.memory_space<hbm>>) dst(%arg7 : memref<200x64xf32, #tpu.memory_space<vmem>>)
      %run_scoped3A_135 = arith.constant 1 : i32
      "tpu.region"() ({
        %run_scoped3A_229 = tpu.sem_alloc : memref<!tpu.dma_semaphore, #tpu.memory_space<semaphore_mem>>
        %dma_start3A_230 = arith.constant 0 : i32
        %dma_start3A_231 = tpu.memref_slice %arg6[%add3A_127, %run_scoped3A_135, %dma_start3A_230] : memref<50x2x200xi32, #tpu.memory_space<vmem>> -> memref<1x1x200xi32, #tpu.memory_space<vmem>>
        %dma_start3A_232 = tpu.memref_squeeze %dma_start3A_231 : memref<1x1x200xi32, #tpu.memory_space<vmem>> -> memref<200xi32, #tpu.memory_space<vmem>>
        %dma_start3A_233 = arith.constant 0 : i32
        %dma_start3A_234 = arith.constant 0 : i32
        %dma_start3A_235 = tpu.memref_slice %arg12[%dma_start3A_233, %dma_start3A_234] : memref<10000x64xf32, #tpu.memory_space<vmem_shared>> -> memref<10000x64xf32, #tpu.memory_space<vmem_shared>>
        tpu.enqueue_indirect_dma source(%arg7 : memref<200x64xf32, #tpu.memory_space<vmem>>) target(%dma_start3A_235 : memref<10000x64xf32, #tpu.memory_space<vmem_shared>>) offsets(%dma_start3A_232 : memref<200xi32, #tpu.memory_space<vmem>>) semaphore(%run_scoped3A_229 : memref<!tpu.dma_semaphore, #tpu.memory_space<semaphore_mem>>) {add = true}
        %dma_wait3A_236 = arith.constant 0 : i32
        %dma_wait3A_237 = tpu.memref_slice %arg6[%add3A_127, %run_scoped3A_135, %dma_wait3A_236] : memref<50x2x200xi32, #tpu.memory_space<vmem>> -> memref<1x1x200xi32, #tpu.memory_space<vmem>>
        %dma_wait3A_238 = tpu.memref_squeeze %dma_wait3A_237 : memref<1x1x200xi32, #tpu.memory_space<vmem>> -> memref<200xi32, #tpu.memory_space<vmem>>
        %dma_wait3A_239 = arith.constant 0 : i32
        %dma_wait3A_240 = arith.constant 0 : i32
        %dma_wait3A_241 = tpu.memref_slice %arg12[%dma_wait3A_239, %dma_wait3A_240] : memref<10000x64xf32, #tpu.memory_space<vmem_shared>> -> memref<10000x64xf32, #tpu.memory_space<vmem_shared>>
        tpu.wait_indirect_dma semaphore(%run_scoped3A_229 : memref<!tpu.dma_semaphore, #tpu.memory_space<semaphore_mem>>) src(%arg7 : memref<200x64xf32, #tpu.memory_space<vmem>>) dst(%dma_wait3A_241 : memref<10000x64xf32, #tpu.memory_space<vmem_shared>>)
        tpu.yield
      }) : () -> ()
      %add3A_136 = arith.constant 5 : i32
      %add3A_137 = arith.addi %add3A_127, %add3A_136 : i32
      %dma_start3A_138 = arith.constant 0 : i32
      %dma_start3A_139 = arith.constant 0 : i32
      %dma_start3A_140 = tpu.memref_slice %arg6[%add3A_137, %dma_start3A_138, %dma_start3A_139] : memref<50x2x200xi32, #tpu.memory_space<vmem>> -> memref<1x1x200xi32, #tpu.memory_space<vmem>>
      %dma_start3A_141 = tpu.memref_squeeze %dma_start3A_140 : memref<1x1x200xi32, #tpu.memory_space<vmem>> -> memref<200xi32, #tpu.memory_space<vmem>>
      %dma_start3A_142 = arith.constant 0 : i32
      %dma_start3A_143 = arith.constant 0 : i32
      %dma_start3A_144 = tpu.memref_slice %arg2[%dma_start3A_142, %dma_start3A_143] : memref<10000x64xf32, #tpu.memory_space<hbm>> -> memref<10000x64xf32, #tpu.memory_space<hbm>>
      tpu.enqueue_indirect_dma source(%dma_start3A_144 : memref<10000x64xf32, #tpu.memory_space<hbm>>) target(%arg7 : memref<200x64xf32, #tpu.memory_space<vmem>>) offsets(%dma_start3A_141 : memref<200xi32, #tpu.memory_space<vmem>>) semaphore(%arg14 : memref<!tpu.dma_semaphore, #tpu.memory_space<semaphore_mem>>)
      %mul3A_145 = arith.constant 5 : i32
      %mul3A_146 = arith.muli %mul3A_145, %scan3A_123 : i32
      %add3A_147 = arith.constant 1 : i32
      %add3A_148 = arith.addi %mul3A_146, %add3A_147 : i32
      %dma_wait3A_149 = arith.constant 0 : i32
      %dma_wait3A_150 = arith.constant 0 : i32
      %dma_wait3A_151 = tpu.memref_slice %arg6[%add3A_148, %dma_wait3A_149, %dma_wait3A_150] : memref<50x2x200xi32, #tpu.memory_space<vmem>> -> memref<1x1x200xi32, #tpu.memory_space<vmem>>
      %dma_wait3A_152 = tpu.memref_squeeze %dma_wait3A_151 : memref<1x1x200xi32, #tpu.memory_space<vmem>> -> memref<200xi32, #tpu.memory_space<vmem>>
      %dma_wait3A_153 = arith.constant 0 : i32
      %dma_wait3A_154 = arith.constant 0 : i32
      %dma_wait3A_155 = tpu.memref_slice %arg2[%dma_wait3A_153, %dma_wait3A_154] : memref<10000x64xf32, #tpu.memory_space<hbm>> -> memref<10000x64xf32, #tpu.memory_space<hbm>>
      tpu.wait_indirect_dma semaphore(%arg15 : memref<!tpu.dma_semaphore, #tpu.memory_space<semaphore_mem>>) src(%dma_wait3A_155 : memref<10000x64xf32, #tpu.memory_space<hbm>>) dst(%arg8 : memref<200x64xf32, #tpu.memory_space<vmem>>)
      %run_scoped3A_156 = arith.constant 1 : i32
      "tpu.region"() ({
        %run_scoped3A_229 = tpu.sem_alloc : memref<!tpu.dma_semaphore, #tpu.memory_space<semaphore_mem>>
        %dma_start3A_230 = arith.constant 0 : i32
        %dma_start3A_231 = tpu.memref_slice %arg6[%add3A_148, %run_scoped3A_156, %dma_start3A_230] : memref<50x2x200xi32, #tpu.memory_space<vmem>> -> memref<1x1x200xi32, #tpu.memory_space<vmem>>
        %dma_start3A_232 = tpu.memref_squeeze %dma_start3A_231 : memref<1x1x200xi32, #tpu.memory_space<vmem>> -> memref<200xi32, #tpu.memory_space<vmem>>
        %dma_start3A_233 = arith.constant 0 : i32
        %dma_start3A_234 = arith.constant 0 : i32
        %dma_start3A_235 = tpu.memref_slice %arg12[%dma_start3A_233, %dma_start3A_234] : memref<10000x64xf32, #tpu.memory_space<vmem_shared>> -> memref<10000x64xf32, #tpu.memory_space<vmem_shared>>
        tpu.enqueue_indirect_dma source(%arg8 : memref<200x64xf32, #tpu.memory_space<vmem>>) target(%dma_start3A_235 : memref<10000x64xf32, #tpu.memory_space<vmem_shared>>) offsets(%dma_start3A_232 : memref<200xi32, #tpu.memory_space<vmem>>) semaphore(%run_scoped3A_229 : memref<!tpu.dma_semaphore, #tpu.memory_space<semaphore_mem>>) {add = true}
        %dma_wait3A_236 = arith.constant 0 : i32
        %dma_wait3A_237 = tpu.memref_slice %arg6[%add3A_148, %run_scoped3A_156, %dma_wait3A_236] : memref<50x2x200xi32, #tpu.memory_space<vmem>> -> memref<1x1x200xi32, #tpu.memory_space<vmem>>
        %dma_wait3A_238 = tpu.memref_squeeze %dma_wait3A_237 : memref<1x1x200xi32, #tpu.memory_space<vmem>> -> memref<200xi32, #tpu.memory_space<vmem>>
        %dma_wait3A_239 = arith.constant 0 : i32
        %dma_wait3A_240 = arith.constant 0 : i32
        %dma_wait3A_241 = tpu.memref_slice %arg12[%dma_wait3A_239, %dma_wait3A_240] : memref<10000x64xf32, #tpu.memory_space<vmem_shared>> -> memref<10000x64xf32, #tpu.memory_space<vmem_shared>>
        tpu.wait_indirect_dma semaphore(%run_scoped3A_229 : memref<!tpu.dma_semaphore, #tpu.memory_space<semaphore_mem>>) src(%arg8 : memref<200x64xf32, #tpu.memory_space<vmem>>) dst(%dma_wait3A_241 : memref<10000x64xf32, #tpu.memory_space<vmem_shared>>)
        tpu.yield
      }) : () -> ()
      %add3A_157 = arith.constant 5 : i32
      %add3A_158 = arith.addi %add3A_148, %add3A_157 : i32
      %dma_start3A_159 = arith.constant 0 : i32
      %dma_start3A_160 = arith.constant 0 : i32
      %dma_start3A_161 = tpu.memref_slice %arg6[%add3A_158, %dma_start3A_159, %dma_start3A_160] : memref<50x2x200xi32, #tpu.memory_space<vmem>> -> memref<1x1x200xi32, #tpu.memory_space<vmem>>
      %dma_start3A_162 = tpu.memref_squeeze %dma_start3A_161 : memref<1x1x200xi32, #tpu.memory_space<vmem>> -> memref<200xi32, #tpu.memory_space<vmem>>
      %dma_start3A_163 = arith.constant 0 : i32
      %dma_start3A_164 = arith.constant 0 : i32
      %dma_start3A_165 = tpu.memref_slice %arg2[%dma_start3A_163, %dma_start3A_164] : memref<10000x64xf32, #tpu.memory_space<hbm>> -> memref<10000x64xf32, #tpu.memory_space<hbm>>
      tpu.enqueue_indirect_dma source(%dma_start3A_165 : memref<10000x64xf32, #tpu.memory_space<hbm>>) target(%arg8 : memref<200x64xf32, #tpu.memory_space<vmem>>) offsets(%dma_start3A_162 : memref<200xi32, #tpu.memory_space<vmem>>) semaphore(%arg15 : memref<!tpu.dma_semaphore, #tpu.memory_space<semaphore_mem>>)
      %mul3A_166 = arith.constant 5 : i32
      %mul3A_167 = arith.muli %mul3A_166, %scan3A_123 : i32
      %add3A_168 = arith.constant 2 : i32
      %add3A_169 = arith.addi %mul3A_167, %add3A_168 : i32
      %dma_wait3A_170 = arith.constant 0 : i32
      %dma_wait3A_171 = arith.constant 0 : i32
      %dma_wait3A_172 = tpu.memref_slice %arg6[%add3A_169, %dma_wait3A_170, %dma_wait3A_171] : memref<50x2x200xi32, #tpu.memory_space<vmem>> -> memref<1x1x200xi32, #tpu.memory_space<vmem>>
      %dma_wait3A_173 = tpu.memref_squeeze %dma_wait3A_172 : memref<1x1x200xi32, #tpu.memory_space<vmem>> -> memref<200xi32, #tpu.memory_space<vmem>>
      %dma_wait3A_174 = arith.constant 0 : i32
      %dma_wait3A_175 = arith.constant 0 : i32
      %dma_wait3A_176 = tpu.memref_slice %arg2[%dma_wait3A_174, %dma_wait3A_175] : memref<10000x64xf32, #tpu.memory_space<hbm>> -> memref<10000x64xf32, #tpu.memory_space<hbm>>
      tpu.wait_indirect_dma semaphore(%arg16 : memref<!tpu.dma_semaphore, #tpu.memory_space<semaphore_mem>>) src(%dma_wait3A_176 : memref<10000x64xf32, #tpu.memory_space<hbm>>) dst(%arg9 : memref<200x64xf32, #tpu.memory_space<vmem>>)
      %run_scoped3A_177 = arith.constant 1 : i32
      "tpu.region"() ({
        %run_scoped3A_229 = tpu.sem_alloc : memref<!tpu.dma_semaphore, #tpu.memory_space<semaphore_mem>>
        %dma_start3A_230 = arith.constant 0 : i32
        %dma_start3A_231 = tpu.memref_slice %arg6[%add3A_169, %run_scoped3A_177, %dma_start3A_230] : memref<50x2x200xi32, #tpu.memory_space<vmem>> -> memref<1x1x200xi32, #tpu.memory_space<vmem>>
        %dma_start3A_232 = tpu.memref_squeeze %dma_start3A_231 : memref<1x1x200xi32, #tpu.memory_space<vmem>> -> memref<200xi32, #tpu.memory_space<vmem>>
        %dma_start3A_233 = arith.constant 0 : i32
        %dma_start3A_234 = arith.constant 0 : i32
        %dma_start3A_235 = tpu.memref_slice %arg12[%dma_start3A_233, %dma_start3A_234] : memref<10000x64xf32, #tpu.memory_space<vmem_shared>> -> memref<10000x64xf32, #tpu.memory_space<vmem_shared>>
        tpu.enqueue_indirect_dma source(%arg9 : memref<200x64xf32, #tpu.memory_space<vmem>>) target(%dma_start3A_235 : memref<10000x64xf32, #tpu.memory_space<vmem_shared>>) offsets(%dma_start3A_232 : memref<200xi32, #tpu.memory_space<vmem>>) semaphore(%run_scoped3A_229 : memref<!tpu.dma_semaphore, #tpu.memory_space<semaphore_mem>>) {add = true}
        %dma_wait3A_236 = arith.constant 0 : i32
        %dma_wait3A_237 = tpu.memref_slice %arg6[%add3A_169, %run_scoped3A_177, %dma_wait3A_236] : memref<50x2x200xi32, #tpu.memory_space<vmem>> -> memref<1x1x200xi32, #tpu.memory_space<vmem>>
        %dma_wait3A_238 = tpu.memref_squeeze %dma_wait3A_237 : memref<1x1x200xi32, #tpu.memory_space<vmem>> -> memref<200xi32, #tpu.memory_space<vmem>>
        %dma_wait3A_239 = arith.constant 0 : i32
        %dma_wait3A_240 = arith.constant 0 : i32
        %dma_wait3A_241 = tpu.memref_slice %arg12[%dma_wait3A_239, %dma_wait3A_240] : memref<10000x64xf32, #tpu.memory_space<vmem_shared>> -> memref<10000x64xf32, #tpu.memory_space<vmem_shared>>
        tpu.wait_indirect_dma semaphore(%run_scoped3A_229 : memref<!tpu.dma_semaphore, #tpu.memory_space<semaphore_mem>>) src(%arg9 : memref<200x64xf32, #tpu.memory_space<vmem>>) dst(%dma_wait3A_241 : memref<10000x64xf32, #tpu.memory_space<vmem_shared>>)
        tpu.yield
      }) : () -> ()
      %add3A_178 = arith.constant 5 : i32
      %add3A_179 = arith.addi %add3A_169, %add3A_178 : i32
      %dma_start3A_180 = arith.constant 0 : i32
      %dma_start3A_181 = arith.constant 0 : i32
      %dma_start3A_182 = tpu.memref_slice %arg6[%add3A_179, %dma_start3A_180, %dma_start3A_181] : memref<50x2x200xi32, #tpu.memory_space<vmem>> -> memref<1x1x200xi32, #tpu.memory_space<vmem>>
      %dma_start3A_183 = tpu.memref_squeeze %dma_start3A_182 : memref<1x1x200xi32, #tpu.memory_space<vmem>> -> memref<200xi32, #tpu.memory_space<vmem>>
      %dma_start3A_184 = arith.constant 0 : i32
      %dma_start3A_185 = arith.constant 0 : i32
      %dma_start3A_186 = tpu.memref_slice %arg2[%dma_start3A_184, %dma_start3A_185] : memref<10000x64xf32, #tpu.memory_space<hbm>> -> memref<10000x64xf32, #tpu.memory_space<hbm>>
      tpu.enqueue_indirect_dma source(%dma_start3A_186 : memref<10000x64xf32, #tpu.memory_space<hbm>>) target(%arg9 : memref<200x64xf32, #tpu.memory_space<vmem>>) offsets(%dma_start3A_183 : memref<200xi32, #tpu.memory_space<vmem>>) semaphore(%arg16 : memref<!tpu.dma_semaphore, #tpu.memory_space<semaphore_mem>>)
      %mul3A_187 = arith.constant 5 : i32
      %mul3A_188 = arith.muli %mul3A_187, %scan3A_123 : i32
      %add3A_189 = arith.constant 3 : i32
      %add3A_190 = arith.addi %mul3A_188, %add3A_189 : i32
      %dma_wait3A_191 = arith.constant 0 : i32
      %dma_wait3A_192 = arith.constant 0 : i32
      %dma_wait3A_193 = tpu.memref_slice %arg6[%add3A_190, %dma_wait3A_191, %dma_wait3A_192] : memref<50x2x200xi32, #tpu.memory_space<vmem>> -> memref<1x1x200xi32, #tpu.memory_space<vmem>>
      %dma_wait3A_194 = tpu.memref_squeeze %dma_wait3A_193 : memref<1x1x200xi32, #tpu.memory_space<vmem>> -> memref<200xi32, #tpu.memory_space<vmem>>
      %dma_wait3A_195 = arith.constant 0 : i32
      %dma_wait3A_196 = arith.constant 0 : i32
      %dma_wait3A_197 = tpu.memref_slice %arg2[%dma_wait3A_195, %dma_wait3A_196] : memref<10000x64xf32, #tpu.memory_space<hbm>> -> memref<10000x64xf32, #tpu.memory_space<hbm>>
      tpu.wait_indirect_dma semaphore(%arg17 : memref<!tpu.dma_semaphore, #tpu.memory_space<semaphore_mem>>) src(%dma_wait3A_197 : memref<10000x64xf32, #tpu.memory_space<hbm>>) dst(%arg10 : memref<200x64xf32, #tpu.memory_space<vmem>>)
      %run_scoped3A_198 = arith.constant 1 : i32
      "tpu.region"() ({
        %run_scoped3A_229 = tpu.sem_alloc : memref<!tpu.dma_semaphore, #tpu.memory_space<semaphore_mem>>
        %dma_start3A_230 = arith.constant 0 : i32
        %dma_start3A_231 = tpu.memref_slice %arg6[%add3A_190, %run_scoped3A_198, %dma_start3A_230] : memref<50x2x200xi32, #tpu.memory_space<vmem>> -> memref<1x1x200xi32, #tpu.memory_space<vmem>>
        %dma_start3A_232 = tpu.memref_squeeze %dma_start3A_231 : memref<1x1x200xi32, #tpu.memory_space<vmem>> -> memref<200xi32, #tpu.memory_space<vmem>>
        %dma_start3A_233 = arith.constant 0 : i32
        %dma_start3A_234 = arith.constant 0 : i32
        %dma_start3A_235 = tpu.memref_slice %arg12[%dma_start3A_233, %dma_start3A_234] : memref<10000x64xf32, #tpu.memory_space<vmem_shared>> -> memref<10000x64xf32, #tpu.memory_space<vmem_shared>>
        tpu.enqueue_indirect_dma source(%arg10 : memref<200x64xf32, #tpu.memory_space<vmem>>) target(%dma_start3A_235 : memref<10000x64xf32, #tpu.memory_space<vmem_shared>>) offsets(%dma_start3A_232 : memref<200xi32, #tpu.memory_space<vmem>>) semaphore(%run_scoped3A_229 : memref<!tpu.dma_semaphore, #tpu.memory_space<semaphore_mem>>) {add = true}
        %dma_wait3A_236 = arith.constant 0 : i32
        %dma_wait3A_237 = tpu.memref_slice %arg6[%add3A_190, %run_scoped3A_198, %dma_wait3A_236] : memref<50x2x200xi32, #tpu.memory_space<vmem>> -> memref<1x1x200xi32, #tpu.memory_space<vmem>>
        %dma_wait3A_238 = tpu.memref_squeeze %dma_wait3A_237 : memref<1x1x200xi32, #tpu.memory_space<vmem>> -> memref<200xi32, #tpu.memory_space<vmem>>
        %dma_wait3A_239 = arith.constant 0 : i32
        %dma_wait3A_240 = arith.constant 0 : i32
        %dma_wait3A_241 = tpu.memref_slice %arg12[%dma_wait3A_239, %dma_wait3A_240] : memref<10000x64xf32, #tpu.memory_space<vmem_shared>> -> memref<10000x64xf32, #tpu.memory_space<vmem_shared>>
        tpu.wait_indirect_dma semaphore(%run_scoped3A_229 : memref<!tpu.dma_semaphore, #tpu.memory_space<semaphore_mem>>) src(%arg10 : memref<200x64xf32, #tpu.memory_space<vmem>>) dst(%dma_wait3A_241 : memref<10000x64xf32, #tpu.memory_space<vmem_shared>>)
        tpu.yield
      }) : () -> ()
      %add3A_199 = arith.constant 5 : i32
      %add3A_200 = arith.addi %add3A_190, %add3A_199 : i32
      %dma_start3A_201 = arith.constant 0 : i32
      %dma_start3A_202 = arith.constant 0 : i32
      %dma_start3A_203 = tpu.memref_slice %arg6[%add3A_200, %dma_start3A_201, %dma_start3A_202] : memref<50x2x200xi32, #tpu.memory_space<vmem>> -> memref<1x1x200xi32, #tpu.memory_space<vmem>>
      %dma_start3A_204 = tpu.memref_squeeze %dma_start3A_203 : memref<1x1x200xi32, #tpu.memory_space<vmem>> -> memref<200xi32, #tpu.memory_space<vmem>>
      %dma_start3A_205 = arith.constant 0 : i32
      %dma_start3A_206 = arith.constant 0 : i32
      %dma_start3A_207 = tpu.memref_slice %arg2[%dma_start3A_205, %dma_start3A_206] : memref<10000x64xf32, #tpu.memory_space<hbm>> -> memref<10000x64xf32, #tpu.memory_space<hbm>>
      tpu.enqueue_indirect_dma source(%dma_start3A_207 : memref<10000x64xf32, #tpu.memory_space<hbm>>) target(%arg10 : memref<200x64xf32, #tpu.memory_space<vmem>>) offsets(%dma_start3A_204 : memref<200xi32, #tpu.memory_space<vmem>>) semaphore(%arg17 : memref<!tpu.dma_semaphore, #tpu.memory_space<semaphore_mem>>)
      %mul3A_208 = arith.constant 5 : i32
      %mul3A_209 = arith.muli %mul3A_208, %scan3A_123 : i32
      %add3A_210 = arith.constant 4 : i32
      %add3A_211 = arith.addi %mul3A_209, %add3A_210 : i32
      %dma_wait3A_212 = arith.constant 0 : i32
      %dma_wait3A_213 = arith.constant 0 : i32
      %dma_wait3A_214 = tpu.memref_slice %arg6[%add3A_211, %dma_wait3A_212, %dma_wait3A_213] : memref<50x2x200xi32, #tpu.memory_space<vmem>> -> memref<1x1x200xi32, #tpu.memory_space<vmem>>
      %dma_wait3A_215 = tpu.memref_squeeze %dma_wait3A_214 : memref<1x1x200xi32, #tpu.memory_space<vmem>> -> memref<200xi32, #tpu.memory_space<vmem>>
      %dma_wait3A_216 = arith.constant 0 : i32
      %dma_wait3A_217 = arith.constant 0 : i32
      %dma_wait3A_218 = tpu.memref_slice %arg2[%dma_wait3A_216, %dma_wait3A_217] : memref<10000x64xf32, #tpu.memory_space<hbm>> -> memref<10000x64xf32, #tpu.memory_space<hbm>>
      tpu.wait_indirect_dma semaphore(%arg18 : memref<!tpu.dma_semaphore, #tpu.memory_space<semaphore_mem>>) src(%dma_wait3A_218 : memref<10000x64xf32, #tpu.memory_space<hbm>>) dst(%arg11 : memref<200x64xf32, #tpu.memory_space<vmem>>)
      %run_scoped3A_219 = arith.constant 1 : i32
      "tpu.region"() ({
        %run_scoped3A_229 = tpu.sem_alloc : memref<!tpu.dma_semaphore, #tpu.memory_space<semaphore_mem>>
        %dma_start3A_230 = arith.constant 0 : i32
        %dma_start3A_231 = tpu.memref_slice %arg6[%add3A_211, %run_scoped3A_219, %dma_start3A_230] : memref<50x2x200xi32, #tpu.memory_space<vmem>> -> memref<1x1x200xi32, #tpu.memory_space<vmem>>
        %dma_start3A_232 = tpu.memref_squeeze %dma_start3A_231 : memref<1x1x200xi32, #tpu.memory_space<vmem>> -> memref<200xi32, #tpu.memory_space<vmem>>
        %dma_start3A_233 = arith.constant 0 : i32
        %dma_start3A_234 = arith.constant 0 : i32
        %dma_start3A_235 = tpu.memref_slice %arg12[%dma_start3A_233, %dma_start3A_234] : memref<10000x64xf32, #tpu.memory_space<vmem_shared>> -> memref<10000x64xf32, #tpu.memory_space<vmem_shared>>
        tpu.enqueue_indirect_dma source(%arg11 : memref<200x64xf32, #tpu.memory_space<vmem>>) target(%dma_start3A_235 : memref<10000x64xf32, #tpu.memory_space<vmem_shared>>) offsets(%dma_start3A_232 : memref<200xi32, #tpu.memory_space<vmem>>) semaphore(%run_scoped3A_229 : memref<!tpu.dma_semaphore, #tpu.memory_space<semaphore_mem>>) {add = true}
        %dma_wait3A_236 = arith.constant 0 : i32
        %dma_wait3A_237 = tpu.memref_slice %arg6[%add3A_211, %run_scoped3A_219, %dma_wait3A_236] : memref<50x2x200xi32, #tpu.memory_space<vmem>> -> memref<1x1x200xi32, #tpu.memory_space<vmem>>
        %dma_wait3A_238 = tpu.memref_squeeze %dma_wait3A_237 : memref<1x1x200xi32, #tpu.memory_space<vmem>> -> memref<200xi32, #tpu.memory_space<vmem>>
        %dma_wait3A_239 = arith.constant 0 : i32
        %dma_wait3A_240 = arith.constant 0 : i32
        %dma_wait3A_241 = tpu.memref_slice %arg12[%dma_wait3A_239, %dma_wait3A_240] : memref<10000x64xf32, #tpu.memory_space<vmem_shared>> -> memref<10000x64xf32, #tpu.memory_space<vmem_shared>>
        tpu.wait_indirect_dma semaphore(%run_scoped3A_229 : memref<!tpu.dma_semaphore, #tpu.memory_space<semaphore_mem>>) src(%arg11 : memref<200x64xf32, #tpu.memory_space<vmem>>) dst(%dma_wait3A_241 : memref<10000x64xf32, #tpu.memory_space<vmem_shared>>)
        tpu.yield
      }) : () -> ()
      %add3A_220 = arith.constant 5 : i32
      %add3A_221 = arith.addi %add3A_211, %add3A_220 : i32
      %dma_start3A_222 = arith.constant 0 : i32
      %dma_start3A_223 = arith.constant 0 : i32
      %dma_start3A_224 = tpu.memref_slice %arg6[%add3A_221, %dma_start3A_222, %dma_start3A_223] : memref<50x2x200xi32, #tpu.memory_space<vmem>> -> memref<1x1x200xi32, #tpu.memory_space<vmem>>
      %dma_start3A_225 = tpu.memref_squeeze %dma_start3A_224 : memref<1x1x200xi32, #tpu.memory_space<vmem>> -> memref<200xi32, #tpu.memory_space<vmem>>
      %dma_start3A_226 = arith.constant 0 : i32
      %dma_start3A_227 = arith.constant 0 : i32
      %dma_start3A_228 = tpu.memref_slice %arg2[%dma_start3A_226, %dma_start3A_227] : memref<10000x64xf32, #tpu.memory_space<hbm>> -> memref<10000x64xf32, #tpu.memory_space<hbm>>
      tpu.enqueue_indirect_dma source(%dma_start3A_228 : memref<10000x64xf32, #tpu.memory_space<hbm>>) target(%arg11 : memref<200x64xf32, #tpu.memory_space<vmem>>) offsets(%dma_start3A_225 : memref<200xi32, #tpu.memory_space<vmem>>) semaphore(%arg18 : memref<!tpu.dma_semaphore, #tpu.memory_space<semaphore_mem>>)
    }
    %scan3A_67 = arith.constant 9 : i32
    %dma_wait3A_68 = arith.constant 45 : i32
    %dma_wait3A_69 = arith.constant 0 : i32
    %dma_wait3A_70 = arith.constant 0 : i32
    %dma_wait3A_71 = tpu.memref_slice %arg6[%dma_wait3A_68, %dma_wait3A_69, %dma_wait3A_70] : memref<50x2x200xi32, #tpu.memory_space<vmem>> -> memref<1x1x200xi32, #tpu.memory_space<vmem>>
    %dma_wait3A_72 = tpu.memref_squeeze %dma_wait3A_71 : memref<1x1x200xi32, #tpu.memory_space<vmem>> -> memref<200xi32, #tpu.memory_space<vmem>>
    %dma_wait3A_73 = arith.constant 0 : i32
    %dma_wait3A_74 = arith.constant 0 : i32
    %dma_wait3A_75 = tpu.memref_slice %arg2[%dma_wait3A_73, %dma_wait3A_74] : memref<10000x64xf32, #tpu.memory_space<hbm>> -> memref<10000x64xf32, #tpu.memory_space<hbm>>
    tpu.wait_indirect_dma semaphore(%arg14 : memref<!tpu.dma_semaphore, #tpu.memory_space<semaphore_mem>>) src(%dma_wait3A_75 : memref<10000x64xf32, #tpu.memory_space<hbm>>) dst(%arg7 : memref<200x64xf32, #tpu.memory_space<vmem>>)
    %run_scoped3A = arith.constant 45 : i32
    %run_scoped3A_76 = arith.constant 1 : i32
    "tpu.region"() ({
      %run_scoped3A_123 = tpu.sem_alloc : memref<!tpu.dma_semaphore, #tpu.memory_space<semaphore_mem>>
      %dma_start3A_124 = arith.constant 0 : i32
      %dma_start3A_125 = tpu.memref_slice %arg6[%run_scoped3A, %run_scoped3A_76, %dma_start3A_124] : memref<50x2x200xi32, #tpu.memory_space<vmem>> -> memref<1x1x200xi32, #tpu.memory_space<vmem>>
      %dma_start3A_126 = tpu.memref_squeeze %dma_start3A_125 : memref<1x1x200xi32, #tpu.memory_space<vmem>> -> memref<200xi32, #tpu.memory_space<vmem>>
      %dma_start3A_127 = arith.constant 0 : i32
      %dma_start3A_128 = arith.constant 0 : i32
      %dma_start3A_129 = tpu.memref_slice %arg12[%dma_start3A_127, %dma_start3A_128] : memref<10000x64xf32, #tpu.memory_space<vmem_shared>> -> memref<10000x64xf32, #tpu.memory_space<vmem_shared>>
      tpu.enqueue_indirect_dma source(%arg7 : memref<200x64xf32, #tpu.memory_space<vmem>>) target(%dma_start3A_129 : memref<10000x64xf32, #tpu.memory_space<vmem_shared>>) offsets(%dma_start3A_126 : memref<200xi32, #tpu.memory_space<vmem>>) semaphore(%run_scoped3A_123 : memref<!tpu.dma_semaphore, #tpu.memory_space<semaphore_mem>>) {add = true}
      %dma_wait3A_130 = arith.constant 0 : i32
      %dma_wait3A_131 = tpu.memref_slice %arg6[%run_scoped3A, %run_scoped3A_76, %dma_wait3A_130] : memref<50x2x200xi32, #tpu.memory_space<vmem>> -> memref<1x1x200xi32, #tpu.memory_space<vmem>>
      %dma_wait3A_132 = tpu.memref_squeeze %dma_wait3A_131 : memref<1x1x200xi32, #tpu.memory_space<vmem>> -> memref<200xi32, #tpu.memory_space<vmem>>
      %dma_wait3A_133 = arith.constant 0 : i32
      %dma_wait3A_134 = arith.constant 0 : i32
      %dma_wait3A_135 = tpu.memref_slice %arg12[%dma_wait3A_133, %dma_wait3A_134] : memref<10000x64xf32, #tpu.memory_space<vmem_shared>> -> memref<10000x64xf32, #tpu.memory_space<vmem_shared>>
      tpu.wait_indirect_dma semaphore(%run_scoped3A_123 : memref<!tpu.dma_semaphore, #tpu.memory_space<semaphore_mem>>) src(%arg7 : memref<200x64xf32, #tpu.memory_space<vmem>>) dst(%dma_wait3A_135 : memref<10000x64xf32, #tpu.memory_space<vmem_shared>>)
      tpu.yield
    }) : () -> ()
    %dma_wait3A_77 = arith.constant 46 : i32
    %dma_wait3A_78 = arith.constant 0 : i32
    %dma_wait3A_79 = arith.constant 0 : i32
    %dma_wait3A_80 = tpu.memref_slice %arg6[%dma_wait3A_77, %dma_wait3A_78, %dma_wait3A_79] : memref<50x2x200xi32, #tpu.memory_space<vmem>> -> memref<1x1x200xi32, #tpu.memory_space<vmem>>
    %dma_wait3A_81 = tpu.memref_squeeze %dma_wait3A_80 : memref<1x1x200xi32, #tpu.memory_space<vmem>> -> memref<200xi32, #tpu.memory_space<vmem>>
    %dma_wait3A_82 = arith.constant 0 : i32
    %dma_wait3A_83 = arith.constant 0 : i32
    %dma_wait3A_84 = tpu.memref_slice %arg2[%dma_wait3A_82, %dma_wait3A_83] : memref<10000x64xf32, #tpu.memory_space<hbm>> -> memref<10000x64xf32, #tpu.memory_space<hbm>>
    tpu.wait_indirect_dma semaphore(%arg15 : memref<!tpu.dma_semaphore, #tpu.memory_space<semaphore_mem>>) src(%dma_wait3A_84 : memref<10000x64xf32, #tpu.memory_space<hbm>>) dst(%arg8 : memref<200x64xf32, #tpu.memory_space<vmem>>)
    %run_scoped3A_85 = arith.constant 46 : i32
    %run_scoped3A_86 = arith.constant 1 : i32
    "tpu.region"() ({
      %run_scoped3A_123 = tpu.sem_alloc : memref<!tpu.dma_semaphore, #tpu.memory_space<semaphore_mem>>
      %dma_start3A_124 = arith.constant 0 : i32
      %dma_start3A_125 = tpu.memref_slice %arg6[%run_scoped3A_85, %run_scoped3A_86, %dma_start3A_124] : memref<50x2x200xi32, #tpu.memory_space<vmem>> -> memref<1x1x200xi32, #tpu.memory_space<vmem>>
      %dma_start3A_126 = tpu.memref_squeeze %dma_start3A_125 : memref<1x1x200xi32, #tpu.memory_space<vmem>> -> memref<200xi32, #tpu.memory_space<vmem>>
      %dma_start3A_127 = arith.constant 0 : i32
      %dma_start3A_128 = arith.constant 0 : i32
      %dma_start3A_129 = tpu.memref_slice %arg12[%dma_start3A_127, %dma_start3A_128] : memref<10000x64xf32, #tpu.memory_space<vmem_shared>> -> memref<10000x64xf32, #tpu.memory_space<vmem_shared>>
      tpu.enqueue_indirect_dma source(%arg8 : memref<200x64xf32, #tpu.memory_space<vmem>>) target(%dma_start3A_129 : memref<10000x64xf32, #tpu.memory_space<vmem_shared>>) offsets(%dma_start3A_126 : memref<200xi32, #tpu.memory_space<vmem>>) semaphore(%run_scoped3A_123 : memref<!tpu.dma_semaphore, #tpu.memory_space<semaphore_mem>>) {add = true}
      %dma_wait3A_130 = arith.constant 0 : i32
      %dma_wait3A_131 = tpu.memref_slice %arg6[%run_scoped3A_85, %run_scoped3A_86, %dma_wait3A_130] : memref<50x2x200xi32, #tpu.memory_space<vmem>> -> memref<1x1x200xi32, #tpu.memory_space<vmem>>
      %dma_wait3A_132 = tpu.memref_squeeze %dma_wait3A_131 : memref<1x1x200xi32, #tpu.memory_space<vmem>> -> memref<200xi32, #tpu.memory_space<vmem>>
      %dma_wait3A_133 = arith.constant 0 : i32
      %dma_wait3A_134 = arith.constant 0 : i32
      %dma_wait3A_135 = tpu.memref_slice %arg12[%dma_wait3A_133, %dma_wait3A_134] : memref<10000x64xf32, #tpu.memory_space<vmem_shared>> -> memref<10000x64xf32, #tpu.memory_space<vmem_shared>>
      tpu.wait_indirect_dma semaphore(%run_scoped3A_123 : memref<!tpu.dma_semaphore, #tpu.memory_space<semaphore_mem>>) src(%arg8 : memref<200x64xf32, #tpu.memory_space<vmem>>) dst(%dma_wait3A_135 : memref<10000x64xf32, #tpu.memory_space<vmem_shared>>)
      tpu.yield
    }) : () -> ()
    %dma_wait3A_87 = arith.constant 47 : i32
    %dma_wait3A_88 = arith.constant 0 : i32
    %dma_wait3A_89 = arith.constant 0 : i32
    %dma_wait3A_90 = tpu.memref_slice %arg6[%dma_wait3A_87, %dma_wait3A_88, %dma_wait3A_89] : memref<50x2x200xi32, #tpu.memory_space<vmem>> -> memref<1x1x200xi32, #tpu.memory_space<vmem>>
    %dma_wait3A_91 = tpu.memref_squeeze %dma_wait3A_90 : memref<1x1x200xi32, #tpu.memory_space<vmem>> -> memref<200xi32, #tpu.memory_space<vmem>>
    %dma_wait3A_92 = arith.constant 0 : i32
    %dma_wait3A_93 = arith.constant 0 : i32
    %dma_wait3A_94 = tpu.memref_slice %arg2[%dma_wait3A_92, %dma_wait3A_93] : memref<10000x64xf32, #tpu.memory_space<hbm>> -> memref<10000x64xf32, #tpu.memory_space<hbm>>
    tpu.wait_indirect_dma semaphore(%arg16 : memref<!tpu.dma_semaphore, #tpu.memory_space<semaphore_mem>>) src(%dma_wait3A_94 : memref<10000x64xf32, #tpu.memory_space<hbm>>) dst(%arg9 : memref<200x64xf32, #tpu.memory_space<vmem>>)
    %run_scoped3A_95 = arith.constant 47 : i32
    %run_scoped3A_96 = arith.constant 1 : i32
    "tpu.region"() ({
      %run_scoped3A_123 = tpu.sem_alloc : memref<!tpu.dma_semaphore, #tpu.memory_space<semaphore_mem>>
      %dma_start3A_124 = arith.constant 0 : i32
      %dma_start3A_125 = tpu.memref_slice %arg6[%run_scoped3A_95, %run_scoped3A_96, %dma_start3A_124] : memref<50x2x200xi32, #tpu.memory_space<vmem>> -> memref<1x1x200xi32, #tpu.memory_space<vmem>>
      %dma_start3A_126 = tpu.memref_squeeze %dma_start3A_125 : memref<1x1x200xi32, #tpu.memory_space<vmem>> -> memref<200xi32, #tpu.memory_space<vmem>>
      %dma_start3A_127 = arith.constant 0 : i32
      %dma_start3A_128 = arith.constant 0 : i32
      %dma_start3A_129 = tpu.memref_slice %arg12[%dma_start3A_127, %dma_start3A_128] : memref<10000x64xf32, #tpu.memory_space<vmem_shared>> -> memref<10000x64xf32, #tpu.memory_space<vmem_shared>>
      tpu.enqueue_indirect_dma source(%arg9 : memref<200x64xf32, #tpu.memory_space<vmem>>) target(%dma_start3A_129 : memref<10000x64xf32, #tpu.memory_space<vmem_shared>>) offsets(%dma_start3A_126 : memref<200xi32, #tpu.memory_space<vmem>>) semaphore(%run_scoped3A_123 : memref<!tpu.dma_semaphore, #tpu.memory_space<semaphore_mem>>) {add = true}
      %dma_wait3A_130 = arith.constant 0 : i32
      %dma_wait3A_131 = tpu.memref_slice %arg6[%run_scoped3A_95, %run_scoped3A_96, %dma_wait3A_130] : memref<50x2x200xi32, #tpu.memory_space<vmem>> -> memref<1x1x200xi32, #tpu.memory_space<vmem>>
      %dma_wait3A_132 = tpu.memref_squeeze %dma_wait3A_131 : memref<1x1x200xi32, #tpu.memory_space<vmem>> -> memref<200xi32, #tpu.memory_space<vmem>>
      %dma_wait3A_133 = arith.constant 0 : i32
      %dma_wait3A_134 = arith.constant 0 : i32
      %dma_wait3A_135 = tpu.memref_slice %arg12[%dma_wait3A_133, %dma_wait3A_134] : memref<10000x64xf32, #tpu.memory_space<vmem_shared>> -> memref<10000x64xf32, #tpu.memory_space<vmem_shared>>
      tpu.wait_indirect_dma semaphore(%run_scoped3A_123 : memref<!tpu.dma_semaphore, #tpu.memory_space<semaphore_mem>>) src(%arg9 : memref<200x64xf32, #tpu.memory_space<vmem>>) dst(%dma_wait3A_135 : memref<10000x64xf32, #tpu.memory_space<vmem_shared>>)
      tpu.yield
    }) : () -> ()
    %dma_wait3A_97 = arith.constant 48 : i32
    %dma_wait3A_98 = arith.constant 0 : i32
    %dma_wait3A_99 = arith.constant 0 : i32
    %dma_wait3A_100 = tpu.memref_slice %arg6[%dma_wait3A_97, %dma_wait3A_98, %dma_wait3A_99] : memref<50x2x200xi32, #tpu.memory_space<vmem>> -> memref<1x1x200xi32, #tpu.memory_space<vmem>>
    %dma_wait3A_101 = tpu.memref_squeeze %dma_wait3A_100 : memref<1x1x200xi32, #tpu.memory_space<vmem>> -> memref<200xi32, #tpu.memory_space<vmem>>
    %dma_wait3A_102 = arith.constant 0 : i32
    %dma_wait3A_103 = arith.constant 0 : i32
    %dma_wait3A_104 = tpu.memref_slice %arg2[%dma_wait3A_102, %dma_wait3A_103] : memref<10000x64xf32, #tpu.memory_space<hbm>> -> memref<10000x64xf32, #tpu.memory_space<hbm>>
    tpu.wait_indirect_dma semaphore(%arg17 : memref<!tpu.dma_semaphore, #tpu.memory_space<semaphore_mem>>) src(%dma_wait3A_104 : memref<10000x64xf32, #tpu.memory_space<hbm>>) dst(%arg10 : memref<200x64xf32, #tpu.memory_space<vmem>>)
    %run_scoped3A_105 = arith.constant 48 : i32
    %run_scoped3A_106 = arith.constant 1 : i32
    "tpu.region"() ({
      %run_scoped3A_123 = tpu.sem_alloc : memref<!tpu.dma_semaphore, #tpu.memory_space<semaphore_mem>>
      %dma_start3A_124 = arith.constant 0 : i32
      %dma_start3A_125 = tpu.memref_slice %arg6[%run_scoped3A_105, %run_scoped3A_106, %dma_start3A_124] : memref<50x2x200xi32, #tpu.memory_space<vmem>> -> memref<1x1x200xi32, #tpu.memory_space<vmem>>
      %dma_start3A_126 = tpu.memref_squeeze %dma_start3A_125 : memref<1x1x200xi32, #tpu.memory_space<vmem>> -> memref<200xi32, #tpu.memory_space<vmem>>
      %dma_start3A_127 = arith.constant 0 : i32
      %dma_start3A_128 = arith.constant 0 : i32
      %dma_start3A_129 = tpu.memref_slice %arg12[%dma_start3A_127, %dma_start3A_128] : memref<10000x64xf32, #tpu.memory_space<vmem_shared>> -> memref<10000x64xf32, #tpu.memory_space<vmem_shared>>
      tpu.enqueue_indirect_dma source(%arg10 : memref<200x64xf32, #tpu.memory_space<vmem>>) target(%dma_start3A_129 : memref<10000x64xf32, #tpu.memory_space<vmem_shared>>) offsets(%dma_start3A_126 : memref<200xi32, #tpu.memory_space<vmem>>) semaphore(%run_scoped3A_123 : memref<!tpu.dma_semaphore, #tpu.memory_space<semaphore_mem>>) {add = true}
      %dma_wait3A_130 = arith.constant 0 : i32
      %dma_wait3A_131 = tpu.memref_slice %arg6[%run_scoped3A_105, %run_scoped3A_106, %dma_wait3A_130] : memref<50x2x200xi32, #tpu.memory_space<vmem>> -> memref<1x1x200xi32, #tpu.memory_space<vmem>>
      %dma_wait3A_132 = tpu.memref_squeeze %dma_wait3A_131 : memref<1x1x200xi32, #tpu.memory_space<vmem>> -> memref<200xi32, #tpu.memory_space<vmem>>
      %dma_wait3A_133 = arith.constant 0 : i32
      %dma_wait3A_134 = arith.constant 0 : i32
      %dma_wait3A_135 = tpu.memref_slice %arg12[%dma_wait3A_133, %dma_wait3A_134] : memref<10000x64xf32, #tpu.memory_space<vmem_shared>> -> memref<10000x64xf32, #tpu.memory_space<vmem_shared>>
      tpu.wait_indirect_dma semaphore(%run_scoped3A_123 : memref<!tpu.dma_semaphore, #tpu.memory_space<semaphore_mem>>) src(%arg10 : memref<200x64xf32, #tpu.memory_space<vmem>>) dst(%dma_wait3A_135 : memref<10000x64xf32, #tpu.memory_space<vmem_shared>>)
      tpu.yield
    }) : () -> ()
    %dma_wait3A_107 = arith.constant 49 : i32
    %dma_wait3A_108 = arith.constant 0 : i32
    %dma_wait3A_109 = arith.constant 0 : i32
    %dma_wait3A_110 = tpu.memref_slice %arg6[%dma_wait3A_107, %dma_wait3A_108, %dma_wait3A_109] : memref<50x2x200xi32, #tpu.memory_space<vmem>> -> memref<1x1x200xi32, #tpu.memory_space<vmem>>
    %dma_wait3A_111 = tpu.memref_squeeze %dma_wait3A_110 : memref<1x1x200xi32, #tpu.memory_space<vmem>> -> memref<200xi32, #tpu.memory_space<vmem>>
    %dma_wait3A_112 = arith.constant 0 : i32
    %dma_wait3A_113 = arith.constant 0 : i32
    %dma_wait3A_114 = tpu.memref_slice %arg2[%dma_wait3A_112, %dma_wait3A_113] : memref<10000x64xf32, #tpu.memory_space<hbm>> -> memref<10000x64xf32, #tpu.memory_space<hbm>>
    tpu.wait_indirect_dma semaphore(%arg18 : memref<!tpu.dma_semaphore, #tpu.memory_space<semaphore_mem>>) src(%dma_wait3A_114 : memref<10000x64xf32, #tpu.memory_space<hbm>>) dst(%arg11 : memref<200x64xf32, #tpu.memory_space<vmem>>)
    %run_scoped3A_115 = arith.constant 49 : i32
    %run_scoped3A_116 = arith.constant 1 : i32
    "tpu.region"() ({
      %run_scoped3A_123 = tpu.sem_alloc : memref<!tpu.dma_semaphore, #tpu.memory_space<semaphore_mem>>
      %dma_start3A_124 = arith.constant 0 : i32
      %dma_start3A_125 = tpu.memref_slice %arg6[%run_scoped3A_115, %run_scoped3A_116, %dma_start3A_124] : memref<50x2x200xi32, #tpu.memory_space<vmem>> -> memref<1x1x200xi32, #tpu.memory_space<vmem>>
      %dma_start3A_126 = tpu.memref_squeeze %dma_start3A_125 : memref<1x1x200xi32, #tpu.memory_space<vmem>> -> memref<200xi32, #tpu.memory_space<vmem>>
      %dma_start3A_127 = arith.constant 0 : i32
      %dma_start3A_128 = arith.constant 0 : i32
      %dma_start3A_129 = tpu.memref_slice %arg12[%dma_start3A_127, %dma_start3A_128] : memref<10000x64xf32, #tpu.memory_space<vmem_shared>> -> memref<10000x64xf32, #tpu.memory_space<vmem_shared>>
      tpu.enqueue_indirect_dma source(%arg11 : memref<200x64xf32, #tpu.memory_space<vmem>>) target(%dma_start3A_129 : memref<10000x64xf32, #tpu.memory_space<vmem_shared>>) offsets(%dma_start3A_126 : memref<200xi32, #tpu.memory_space<vmem>>) semaphore(%run_scoped3A_123 : memref<!tpu.dma_semaphore, #tpu.memory_space<semaphore_mem>>) {add = true}
      %dma_wait3A_130 = arith.constant 0 : i32
      %dma_wait3A_131 = tpu.memref_slice %arg6[%run_scoped3A_115, %run_scoped3A_116, %dma_wait3A_130] : memref<50x2x200xi32, #tpu.memory_space<vmem>> -> memref<1x1x200xi32, #tpu.memory_space<vmem>>
      %dma_wait3A_132 = tpu.memref_squeeze %dma_wait3A_131 : memref<1x1x200xi32, #tpu.memory_space<vmem>> -> memref<200xi32, #tpu.memory_space<vmem>>
      %dma_wait3A_133 = arith.constant 0 : i32
      %dma_wait3A_134 = arith.constant 0 : i32
      %dma_wait3A_135 = tpu.memref_slice %arg12[%dma_wait3A_133, %dma_wait3A_134] : memref<10000x64xf32, #tpu.memory_space<vmem_shared>> -> memref<10000x64xf32, #tpu.memory_space<vmem_shared>>
      tpu.wait_indirect_dma semaphore(%run_scoped3A_123 : memref<!tpu.dma_semaphore, #tpu.memory_space<semaphore_mem>>) src(%arg11 : memref<200x64xf32, #tpu.memory_space<vmem>>) dst(%dma_wait3A_135 : memref<10000x64xf32, #tpu.memory_space<vmem_shared>>)
      tpu.yield
    }) : () -> ()
    %barrier3A_117 = arith.constant 0 : index
    tpu.barrier barrier_id(%barrier3A_117)
    "tpu.region"() ({
      %run_scoped3A_123 = tpu.sem_alloc : memref<!tpu.dma_semaphore, #tpu.memory_space<semaphore_mem>>
      %dma_start3A_124 = arith.constant 0 : i32
      %dma_start3A_125 = tpu.memref_slice %arg5[%arg0, %multiple_of3A, %dma_start3A_124] : memref<2x10000x64xf32, #tpu.memory_space<hbm>> -> memref<1x624x64xf32, #tpu.memory_space<hbm>>
      %dma_start3A_126 = tpu.memref_squeeze %dma_start3A_125 : memref<1x624x64xf32, #tpu.memory_space<hbm>> -> memref<624x64xf32, #tpu.memory_space<hbm>>
      %dma_start3A_127 = arith.constant 0 : i32
      %dma_start3A_128 = tpu.memref_slice %arg12[%multiple_of3A, %dma_start3A_127] : memref<10000x64xf32, #tpu.memory_space<vmem_shared>> -> memref<624x64xf32, #tpu.memory_space<vmem_shared>>
      tpu.enqueue_dma source(%dma_start3A_128 : memref<624x64xf32, #tpu.memory_space<vmem_shared>>) target(%dma_start3A_126 : memref<624x64xf32, #tpu.memory_space<hbm>>) target_semaphore(%run_scoped3A_123 : memref<!tpu.dma_semaphore, #tpu.memory_space<semaphore_mem>>)
      %dma_wait3A_129 = arith.constant 0 : i32
      %dma_wait3A_130 = tpu.memref_slice %arg5[%arg0, %multiple_of3A, %dma_wait3A_129] : memref<2x10000x64xf32, #tpu.memory_space<hbm>> -> memref<1x624x64xf32, #tpu.memory_space<hbm>>
      %dma_wait3A_131 = tpu.memref_squeeze %dma_wait3A_130 : memref<1x624x64xf32, #tpu.memory_space<hbm>> -> memref<624x64xf32, #tpu.memory_space<hbm>>
      %dma_wait3A_132 = arith.constant 0 : i32
      %dma_wait3A_133 = tpu.memref_slice %arg12[%multiple_of3A, %dma_wait3A_132] : memref<10000x64xf32, #tpu.memory_space<vmem_shared>> -> memref<624x64xf32, #tpu.memory_space<vmem_shared>>
      tpu.wait_dma2 semaphore(%run_scoped3A_123 : memref<!tpu.dma_semaphore, #tpu.memory_space<semaphore_mem>>) src(%dma_wait3A_133 : memref<624x64xf32, #tpu.memory_space<vmem_shared>>) dst(%dma_wait3A_131 : memref<624x64xf32, #tpu.memory_space<hbm>>)
      tpu.yield
    }) : () -> ()
    %eq3A_118 = arith.constant 0 : i32
    %eq3A_119 = arith.cmpi eq, %arg1, %eq3A_118 : i32
    %convert_element_type3A_120 = arith.extui %eq3A_119 : i1 to i32
    %cond3A_121 = arith.constant 0 : i32
    %cond3A_122 = arith.cmpi ne, %convert_element_type3A_120, %cond3A_121 : i32
    scf.if %cond3A_122 {
      "tpu.region"() ({
        %run_scoped3A_123 = tpu.sem_alloc : memref<!tpu.dma_semaphore, #tpu.memory_space<semaphore_mem>>
        %dma_start3A_124 = arith.constant 9984 : i32
        %dma_start3A_125 = arith.constant 0 : i32
        %dma_start3A_126 = tpu.memref_slice %arg5[%arg0, %dma_start3A_124, %dma_start3A_125] : memref<2x10000x64xf32, #tpu.memory_space<hbm>> -> memref<1x16x64xf32, #tpu.memory_space<hbm>>
        %dma_start3A_127 = tpu.memref_squeeze %dma_start3A_126 : memref<1x16x64xf32, #tpu.memory_space<hbm>> -> memref<16x64xf32, #tpu.memory_space<hbm>>
        %dma_start3A_128 = arith.constant 9984 : i32
        %dma_start3A_129 = arith.constant 0 : i32
        %dma_start3A_130 = tpu.memref_slice %arg12[%dma_start3A_128, %dma_start3A_129] : memref<10000x64xf32, #tpu.memory_space<vmem_shared>> -> memref<16x64xf32, #tpu.memory_space<vmem_shared>>
        tpu.enqueue_dma source(%dma_start3A_130 : memref<16x64xf32, #tpu.memory_space<vmem_shared>>) target(%dma_start3A_127 : memref<16x64xf32, #tpu.memory_space<hbm>>) target_semaphore(%run_scoped3A_123 : memref<!tpu.dma_semaphore, #tpu.memory_space<semaphore_mem>>)
        %dma_wait3A_131 = arith.constant 9984 : i32
        %dma_wait3A_132 = arith.constant 0 : i32
        %dma_wait3A_133 = tpu.memref_slice %arg5[%arg0, %dma_wait3A_131, %dma_wait3A_132] : memref<2x10000x64xf32, #tpu.memory_space<hbm>> -> memref<1x16x64xf32, #tpu.memory_space<hbm>>
        %dma_wait3A_134 = tpu.memref_squeeze %dma_wait3A_133 : memref<1x16x64xf32, #tpu.memory_space<hbm>> -> memref<16x64xf32, #tpu.memory_space<hbm>>
        %dma_wait3A_135 = arith.constant 9984 : i32
        %dma_wait3A_136 = arith.constant 0 : i32
        %dma_wait3A_137 = tpu.memref_slice %arg12[%dma_wait3A_135, %dma_wait3A_136] : memref<10000x64xf32, #tpu.memory_space<vmem_shared>> -> memref<16x64xf32, #tpu.memory_space<vmem_shared>>
        tpu.wait_dma2 semaphore(%run_scoped3A_123 : memref<!tpu.dma_semaphore, #tpu.memory_space<semaphore_mem>>) src(%dma_wait3A_137 : memref<16x64xf32, #tpu.memory_space<vmem_shared>>) dst(%dma_wait3A_134 : memref<16x64xf32, #tpu.memory_space<hbm>>)
        tpu.yield
      }) : () -> ()
    } else {
    }
    return
  }
}

#map = affine_map<(d0, d1) -> (0, 0, 0, 0)>
#map1 = affine_map<(d0, d1) -> (0, 0)>
#map2 = affine_map<(d0, d1) -> (0, 0, 0)>
module attributes {stable_mosaic.version = 14 : i64} {
  func.func @body(%arg0: i32, %arg1: i32, %arg2: memref<32x50x2x200xi32, #tpu.memory_space<hbm>>, %arg3: memref<10000x8xf32, #tpu.memory_space<hbm>>, %arg4: memref<200x8xf32, #tpu.memory_space<hbm>>, %arg5: memref<2x10000x8xf32, #tpu.memory_space<hbm>>, %arg6: memref<50x2x200xi32, #tpu.memory_space<vmem>>, %arg7: memref<200x8xf32, #tpu.memory_space<vmem>>, %arg8: memref<10000x8xf32, #tpu.memory_space<vmem_shared>>, %arg9: memref<!tpu.dma_semaphore, #tpu.memory_space<semaphore_mem>>) attributes {dimension_semantics = [#tpu.dimension_semantics<core_parallel>, #tpu.dimension_semantics<subcore_parallel>], iteration_bounds = array<i64: 2, 16>, scalar_prefetch = 0 : i64, scratch_operands = 4 : i64, tpu.core_type = #tpu.core_type<sc_vector_subcore>, window_params = [{transform_indices = #map}, {transform_indices = #map1}, {transform_indices = #map1}, {transform_indices = #map2}]} {
    %mul3A = arith.constant 2 : i32
    %mul3A_0 = arith.muli %arg1, %mul3A : i32
    %add3A = arith.addi %mul3A_0, %arg0 : i32
    %mul3A_1 = arith.constant 624 : i32
    %mul3A_2 = arith.muli %arg1, %mul3A_1 : i32
    %multiple_of3A = tpu.assume_multiple %mul3A_2, 8 : i32
    %dma_start3A = arith.constant 0 : i32
    %dma_start3A_3 = arith.constant 0 : i32
    %dma_start3A_4 = arith.constant 0 : i32
    %dma_start3A_5 = tpu.memref_slice %arg2[%add3A, %dma_start3A, %dma_start3A_3, %dma_start3A_4] : memref<32x50x2x200xi32, #tpu.memory_space<hbm>> -> memref<1x50x2x200xi32, #tpu.memory_space<hbm>>
    %dma_start3A_6 = tpu.memref_squeeze %dma_start3A_5 : memref<1x50x2x200xi32, #tpu.memory_space<hbm>> -> memref<50x2x200xi32, #tpu.memory_space<hbm>>
    %dma_start3A_7 = arith.constant 0 : i32
    %dma_start3A_8 = arith.constant 0 : i32
    %dma_start3A_9 = arith.constant 0 : i32
    %dma_start3A_10 = tpu.memref_slice %arg2[%add3A, %dma_start3A_7, %dma_start3A_8, %dma_start3A_9] : memref<32x50x2x200xi32, #tpu.memory_space<hbm>> -> memref<1x50x2x200xi32, #tpu.memory_space<hbm>>
    %dma_start3A_11 = tpu.memref_squeeze %dma_start3A_10 : memref<1x50x2x200xi32, #tpu.memory_space<hbm>> -> memref<50x2x200xi32, #tpu.memory_space<hbm>>
    tpu.enqueue_dma source(%dma_start3A_11 : memref<50x2x200xi32, #tpu.memory_space<hbm>>) target(%arg6 : memref<50x2x200xi32, #tpu.memory_space<vmem>>) target_semaphore(%arg9 : memref<!tpu.dma_semaphore, #tpu.memory_space<semaphore_mem>>)
    "tpu.region"() ({
      %run_scoped3A = tpu.sem_alloc : memref<!tpu.dma_semaphore, #tpu.memory_space<semaphore_mem>>
      %dma_start3A_34 = arith.constant 0 : i32
      %dma_start3A_35 = tpu.memref_slice %arg8[%multiple_of3A, %dma_start3A_34] : memref<10000x8xf32, #tpu.memory_space<vmem_shared>> -> memref<624x8xf32, #tpu.memory_space<vmem_shared>>
      %dma_start3A_36 = arith.constant 0 : i32
      %dma_start3A_37 = tpu.memref_slice %arg3[%multiple_of3A, %dma_start3A_36] : memref<10000x8xf32, #tpu.memory_space<hbm>> -> memref<624x8xf32, #tpu.memory_space<hbm>>
      tpu.enqueue_dma source(%dma_start3A_37 : memref<624x8xf32, #tpu.memory_space<hbm>>) target(%dma_start3A_35 : memref<624x8xf32, #tpu.memory_space<vmem_shared>>) target_semaphore(%run_scoped3A : memref<!tpu.dma_semaphore, #tpu.memory_space<semaphore_mem>>)
      %dma_wait3A_38 = arith.constant 0 : i32
      %dma_wait3A_39 = tpu.memref_slice %arg8[%multiple_of3A, %dma_wait3A_38] : memref<10000x8xf32, #tpu.memory_space<vmem_shared>> -> memref<624x8xf32, #tpu.memory_space<vmem_shared>>
      %dma_wait3A_40 = arith.constant 0 : i32
      %dma_wait3A_41 = tpu.memref_slice %arg3[%multiple_of3A, %dma_wait3A_40] : memref<10000x8xf32, #tpu.memory_space<hbm>> -> memref<624x8xf32, #tpu.memory_space<hbm>>
      tpu.wait_dma2 semaphore(%run_scoped3A : memref<!tpu.dma_semaphore, #tpu.memory_space<semaphore_mem>>) src(%dma_wait3A_41 : memref<624x8xf32, #tpu.memory_space<hbm>>) dst(%dma_wait3A_39 : memref<624x8xf32, #tpu.memory_space<vmem_shared>>)
      tpu.yield
    }) : () -> ()
    "tpu.region"() ({
      %run_scoped3A = tpu.sem_alloc : memref<!tpu.dma_semaphore, #tpu.memory_space<semaphore_mem>>
      tpu.enqueue_dma source(%arg4 : memref<200x8xf32, #tpu.memory_space<hbm>>) target(%arg7 : memref<200x8xf32, #tpu.memory_space<vmem>>) target_semaphore(%run_scoped3A : memref<!tpu.dma_semaphore, #tpu.memory_space<semaphore_mem>>)
      tpu.wait_dma2 semaphore(%run_scoped3A : memref<!tpu.dma_semaphore, #tpu.memory_space<semaphore_mem>>) src(%arg4 : memref<200x8xf32, #tpu.memory_space<hbm>>) dst(%arg7 : memref<200x8xf32, #tpu.memory_space<vmem>>)
      tpu.yield
    }) : () -> ()
    %eq3A = arith.constant 0 : i32
    %eq3A_12 = arith.cmpi eq, %arg1, %eq3A : i32
    %convert_element_type3A = arith.extui %eq3A_12 : i1 to i32
    %cond3A = arith.constant 0 : i32
    %cond3A_13 = arith.cmpi ne, %convert_element_type3A, %cond3A : i32
    scf.if %cond3A_13 {
      "tpu.region"() ({
        %run_scoped3A = tpu.sem_alloc : memref<!tpu.dma_semaphore, #tpu.memory_space<semaphore_mem>>
        %dma_start3A_34 = arith.constant 9984 : i32
        %dma_start3A_35 = arith.constant 0 : i32
        %dma_start3A_36 = tpu.memref_slice %arg8[%dma_start3A_34, %dma_start3A_35] : memref<10000x8xf32, #tpu.memory_space<vmem_shared>> -> memref<16x8xf32, #tpu.memory_space<vmem_shared>>
        %dma_start3A_37 = arith.constant 9984 : i32
        %dma_start3A_38 = arith.constant 0 : i32
        %dma_start3A_39 = tpu.memref_slice %arg3[%dma_start3A_37, %dma_start3A_38] : memref<10000x8xf32, #tpu.memory_space<hbm>> -> memref<16x8xf32, #tpu.memory_space<hbm>>
        tpu.enqueue_dma source(%dma_start3A_39 : memref<16x8xf32, #tpu.memory_space<hbm>>) target(%dma_start3A_36 : memref<16x8xf32, #tpu.memory_space<vmem_shared>>) target_semaphore(%run_scoped3A : memref<!tpu.dma_semaphore, #tpu.memory_space<semaphore_mem>>)
        %dma_wait3A_40 = arith.constant 9984 : i32
        %dma_wait3A_41 = arith.constant 0 : i32
        %dma_wait3A_42 = tpu.memref_slice %arg8[%dma_wait3A_40, %dma_wait3A_41] : memref<10000x8xf32, #tpu.memory_space<vmem_shared>> -> memref<16x8xf32, #tpu.memory_space<vmem_shared>>
        %dma_wait3A_43 = arith.constant 9984 : i32
        %dma_wait3A_44 = arith.constant 0 : i32
        %dma_wait3A_45 = tpu.memref_slice %arg3[%dma_wait3A_43, %dma_wait3A_44] : memref<10000x8xf32, #tpu.memory_space<hbm>> -> memref<16x8xf32, #tpu.memory_space<hbm>>
        tpu.wait_dma2 semaphore(%run_scoped3A : memref<!tpu.dma_semaphore, #tpu.memory_space<semaphore_mem>>) src(%dma_wait3A_45 : memref<16x8xf32, #tpu.memory_space<hbm>>) dst(%dma_wait3A_42 : memref<16x8xf32, #tpu.memory_space<vmem_shared>>)
        tpu.yield
      }) : () -> ()
    } else {
    }
    %dma_wait3A = arith.constant 0 : i32
    %dma_wait3A_14 = arith.constant 0 : i32
    %dma_wait3A_15 = arith.constant 0 : i32
    %dma_wait3A_16 = tpu.memref_slice %arg2[%add3A, %dma_wait3A, %dma_wait3A_14, %dma_wait3A_15] : memref<32x50x2x200xi32, #tpu.memory_space<hbm>> -> memref<1x50x2x200xi32, #tpu.memory_space<hbm>>
    %dma_wait3A_17 = tpu.memref_squeeze %dma_wait3A_16 : memref<1x50x2x200xi32, #tpu.memory_space<hbm>> -> memref<50x2x200xi32, #tpu.memory_space<hbm>>
    %dma_wait3A_18 = arith.constant 0 : i32
    %dma_wait3A_19 = arith.constant 0 : i32
    %dma_wait3A_20 = arith.constant 0 : i32
    %dma_wait3A_21 = tpu.memref_slice %arg2[%add3A, %dma_wait3A_18, %dma_wait3A_19, %dma_wait3A_20] : memref<32x50x2x200xi32, #tpu.memory_space<hbm>> -> memref<1x50x2x200xi32, #tpu.memory_space<hbm>>
    %dma_wait3A_22 = tpu.memref_squeeze %dma_wait3A_21 : memref<1x50x2x200xi32, #tpu.memory_space<hbm>> -> memref<50x2x200xi32, #tpu.memory_space<hbm>>
    tpu.wait_dma2 semaphore(%arg9 : memref<!tpu.dma_semaphore, #tpu.memory_space<semaphore_mem>>) src(%dma_wait3A_22 : memref<50x2x200xi32, #tpu.memory_space<hbm>>) dst(%arg6 : memref<50x2x200xi32, #tpu.memory_space<vmem>>)
    %barrier3A = arith.constant 0 : index
    tpu.barrier barrier_id(%barrier3A)
    %scan3A = arith.constant 0 : i32
    %scan3A_23 = arith.constant 0 : i32
    %scan3A_24 = arith.constant 50 : i32
    %scan3A_25 = arith.addi %scan3A_23, %scan3A_24 : i32
    %scan3A_26 = arith.constant 1 : i32
    scf.for %scan3A_34 = %scan3A_23 to %scan3A_25 step %scan3A_26  : i32 {
      %run_scoped3A = arith.constant 1 : i32
      "tpu.region"() ({
        %run_scoped3A_35 = tpu.sem_alloc : memref<!tpu.dma_semaphore, #tpu.memory_space<semaphore_mem>>
        %dma_start3A_36 = arith.constant 0 : i32
        %dma_start3A_37 = tpu.memref_slice %arg6[%scan3A_34, %run_scoped3A, %dma_start3A_36] : memref<50x2x200xi32, #tpu.memory_space<vmem>> -> memref<1x1x200xi32, #tpu.memory_space<vmem>>
        %dma_start3A_38 = tpu.memref_squeeze %dma_start3A_37 : memref<1x1x200xi32, #tpu.memory_space<vmem>> -> memref<200xi32, #tpu.memory_space<vmem>>
        %dma_start3A_39 = arith.constant 0 : i32
        %dma_start3A_40 = arith.constant 0 : i32
        %dma_start3A_41 = tpu.memref_slice %arg8[%dma_start3A_39, %dma_start3A_40] : memref<10000x8xf32, #tpu.memory_space<vmem_shared>> -> memref<10000x8xf32, #tpu.memory_space<vmem_shared>>
        tpu.enqueue_indirect_dma source(%arg7 : memref<200x8xf32, #tpu.memory_space<vmem>>) target(%dma_start3A_41 : memref<10000x8xf32, #tpu.memory_space<vmem_shared>>) offsets(%dma_start3A_38 : memref<200xi32, #tpu.memory_space<vmem>>) semaphore(%run_scoped3A_35 : memref<!tpu.dma_semaphore, #tpu.memory_space<semaphore_mem>>) {add = true}
        %dma_wait3A_42 = arith.constant 0 : i32
        %dma_wait3A_43 = tpu.memref_slice %arg6[%scan3A_34, %run_scoped3A, %dma_wait3A_42] : memref<50x2x200xi32, #tpu.memory_space<vmem>> -> memref<1x1x200xi32, #tpu.memory_space<vmem>>
        %dma_wait3A_44 = tpu.memref_squeeze %dma_wait3A_43 : memref<1x1x200xi32, #tpu.memory_space<vmem>> -> memref<200xi32, #tpu.memory_space<vmem>>
        %dma_wait3A_45 = arith.constant 0 : i32
        %dma_wait3A_46 = arith.constant 0 : i32
        %dma_wait3A_47 = tpu.memref_slice %arg8[%dma_wait3A_45, %dma_wait3A_46] : memref<10000x8xf32, #tpu.memory_space<vmem_shared>> -> memref<10000x8xf32, #tpu.memory_space<vmem_shared>>
        tpu.wait_indirect_dma semaphore(%run_scoped3A_35 : memref<!tpu.dma_semaphore, #tpu.memory_space<semaphore_mem>>) src(%arg7 : memref<200x8xf32, #tpu.memory_space<vmem>>) dst(%dma_wait3A_47 : memref<10000x8xf32, #tpu.memory_space<vmem_shared>>)
        tpu.yield
      }) : () -> ()
    }
    %scan3A_27 = arith.constant 50 : i32
    %barrier3A_28 = arith.constant 0 : index
    tpu.barrier barrier_id(%barrier3A_28)
    "tpu.region"() ({
      %run_scoped3A = tpu.sem_alloc : memref<!tpu.dma_semaphore, #tpu.memory_space<semaphore_mem>>
      %dma_start3A_34 = arith.constant 0 : i32
      %dma_start3A_35 = tpu.memref_slice %arg5[%arg0, %multiple_of3A, %dma_start3A_34] : memref<2x10000x8xf32, #tpu.memory_space<hbm>> -> memref<1x624x8xf32, #tpu.memory_space<hbm>>
      %dma_start3A_36 = tpu.memref_squeeze %dma_start3A_35 : memref<1x624x8xf32, #tpu.memory_space<hbm>> -> memref<624x8xf32, #tpu.memory_space<hbm>>
      %dma_start3A_37 = arith.constant 0 : i32
      %dma_start3A_38 = tpu.memref_slice %arg8[%multiple_of3A, %dma_start3A_37] : memref<10000x8xf32, #tpu.memory_space<vmem_shared>> -> memref<624x8xf32, #tpu.memory_space<vmem_shared>>
      tpu.enqueue_dma source(%dma_start3A_38 : memref<624x8xf32, #tpu.memory_space<vmem_shared>>) target(%dma_start3A_36 : memref<624x8xf32, #tpu.memory_space<hbm>>) target_semaphore(%run_scoped3A : memref<!tpu.dma_semaphore, #tpu.memory_space<semaphore_mem>>)
      %dma_wait3A_39 = arith.constant 0 : i32
      %dma_wait3A_40 = tpu.memref_slice %arg5[%arg0, %multiple_of3A, %dma_wait3A_39] : memref<2x10000x8xf32, #tpu.memory_space<hbm>> -> memref<1x624x8xf32, #tpu.memory_space<hbm>>
      %dma_wait3A_41 = tpu.memref_squeeze %dma_wait3A_40 : memref<1x624x8xf32, #tpu.memory_space<hbm>> -> memref<624x8xf32, #tpu.memory_space<hbm>>
      %dma_wait3A_42 = arith.constant 0 : i32
      %dma_wait3A_43 = tpu.memref_slice %arg8[%multiple_of3A, %dma_wait3A_42] : memref<10000x8xf32, #tpu.memory_space<vmem_shared>> -> memref<624x8xf32, #tpu.memory_space<vmem_shared>>
      tpu.wait_dma2 semaphore(%run_scoped3A : memref<!tpu.dma_semaphore, #tpu.memory_space<semaphore_mem>>) src(%dma_wait3A_43 : memref<624x8xf32, #tpu.memory_space<vmem_shared>>) dst(%dma_wait3A_41 : memref<624x8xf32, #tpu.memory_space<hbm>>)
      tpu.yield
    }) : () -> ()
    %eq3A_29 = arith.constant 0 : i32
    %eq3A_30 = arith.cmpi eq, %arg1, %eq3A_29 : i32
    %convert_element_type3A_31 = arith.extui %eq3A_30 : i1 to i32
    %cond3A_32 = arith.constant 0 : i32
    %cond3A_33 = arith.cmpi ne, %convert_element_type3A_31, %cond3A_32 : i32
    scf.if %cond3A_33 {
      "tpu.region"() ({
        %run_scoped3A = tpu.sem_alloc : memref<!tpu.dma_semaphore, #tpu.memory_space<semaphore_mem>>
        %dma_start3A_34 = arith.constant 9984 : i32
        %dma_start3A_35 = arith.constant 0 : i32
        %dma_start3A_36 = tpu.memref_slice %arg5[%arg0, %dma_start3A_34, %dma_start3A_35] : memref<2x10000x8xf32, #tpu.memory_space<hbm>> -> memref<1x16x8xf32, #tpu.memory_space<hbm>>
        %dma_start3A_37 = tpu.memref_squeeze %dma_start3A_36 : memref<1x16x8xf32, #tpu.memory_space<hbm>> -> memref<16x8xf32, #tpu.memory_space<hbm>>
        %dma_start3A_38 = arith.constant 9984 : i32
        %dma_start3A_39 = arith.constant 0 : i32
        %dma_start3A_40 = tpu.memref_slice %arg8[%dma_start3A_38, %dma_start3A_39] : memref<10000x8xf32, #tpu.memory_space<vmem_shared>> -> memref<16x8xf32, #tpu.memory_space<vmem_shared>>
        tpu.enqueue_dma source(%dma_start3A_40 : memref<16x8xf32, #tpu.memory_space<vmem_shared>>) target(%dma_start3A_37 : memref<16x8xf32, #tpu.memory_space<hbm>>) target_semaphore(%run_scoped3A : memref<!tpu.dma_semaphore, #tpu.memory_space<semaphore_mem>>)
        %dma_wait3A_41 = arith.constant 9984 : i32
        %dma_wait3A_42 = arith.constant 0 : i32
        %dma_wait3A_43 = tpu.memref_slice %arg5[%arg0, %dma_wait3A_41, %dma_wait3A_42] : memref<2x10000x8xf32, #tpu.memory_space<hbm>> -> memref<1x16x8xf32, #tpu.memory_space<hbm>>
        %dma_wait3A_44 = tpu.memref_squeeze %dma_wait3A_43 : memref<1x16x8xf32, #tpu.memory_space<hbm>> -> memref<16x8xf32, #tpu.memory_space<hbm>>
        %dma_wait3A_45 = arith.constant 9984 : i32
        %dma_wait3A_46 = arith.constant 0 : i32
        %dma_wait3A_47 = tpu.memref_slice %arg8[%dma_wait3A_45, %dma_wait3A_46] : memref<10000x8xf32, #tpu.memory_space<vmem_shared>> -> memref<16x8xf32, #tpu.memory_space<vmem_shared>>
        tpu.wait_dma2 semaphore(%run_scoped3A : memref<!tpu.dma_semaphore, #tpu.memory_space<semaphore_mem>>) src(%dma_wait3A_47 : memref<16x8xf32, #tpu.memory_space<vmem_shared>>) dst(%dma_wait3A_44 : memref<16x8xf32, #tpu.memory_space<hbm>>)
        tpu.yield
      }) : () -> ()
    } else {
    }
    return
  }
}

#map = affine_map<(d0, d1) -> (0, 0)>
#map1 = affine_map<(d0, d1) -> (0, 0, 0, 0)>
#map2 = affine_map<(d0, d1) -> (0, 0, 0)>
module attributes {stable_mosaic.version = 14 : i64} {
  func.func @body(%arg0: i32, %arg1: i32, %arg2: memref<10000x64xf32, #tpu.memory_space<hbm>>, %arg3: memref<32x50x2x200xi32, #tpu.memory_space<hbm>>, %arg4: memref<10000x64xf32, #tpu.memory_space<hbm>>, %arg5: memref<2x10000x64xf32, #tpu.memory_space<hbm>>, %arg6: memref<50x2x200xi32, #tpu.memory_space<vmem>>, %arg7: memref<200x64xf32, #tpu.memory_space<vmem>>, %arg8: memref<200x64xf32, #tpu.memory_space<vmem>>, %arg9: memref<200x64xf32, #tpu.memory_space<vmem>>, %arg10: memref<200x64xf32, #tpu.memory_space<vmem>>, %arg11: memref<200x64xf32, #tpu.memory_space<vmem>>, %arg12: memref<10000x64xf32, #tpu.memory_space<vmem_shared>>, %arg13: memref<!tpu.dma_semaphore, #tpu.memory_space<semaphore_mem>>, %arg14: memref<!tpu.dma_semaphore, #tpu.memory_space<semaphore_mem>>, %arg15: memref<!tpu.dma_semaphore, #tpu.memory_space<semaphore_mem>>, %arg16: memref<!tpu.dma_semaphore, #tpu.memory_space<semaphore_mem>>, %arg17: memref<!tpu.dma_semaphore, #tpu.memory_space<semaphore_mem>>, %arg18: memref<!tpu.dma_semaphore, #tpu.memory_space<semaphore_mem>>) attributes {dimension_semantics = [#tpu.dimension_semantics<core_parallel>, #tpu.dimension_semantics<subcore_parallel>], iteration_bounds = array<i64: 2, 16>, scalar_prefetch = 0 : i64, scratch_operands = 13 : i64, tpu.core_type = #tpu.core_type<sc_vector_subcore>, window_params = [{transform_indices = #map}, {transform_indices = #map1}, {transform_indices = #map}, {transform_indices = #map2}]} {
    %mul3A = arith.constant 2 : i32
    %mul3A_0 = arith.muli %arg1, %mul3A : i32
    %add3A = arith.addi %mul3A_0, %arg0 : i32
    %mul3A_1 = arith.constant 624 : i32
    %mul3A_2 = arith.muli %arg1, %mul3A_1 : i32
    %multiple_of3A = tpu.assume_multiple %mul3A_2, 8 : i32
    %dma_start3A = arith.constant 0 : i32
    %dma_start3A_3 = arith.constant 0 : i32
    %dma_start3A_4 = arith.constant 0 : i32
    %dma_start3A_5 = tpu.memref_slice %arg3[%add3A, %dma_start3A, %dma_start3A_3, %dma_start3A_4] : memref<32x50x2x200xi32, #tpu.memory_space<hbm>> -> memref<1x50x2x200xi32, #tpu.memory_space<hbm>>
    %dma_start3A_6 = tpu.memref_squeeze %dma_start3A_5 : memref<1x50x2x200xi32, #tpu.memory_space<hbm>> -> memref<50x2x200xi32, #tpu.memory_space<hbm>>
    %dma_start3A_7 = arith.constant 0 : i32
    %dma_start3A_8 = arith.constant 0 : i32
    %dma_start3A_9 = arith.constant 0 : i32
    %dma_start3A_10 = tpu.memref_slice %arg3[%add3A, %dma_start3A_7, %dma_start3A_8, %dma_start3A_9] : memref<32x50x2x200xi32, #tpu.memory_space<hbm>> -> memref<1x50x2x200xi32, #tpu.memory_space<hbm>>
    %dma_start3A_11 = tpu.memref_squeeze %dma_start3A_10 : memref<1x50x2x200xi32, #tpu.memory_space<hbm>> -> memref<50x2x200xi32, #tpu.memory_space<hbm>>
    tpu.enqueue_dma source(%dma_start3A_11 : memref<50x2x200xi32, #tpu.memory_space<hbm>>) target(%arg6 : memref<50x2x200xi32, #tpu.memory_space<vmem>>) target_semaphore(%arg13 : memref<!tpu.dma_semaphore, #tpu.memory_space<semaphore_mem>>)
    "tpu.region"() ({
      %run_scoped3A_123 = tpu.sem_alloc : memref<!tpu.dma_semaphore, #tpu.memory_space<semaphore_mem>>
      %dma_start3A_124 = arith.constant 0 : i32
      %dma_start3A_125 = tpu.memref_slice %arg12[%multiple_of3A, %dma_start3A_124] : memref<10000x64xf32, #tpu.memory_space<vmem_shared>> -> memref<624x64xf32, #tpu.memory_space<vmem_shared>>
      %dma_start3A_126 = arith.constant 0 : i32
      %dma_start3A_127 = tpu.memref_slice %arg4[%multiple_of3A, %dma_start3A_126] : memref<10000x64xf32, #tpu.memory_space<hbm>> -> memref<624x64xf32, #tpu.memory_space<hbm>>
      tpu.enqueue_dma source(%dma_start3A_127 : memref<624x64xf32, #tpu.memory_space<hbm>>) target(%dma_start3A_125 : memref<624x64xf32, #tpu.memory_space<vmem_shared>>) target_semaphore(%run_scoped3A_123 : memref<!tpu.dma_semaphore, #tpu.memory_space<semaphore_mem>>)
      %dma_wait3A_128 = arith.constant 0 : i32
      %dma_wait3A_129 = tpu.memref_slice %arg12[%multiple_of3A, %dma_wait3A_128] : memref<10000x64xf32, #tpu.memory_space<vmem_shared>> -> memref<624x64xf32, #tpu.memory_space<vmem_shared>>
      %dma_wait3A_130 = arith.constant 0 : i32
      %dma_wait3A_131 = tpu.memref_slice %arg4[%multiple_of3A, %dma_wait3A_130] : memref<10000x64xf32, #tpu.memory_space<hbm>> -> memref<624x64xf32, #tpu.memory_space<hbm>>
      tpu.wait_dma2 semaphore(%run_scoped3A_123 : memref<!tpu.dma_semaphore, #tpu.memory_space<semaphore_mem>>) src(%dma_wait3A_131 : memref<624x64xf32, #tpu.memory_space<hbm>>) dst(%dma_wait3A_129 : memref<624x64xf32, #tpu.memory_space<vmem_shared>>)
      tpu.yield
    }) : () -> ()
    %eq3A = arith.constant 0 : i32
    %eq3A_12 = arith.cmpi eq, %arg1, %eq3A : i32
    %convert_element_type3A = arith.extui %eq3A_12 : i1 to i32
    %cond3A = arith.constant 0 : i32
    %cond3A_13 = arith.cmpi ne, %convert_element_type3A, %cond3A : i32
    scf.if %cond3A_13 {
      "tpu.region"() ({
        %run_scoped3A_123 = tpu.sem_alloc : memref<!tpu.dma_semaphore, #tpu.memory_space<semaphore_mem>>
        %dma_start3A_124 = arith.constant 9984 : i32
        %dma_start3A_125 = arith.constant 0 : i32
        %dma_start3A_126 = tpu.memref_slice %arg12[%dma_start3A_124, %dma_start3A_125] : memref<10000x64xf32, #tpu.memory_space<vmem_shared>> -> memref<16x64xf32, #tpu.memory_space<vmem_shared>>
        %dma_start3A_127 = arith.constant 9984 : i32
        %dma_start3A_128 = arith.constant 0 : i32
        %dma_start3A_129 = tpu.memref_slice %arg4[%dma_start3A_127, %dma_start3A_128] : memref<10000x64xf32, #tpu.memory_space<hbm>> -> memref<16x64xf32, #tpu.memory_space<hbm>>
        tpu.enqueue_dma source(%dma_start3A_129 : memref<16x64xf32, #tpu.memory_space<hbm>>) target(%dma_start3A_126 : memref<16x64xf32, #tpu.memory_space<vmem_shared>>) target_semaphore(%run_scoped3A_123 : memref<!tpu.dma_semaphore, #tpu.memory_space<semaphore_mem>>)
        %dma_wait3A_130 = arith.constant 9984 : i32
        %dma_wait3A_131 = arith.constant 0 : i32
        %dma_wait3A_132 = tpu.memref_slice %arg12[%dma_wait3A_130, %dma_wait3A_131] : memref<10000x64xf32, #tpu.memory_space<vmem_shared>> -> memref<16x64xf32, #tpu.memory_space<vmem_shared>>
        %dma_wait3A_133 = arith.constant 9984 : i32
        %dma_wait3A_134 = arith.constant 0 : i32
        %dma_wait3A_135 = tpu.memref_slice %arg4[%dma_wait3A_133, %dma_wait3A_134] : memref<10000x64xf32, #tpu.memory_space<hbm>> -> memref<16x64xf32, #tpu.memory_space<hbm>>
        tpu.wait_dma2 semaphore(%run_scoped3A_123 : memref<!tpu.dma_semaphore, #tpu.memory_space<semaphore_mem>>) src(%dma_wait3A_135 : memref<16x64xf32, #tpu.memory_space<hbm>>) dst(%dma_wait3A_132 : memref<16x64xf32, #tpu.memory_space<vmem_shared>>)
        tpu.yield
      }) : () -> ()
    } else {
    }
    %dma_wait3A = arith.constant 0 : i32
    %dma_wait3A_14 = arith.constant 0 : i32
    %dma_wait3A_15 = arith.constant 0 : i32
    %dma_wait3A_16 = tpu.memref_slice %arg3[%add3A, %dma_wait3A, %dma_wait3A_14, %dma_wait3A_15] : memref<32x50x2x200xi32, #tpu.memory_space<hbm>> -> memref<1x50x2x200xi32, #tpu.memory_space<hbm>>
    %dma_wait3A_17 = tpu.memref_squeeze %dma_wait3A_16 : memref<1x50x2x200xi32, #tpu.memory_space<hbm>> -> memref<50x2x200xi32, #tpu.memory_space<hbm>>
    %dma_wait3A_18 = arith.constant 0 : i32
    %dma_wait3A_19 = arith.constant 0 : i32
    %dma_wait3A_20 = arith.constant 0 : i32
    %dma_wait3A_21 = tpu.memref_slice %arg3[%add3A, %dma_wait3A_18, %dma_wait3A_19, %dma_wait3A_20] : memref<32x50x2x200xi32, #tpu.memory_space<hbm>> -> memref<1x50x2x200xi32, #tpu.memory_space<hbm>>
    %dma_wait3A_22 = tpu.memref_squeeze %dma_wait3A_21 : memref<1x50x2x200xi32, #tpu.memory_space<hbm>> -> memref<50x2x200xi32, #tpu.memory_space<hbm>>
    tpu.wait_dma2 semaphore(%arg13 : memref<!tpu.dma_semaphore, #tpu.memory_space<semaphore_mem>>) src(%dma_wait3A_22 : memref<50x2x200xi32, #tpu.memory_space<hbm>>) dst(%arg6 : memref<50x2x200xi32, #tpu.memory_space<vmem>>)
    %barrier3A = arith.constant 0 : index
    tpu.barrier barrier_id(%barrier3A)
    %dma_start3A_23 = arith.constant 0 : i32
    %dma_start3A_24 = arith.constant 0 : i32
    %dma_start3A_25 = arith.constant 0 : i32
    %dma_start3A_26 = tpu.memref_slice %arg6[%dma_start3A_23, %dma_start3A_24, %dma_start3A_25] : memref<50x2x200xi32, #tpu.memory_space<vmem>> -> memref<1x1x200xi32, #tpu.memory_space<vmem>>
    %dma_start3A_27 = tpu.memref_squeeze %dma_start3A_26 : memref<1x1x200xi32, #tpu.memory_space<vmem>> -> memref<200xi32, #tpu.memory_space<vmem>>
    %dma_start3A_28 = arith.constant 0 : i32
    %dma_start3A_29 = arith.constant 0 : i32
    %dma_start3A_30 = tpu.memref_slice %arg2[%dma_start3A_28, %dma_start3A_29] : memref<10000x64xf32, #tpu.memory_space<hbm>> -> memref<10000x64xf32, #tpu.memory_space<hbm>>
    tpu.enqueue_indirect_dma source(%dma_start3A_30 : memref<10000x64xf32, #tpu.memory_space<hbm>>) target(%arg7 : memref<200x64xf32, #tpu.memory_space<vmem>>) offsets(%dma_start3A_27 : memref<200xi32, #tpu.memory_space<vmem>>) semaphore(%arg14 : memref<!tpu.dma_semaphore, #tpu.memory_space<semaphore_mem>>)
    %dma_start3A_31 = arith.constant 1 : i32
    %dma_start3A_32 = arith.constant 0 : i32
    %dma_start3A_33 = arith.constant 0 : i32
    %dma_start3A_34 = tpu.memref_slice %arg6[%dma_start3A_31, %dma_start3A_32, %dma_start3A_33] : memref<50x2x200xi32, #tpu.memory_space<vmem>> -> memref<1x1x200xi32, #tpu.memory_space<vmem>>
    %dma_start3A_35 = tpu.memref_squeeze %dma_start3A_34 : memref<1x1x200xi32, #tpu.memory_space<vmem>> -> memref<200xi32, #tpu.memory_space<vmem>>
    %dma_start3A_36 = arith.constant 0 : i32
    %dma_start3A_37 = arith.constant 0 : i32
    %dma_start3A_38 = tpu.memref_slice %arg2[%dma_start3A_36, %dma_start3A_37] : memref<10000x64xf32, #tpu.memory_space<hbm>> -> memref<10000x64xf32, #tpu.memory_space<hbm>>
    tpu.enqueue_indirect_dma source(%dma_start3A_38 : memref<10000x64xf32, #tpu.memory_space<hbm>>) target(%arg8 : memref<200x64xf32, #tpu.memory_space<vmem>>) offsets(%dma_start3A_35 : memref<200xi32, #tpu.memory_space<vmem>>) semaphore(%arg15 : memref<!tpu.dma_semaphore, #tpu.memory_space<semaphore_mem>>)
    %dma_start3A_39 = arith.constant 2 : i32
    %dma_start3A_40 = arith.constant 0 : i32
    %dma_start3A_41 = arith.constant 0 : i32
    %dma_start3A_42 = tpu.memref_slice %arg6[%dma_start3A_39, %dma_start3A_40, %dma_start3A_41] : memref<50x2x200xi32, #tpu.memory_space<vmem>> -> memref<1x1x200xi32, #tpu.memory_space<vmem>>
    %dma_start3A_43 = tpu.memref_squeeze %dma_start3A_42 : memref<1x1x200xi32, #tpu.memory_space<vmem>> -> memref<200xi32, #tpu.memory_space<vmem>>
    %dma_start3A_44 = arith.constant 0 : i32
    %dma_start3A_45 = arith.constant 0 : i32
    %dma_start3A_46 = tpu.memref_slice %arg2[%dma_start3A_44, %dma_start3A_45] : memref<10000x64xf32, #tpu.memory_space<hbm>> -> memref<10000x64xf32, #tpu.memory_space<hbm>>
    tpu.enqueue_indirect_dma source(%dma_start3A_46 : memref<10000x64xf32, #tpu.memory_space<hbm>>) target(%arg9 : memref<200x64xf32, #tpu.memory_space<vmem>>) offsets(%dma_start3A_43 : memref<200xi32, #tpu.memory_space<vmem>>) semaphore(%arg16 : memref<!tpu.dma_semaphore, #tpu.memory_space<semaphore_mem>>)
    %dma_start3A_47 = arith.constant 3 : i32
    %dma_start3A_48 = arith.constant 0 : i32
    %dma_start3A_49 = arith.constant 0 : i32
    %dma_start3A_50 = tpu.memref_slice %arg6[%dma_start3A_47, %dma_start3A_48, %dma_start3A_49] : memref<50x2x200xi32, #tpu.memory_space<vmem>> -> memref<1x1x200xi32, #tpu.memory_space<vmem>>
    %dma_start3A_51 = tpu.memref_squeeze %dma_start3A_50 : memref<1x1x200xi32, #tpu.memory_space<vmem>> -> memref<200xi32, #tpu.memory_space<vmem>>
    %dma_start3A_52 = arith.constant 0 : i32
    %dma_start3A_53 = arith.constant 0 : i32
    %dma_start3A_54 = tpu.memref_slice %arg2[%dma_start3A_52, %dma_start3A_53] : memref<10000x64xf32, #tpu.memory_space<hbm>> -> memref<10000x64xf32, #tpu.memory_space<hbm>>
    tpu.enqueue_indirect_dma source(%dma_start3A_54 : memref<10000x64xf32, #tpu.memory_space<hbm>>) target(%arg10 : memref<200x64xf32, #tpu.memory_space<vmem>>) offsets(%dma_start3A_51 : memref<200xi32, #tpu.memory_space<vmem>>) semaphore(%arg17 : memref<!tpu.dma_semaphore, #tpu.memory_space<semaphore_mem>>)
    %dma_start3A_55 = arith.constant 4 : i32
    %dma_start3A_56 = arith.constant 0 : i32
    %dma_start3A_57 = arith.constant 0 : i32
    %dma_start3A_58 = tpu.memref_slice %arg6[%dma_start3A_55, %dma_start3A_56, %dma_start3A_57] : memref<50x2x200xi32, #tpu.memory_space<vmem>> -> memref<1x1x200xi32, #tpu.memory_space<vmem>>
    %dma_start3A_59 = tpu.memref_squeeze %dma_start3A_58 : memref<1x1x200xi32, #tpu.memory_space<vmem>> -> memref<200xi32, #tpu.memory_space<vmem>>
    %dma_start3A_60 = arith.constant 0 : i32
    %dma_start3A_61 = arith.constant 0 : i32
    %dma_start3A_62 = tpu.memref_slice %arg2[%dma_start3A_60, %dma_start3A_61] : memref<10000x64xf32, #tpu.memory_space<hbm>> -> memref<10000x64xf32, #tpu.memory_space<hbm>>
    tpu.enqueue_indirect_dma source(%dma_start3A_62 : memref<10000x64xf32, #tpu.memory_space<hbm>>) target(%arg11 : memref<200x64xf32, #tpu.memory_space<vmem>>) offsets(%dma_start3A_59 : memref<200xi32, #tpu.memory_space<vmem>>) semaphore(%arg18 : memref<!tpu.dma_semaphore, #tpu.memory_space<semaphore_mem>>)
    %scan3A = arith.constant 0 : i32
    %scan3A_63 = arith.constant 0 : i32
    %scan3A_64 = arith.constant 9 : i32
    %scan3A_65 = arith.addi %scan3A_63, %scan3A_64 : i32
    %scan3A_66 = arith.constant 1 : i32
    scf.for %scan3A_123 = %scan3A_63 to %scan3A_65 step %scan3A_66  : i32 {
      %mul3A_124 = arith.constant 5 : i32
      %mul3A_125 = arith.muli %mul3A_124, %scan3A_123 : i32
      %add3A_126 = arith.constant 0 : i32
      %add3A_127 = arith.addi %mul3A_125, %add3A_126 : i32
      %dma_wait3A_128 = arith.constant 0 : i32
      %dma_wait3A_129 = arith.constant 0 : i32
      %dma_wait3A_130 = tpu.memref_slice %arg6[%add3A_127, %dma_wait3A_128, %dma_wait3A_129] : memref<50x2x200xi32, #tpu.memory_space<vmem>> -> memref<1x1x200xi32, #tpu.memory_space<vmem>>
      %dma_wait3A_131 = tpu.memref_squeeze %dma_wait3A_130 : memref<1x1x200xi32, #tpu.memory_space<vmem>> -> memref<200xi32, #tpu.memory_space<vmem>>
      %dma_wait3A_132 = arith.constant 0 : i32
      %dma_wait3A_133 = arith.constant 0 : i32
      %dma_wait3A_134 = tpu.memref_slice %arg2[%dma_wait3A_132, %dma_wait3A_133] : memref<10000x64xf32, #tpu.memory_space<hbm>> -> memref<10000x64xf32, #tpu.memory_space<hbm>>
      tpu.wait_indirect_dma semaphore(%arg14 : memref<!tpu.dma_semaphore, #tpu.memory_space<semaphore_mem>>) src(%dma_wait3A_134 : memref<10000x64xf32, #tpu.memory_space<hbm>>) dst(%arg7 : memref<200x64xf32, #tpu.memory_space<vmem>>)
      %run_scoped3A_135 = arith.constant 1 : i32
      "tpu.region"() ({
        %run_scoped3A_229 = tpu.sem_alloc : memref<!tpu.dma_semaphore, #tpu.memory_space<semaphore_mem>>
        %dma_start3A_230 = arith.constant 0 : i32
        %dma_start3A_231 = tpu.memref_slice %arg6[%add3A_127, %run_scoped3A_135, %dma_start3A_230] : memref<50x2x200xi32, #tpu.memory_space<vmem>> -> memref<1x1x200xi32, #tpu.memory_space<vmem>>
        %dma_start3A_232 = tpu.memref_squeeze %dma_start3A_231 : memref<1x1x200xi32, #tpu.memory_space<vmem>> -> memref<200xi32, #tpu.memory_space<vmem>>
        %dma_start3A_233 = arith.constant 0 : i32
        %dma_start3A_234 = arith.constant 0 : i32
        %dma_start3A_235 = tpu.memref_slice %arg12[%dma_start3A_233, %dma_start3A_234] : memref<10000x64xf32, #tpu.memory_space<vmem_shared>> -> memref<10000x64xf32, #tpu.memory_space<vmem_shared>>
        tpu.enqueue_indirect_dma source(%arg7 : memref<200x64xf32, #tpu.memory_space<vmem>>) target(%dma_start3A_235 : memref<10000x64xf32, #tpu.memory_space<vmem_shared>>) offsets(%dma_start3A_232 : memref<200xi32, #tpu.memory_space<vmem>>) semaphore(%run_scoped3A_229 : memref<!tpu.dma_semaphore, #tpu.memory_space<semaphore_mem>>) {add = true}
        %dma_wait3A_236 = arith.constant 0 : i32
        %dma_wait3A_237 = tpu.memref_slice %arg6[%add3A_127, %run_scoped3A_135, %dma_wait3A_236] : memref<50x2x200xi32, #tpu.memory_space<vmem>> -> memref<1x1x200xi32, #tpu.memory_space<vmem>>
        %dma_wait3A_238 = tpu.memref_squeeze %dma_wait3A_237 : memref<1x1x200xi32, #tpu.memory_space<vmem>> -> memref<200xi32, #tpu.memory_space<vmem>>
        %dma_wait3A_239 = arith.constant 0 : i32
        %dma_wait3A_240 = arith.constant 0 : i32
        %dma_wait3A_241 = tpu.memref_slice %arg12[%dma_wait3A_239, %dma_wait3A_240] : memref<10000x64xf32, #tpu.memory_space<vmem_shared>> -> memref<10000x64xf32, #tpu.memory_space<vmem_shared>>
        tpu.wait_indirect_dma semaphore(%run_scoped3A_229 : memref<!tpu.dma_semaphore, #tpu.memory_space<semaphore_mem>>) src(%arg7 : memref<200x64xf32, #tpu.memory_space<vmem>>) dst(%dma_wait3A_241 : memref<10000x64xf32, #tpu.memory_space<vmem_shared>>)
        tpu.yield
      }) : () -> ()
      %add3A_136 = arith.constant 5 : i32
      %add3A_137 = arith.addi %add3A_127, %add3A_136 : i32
      %dma_start3A_138 = arith.constant 0 : i32
      %dma_start3A_139 = arith.constant 0 : i32
      %dma_start3A_140 = tpu.memref_slice %arg6[%add3A_137, %dma_start3A_138, %dma_start3A_139] : memref<50x2x200xi32, #tpu.memory_space<vmem>> -> memref<1x1x200xi32, #tpu.memory_space<vmem>>
      %dma_start3A_141 = tpu.memref_squeeze %dma_start3A_140 : memref<1x1x200xi32, #tpu.memory_space<vmem>> -> memref<200xi32, #tpu.memory_space<vmem>>
      %dma_start3A_142 = arith.constant 0 : i32
      %dma_start3A_143 = arith.constant 0 : i32
      %dma_start3A_144 = tpu.memref_slice %arg2[%dma_start3A_142, %dma_start3A_143] : memref<10000x64xf32, #tpu.memory_space<hbm>> -> memref<10000x64xf32, #tpu.memory_space<hbm>>
      tpu.enqueue_indirect_dma source(%dma_start3A_144 : memref<10000x64xf32, #tpu.memory_space<hbm>>) target(%arg7 : memref<200x64xf32, #tpu.memory_space<vmem>>) offsets(%dma_start3A_141 : memref<200xi32, #tpu.memory_space<vmem>>) semaphore(%arg14 : memref<!tpu.dma_semaphore, #tpu.memory_space<semaphore_mem>>)
      %mul3A_145 = arith.constant 5 : i32
      %mul3A_146 = arith.muli %mul3A_145, %scan3A_123 : i32
      %add3A_147 = arith.constant 1 : i32
      %add3A_148 = arith.addi %mul3A_146, %add3A_147 : i32
      %dma_wait3A_149 = arith.constant 0 : i32
      %dma_wait3A_150 = arith.constant 0 : i32
      %dma_wait3A_151 = tpu.memref_slice %arg6[%add3A_148, %dma_wait3A_149, %dma_wait3A_150] : memref<50x2x200xi32, #tpu.memory_space<vmem>> -> memref<1x1x200xi32, #tpu.memory_space<vmem>>
      %dma_wait3A_152 = tpu.memref_squeeze %dma_wait3A_151 : memref<1x1x200xi32, #tpu.memory_space<vmem>> -> memref<200xi32, #tpu.memory_space<vmem>>
      %dma_wait3A_153 = arith.constant 0 : i32
      %dma_wait3A_154 = arith.constant 0 : i32
      %dma_wait3A_155 = tpu.memref_slice %arg2[%dma_wait3A_153, %dma_wait3A_154] : memref<10000x64xf32, #tpu.memory_space<hbm>> -> memref<10000x64xf32, #tpu.memory_space<hbm>>
      tpu.wait_indirect_dma semaphore(%arg15 : memref<!tpu.dma_semaphore, #tpu.memory_space<semaphore_mem>>) src(%dma_wait3A_155 : memref<10000x64xf32, #tpu.memory_space<hbm>>) dst(%arg8 : memref<200x64xf32, #tpu.memory_space<vmem>>)
      %run_scoped3A_156 = arith.constant 1 : i32
      "tpu.region"() ({
        %run_scoped3A_229 = tpu.sem_alloc : memref<!tpu.dma_semaphore, #tpu.memory_space<semaphore_mem>>
        %dma_start3A_230 = arith.constant 0 : i32
        %dma_start3A_231 = tpu.memref_slice %arg6[%add3A_148, %run_scoped3A_156, %dma_start3A_230] : memref<50x2x200xi32, #tpu.memory_space<vmem>> -> memref<1x1x200xi32, #tpu.memory_space<vmem>>
        %dma_start3A_232 = tpu.memref_squeeze %dma_start3A_231 : memref<1x1x200xi32, #tpu.memory_space<vmem>> -> memref<200xi32, #tpu.memory_space<vmem>>
        %dma_start3A_233 = arith.constant 0 : i32
        %dma_start3A_234 = arith.constant 0 : i32
        %dma_start3A_235 = tpu.memref_slice %arg12[%dma_start3A_233, %dma_start3A_234] : memref<10000x64xf32, #tpu.memory_space<vmem_shared>> -> memref<10000x64xf32, #tpu.memory_space<vmem_shared>>
        tpu.enqueue_indirect_dma source(%arg8 : memref<200x64xf32, #tpu.memory_space<vmem>>) target(%dma_start3A_235 : memref<10000x64xf32, #tpu.memory_space<vmem_shared>>) offsets(%dma_start3A_232 : memref<200xi32, #tpu.memory_space<vmem>>) semaphore(%run_scoped3A_229 : memref<!tpu.dma_semaphore, #tpu.memory_space<semaphore_mem>>) {add = true}
        %dma_wait3A_236 = arith.constant 0 : i32
        %dma_wait3A_237 = tpu.memref_slice %arg6[%add3A_148, %run_scoped3A_156, %dma_wait3A_236] : memref<50x2x200xi32, #tpu.memory_space<vmem>> -> memref<1x1x200xi32, #tpu.memory_space<vmem>>
        %dma_wait3A_238 = tpu.memref_squeeze %dma_wait3A_237 : memref<1x1x200xi32, #tpu.memory_space<vmem>> -> memref<200xi32, #tpu.memory_space<vmem>>
        %dma_wait3A_239 = arith.constant 0 : i32
        %dma_wait3A_240 = arith.constant 0 : i32
        %dma_wait3A_241 = tpu.memref_slice %arg12[%dma_wait3A_239, %dma_wait3A_240] : memref<10000x64xf32, #tpu.memory_space<vmem_shared>> -> memref<10000x64xf32, #tpu.memory_space<vmem_shared>>
        tpu.wait_indirect_dma semaphore(%run_scoped3A_229 : memref<!tpu.dma_semaphore, #tpu.memory_space<semaphore_mem>>) src(%arg8 : memref<200x64xf32, #tpu.memory_space<vmem>>) dst(%dma_wait3A_241 : memref<10000x64xf32, #tpu.memory_space<vmem_shared>>)
        tpu.yield
      }) : () -> ()
      %add3A_157 = arith.constant 5 : i32
      %add3A_158 = arith.addi %add3A_148, %add3A_157 : i32
      %dma_start3A_159 = arith.constant 0 : i32
      %dma_start3A_160 = arith.constant 0 : i32
      %dma_start3A_161 = tpu.memref_slice %arg6[%add3A_158, %dma_start3A_159, %dma_start3A_160] : memref<50x2x200xi32, #tpu.memory_space<vmem>> -> memref<1x1x200xi32, #tpu.memory_space<vmem>>
      %dma_start3A_162 = tpu.memref_squeeze %dma_start3A_161 : memref<1x1x200xi32, #tpu.memory_space<vmem>> -> memref<200xi32, #tpu.memory_space<vmem>>
      %dma_start3A_163 = arith.constant 0 : i32
      %dma_start3A_164 = arith.constant 0 : i32
      %dma_start3A_165 = tpu.memref_slice %arg2[%dma_start3A_163, %dma_start3A_164] : memref<10000x64xf32, #tpu.memory_space<hbm>> -> memref<10000x64xf32, #tpu.memory_space<hbm>>
      tpu.enqueue_indirect_dma source(%dma_start3A_165 : memref<10000x64xf32, #tpu.memory_space<hbm>>) target(%arg8 : memref<200x64xf32, #tpu.memory_space<vmem>>) offsets(%dma_start3A_162 : memref<200xi32, #tpu.memory_space<vmem>>) semaphore(%arg15 : memref<!tpu.dma_semaphore, #tpu.memory_space<semaphore_mem>>)
      %mul3A_166 = arith.constant 5 : i32
      %mul3A_167 = arith.muli %mul3A_166, %scan3A_123 : i32
      %add3A_168 = arith.constant 2 : i32
      %add3A_169 = arith.addi %mul3A_167, %add3A_168 : i32
      %dma_wait3A_170 = arith.constant 0 : i32
      %dma_wait3A_171 = arith.constant 0 : i32
      %dma_wait3A_172 = tpu.memref_slice %arg6[%add3A_169, %dma_wait3A_170, %dma_wait3A_171] : memref<50x2x200xi32, #tpu.memory_space<vmem>> -> memref<1x1x200xi32, #tpu.memory_space<vmem>>
      %dma_wait3A_173 = tpu.memref_squeeze %dma_wait3A_172 : memref<1x1x200xi32, #tpu.memory_space<vmem>> -> memref<200xi32, #tpu.memory_space<vmem>>
      %dma_wait3A_174 = arith.constant 0 : i32
      %dma_wait3A_175 = arith.constant 0 : i32
      %dma_wait3A_176 = tpu.memref_slice %arg2[%dma_wait3A_174, %dma_wait3A_175] : memref<10000x64xf32, #tpu.memory_space<hbm>> -> memref<10000x64xf32, #tpu.memory_space<hbm>>
      tpu.wait_indirect_dma semaphore(%arg16 : memref<!tpu.dma_semaphore, #tpu.memory_space<semaphore_mem>>) src(%dma_wait3A_176 : memref<10000x64xf32, #tpu.memory_space<hbm>>) dst(%arg9 : memref<200x64xf32, #tpu.memory_space<vmem>>)
      %run_scoped3A_177 = arith.constant 1 : i32
      "tpu.region"() ({
        %run_scoped3A_229 = tpu.sem_alloc : memref<!tpu.dma_semaphore, #tpu.memory_space<semaphore_mem>>
        %dma_start3A_230 = arith.constant 0 : i32
        %dma_start3A_231 = tpu.memref_slice %arg6[%add3A_169, %run_scoped3A_177, %dma_start3A_230] : memref<50x2x200xi32, #tpu.memory_space<vmem>> -> memref<1x1x200xi32, #tpu.memory_space<vmem>>
        %dma_start3A_232 = tpu.memref_squeeze %dma_start3A_231 : memref<1x1x200xi32, #tpu.memory_space<vmem>> -> memref<200xi32, #tpu.memory_space<vmem>>
        %dma_start3A_233 = arith.constant 0 : i32
        %dma_start3A_234 = arith.constant 0 : i32
        %dma_start3A_235 = tpu.memref_slice %arg12[%dma_start3A_233, %dma_start3A_234] : memref<10000x64xf32, #tpu.memory_space<vmem_shared>> -> memref<10000x64xf32, #tpu.memory_space<vmem_shared>>
        tpu.enqueue_indirect_dma source(%arg9 : memref<200x64xf32, #tpu.memory_space<vmem>>) target(%dma_start3A_235 : memref<10000x64xf32, #tpu.memory_space<vmem_shared>>) offsets(%dma_start3A_232 : memref<200xi32, #tpu.memory_space<vmem>>) semaphore(%run_scoped3A_229 : memref<!tpu.dma_semaphore, #tpu.memory_space<semaphore_mem>>) {add = true}
        %dma_wait3A_236 = arith.constant 0 : i32
        %dma_wait3A_237 = tpu.memref_slice %arg6[%add3A_169, %run_scoped3A_177, %dma_wait3A_236] : memref<50x2x200xi32, #tpu.memory_space<vmem>> -> memref<1x1x200xi32, #tpu.memory_space<vmem>>
        %dma_wait3A_238 = tpu.memref_squeeze %dma_wait3A_237 : memref<1x1x200xi32, #tpu.memory_space<vmem>> -> memref<200xi32, #tpu.memory_space<vmem>>
        %dma_wait3A_239 = arith.constant 0 : i32
        %dma_wait3A_240 = arith.constant 0 : i32
        %dma_wait3A_241 = tpu.memref_slice %arg12[%dma_wait3A_239, %dma_wait3A_240] : memref<10000x64xf32, #tpu.memory_space<vmem_shared>> -> memref<10000x64xf32, #tpu.memory_space<vmem_shared>>
        tpu.wait_indirect_dma semaphore(%run_scoped3A_229 : memref<!tpu.dma_semaphore, #tpu.memory_space<semaphore_mem>>) src(%arg9 : memref<200x64xf32, #tpu.memory_space<vmem>>) dst(%dma_wait3A_241 : memref<10000x64xf32, #tpu.memory_space<vmem_shared>>)
        tpu.yield
      }) : () -> ()
      %add3A_178 = arith.constant 5 : i32
      %add3A_179 = arith.addi %add3A_169, %add3A_178 : i32
      %dma_start3A_180 = arith.constant 0 : i32
      %dma_start3A_181 = arith.constant 0 : i32
      %dma_start3A_182 = tpu.memref_slice %arg6[%add3A_179, %dma_start3A_180, %dma_start3A_181] : memref<50x2x200xi32, #tpu.memory_space<vmem>> -> memref<1x1x200xi32, #tpu.memory_space<vmem>>
      %dma_start3A_183 = tpu.memref_squeeze %dma_start3A_182 : memref<1x1x200xi32, #tpu.memory_space<vmem>> -> memref<200xi32, #tpu.memory_space<vmem>>
      %dma_start3A_184 = arith.constant 0 : i32
      %dma_start3A_185 = arith.constant 0 : i32
      %dma_start3A_186 = tpu.memref_slice %arg2[%dma_start3A_184, %dma_start3A_185] : memref<10000x64xf32, #tpu.memory_space<hbm>> -> memref<10000x64xf32, #tpu.memory_space<hbm>>
      tpu.enqueue_indirect_dma source(%dma_start3A_186 : memref<10000x64xf32, #tpu.memory_space<hbm>>) target(%arg9 : memref<200x64xf32, #tpu.memory_space<vmem>>) offsets(%dma_start3A_183 : memref<200xi32, #tpu.memory_space<vmem>>) semaphore(%arg16 : memref<!tpu.dma_semaphore, #tpu.memory_space<semaphore_mem>>)
      %mul3A_187 = arith.constant 5 : i32
      %mul3A_188 = arith.muli %mul3A_187, %scan3A_123 : i32
      %add3A_189 = arith.constant 3 : i32
      %add3A_190 = arith.addi %mul3A_188, %add3A_189 : i32
      %dma_wait3A_191 = arith.constant 0 : i32
      %dma_wait3A_192 = arith.constant 0 : i32
      %dma_wait3A_193 = tpu.memref_slice %arg6[%add3A_190, %dma_wait3A_191, %dma_wait3A_192] : memref<50x2x200xi32, #tpu.memory_space<vmem>> -> memref<1x1x200xi32, #tpu.memory_space<vmem>>
      %dma_wait3A_194 = tpu.memref_squeeze %dma_wait3A_193 : memref<1x1x200xi32, #tpu.memory_space<vmem>> -> memref<200xi32, #tpu.memory_space<vmem>>
      %dma_wait3A_195 = arith.constant 0 : i32
      %dma_wait3A_196 = arith.constant 0 : i32
      %dma_wait3A_197 = tpu.memref_slice %arg2[%dma_wait3A_195, %dma_wait3A_196] : memref<10000x64xf32, #tpu.memory_space<hbm>> -> memref<10000x64xf32, #tpu.memory_space<hbm>>
      tpu.wait_indirect_dma semaphore(%arg17 : memref<!tpu.dma_semaphore, #tpu.memory_space<semaphore_mem>>) src(%dma_wait3A_197 : memref<10000x64xf32, #tpu.memory_space<hbm>>) dst(%arg10 : memref<200x64xf32, #tpu.memory_space<vmem>>)
      %run_scoped3A_198 = arith.constant 1 : i32
      "tpu.region"() ({
        %run_scoped3A_229 = tpu.sem_alloc : memref<!tpu.dma_semaphore, #tpu.memory_space<semaphore_mem>>
        %dma_start3A_230 = arith.constant 0 : i32
        %dma_start3A_231 = tpu.memref_slice %arg6[%add3A_190, %run_scoped3A_198, %dma_start3A_230] : memref<50x2x200xi32, #tpu.memory_space<vmem>> -> memref<1x1x200xi32, #tpu.memory_space<vmem>>
        %dma_start3A_232 = tpu.memref_squeeze %dma_start3A_231 : memref<1x1x200xi32, #tpu.memory_space<vmem>> -> memref<200xi32, #tpu.memory_space<vmem>>
        %dma_start3A_233 = arith.constant 0 : i32
        %dma_start3A_234 = arith.constant 0 : i32
        %dma_start3A_235 = tpu.memref_slice %arg12[%dma_start3A_233, %dma_start3A_234] : memref<10000x64xf32, #tpu.memory_space<vmem_shared>> -> memref<10000x64xf32, #tpu.memory_space<vmem_shared>>
        tpu.enqueue_indirect_dma source(%arg10 : memref<200x64xf32, #tpu.memory_space<vmem>>) target(%dma_start3A_235 : memref<10000x64xf32, #tpu.memory_space<vmem_shared>>) offsets(%dma_start3A_232 : memref<200xi32, #tpu.memory_space<vmem>>) semaphore(%run_scoped3A_229 : memref<!tpu.dma_semaphore, #tpu.memory_space<semaphore_mem>>) {add = true}
        %dma_wait3A_236 = arith.constant 0 : i32
        %dma_wait3A_237 = tpu.memref_slice %arg6[%add3A_190, %run_scoped3A_198, %dma_wait3A_236] : memref<50x2x200xi32, #tpu.memory_space<vmem>> -> memref<1x1x200xi32, #tpu.memory_space<vmem>>
        %dma_wait3A_238 = tpu.memref_squeeze %dma_wait3A_237 : memref<1x1x200xi32, #tpu.memory_space<vmem>> -> memref<200xi32, #tpu.memory_space<vmem>>
        %dma_wait3A_239 = arith.constant 0 : i32
        %dma_wait3A_240 = arith.constant 0 : i32
        %dma_wait3A_241 = tpu.memref_slice %arg12[%dma_wait3A_239, %dma_wait3A_240] : memref<10000x64xf32, #tpu.memory_space<vmem_shared>> -> memref<10000x64xf32, #tpu.memory_space<vmem_shared>>
        tpu.wait_indirect_dma semaphore(%run_scoped3A_229 : memref<!tpu.dma_semaphore, #tpu.memory_space<semaphore_mem>>) src(%arg10 : memref<200x64xf32, #tpu.memory_space<vmem>>) dst(%dma_wait3A_241 : memref<10000x64xf32, #tpu.memory_space<vmem_shared>>)
        tpu.yield
      }) : () -> ()
      %add3A_199 = arith.constant 5 : i32
      %add3A_200 = arith.addi %add3A_190, %add3A_199 : i32
      %dma_start3A_201 = arith.constant 0 : i32
      %dma_start3A_202 = arith.constant 0 : i32
      %dma_start3A_203 = tpu.memref_slice %arg6[%add3A_200, %dma_start3A_201, %dma_start3A_202] : memref<50x2x200xi32, #tpu.memory_space<vmem>> -> memref<1x1x200xi32, #tpu.memory_space<vmem>>
      %dma_start3A_204 = tpu.memref_squeeze %dma_start3A_203 : memref<1x1x200xi32, #tpu.memory_space<vmem>> -> memref<200xi32, #tpu.memory_space<vmem>>
      %dma_start3A_205 = arith.constant 0 : i32
      %dma_start3A_206 = arith.constant 0 : i32
      %dma_start3A_207 = tpu.memref_slice %arg2[%dma_start3A_205, %dma_start3A_206] : memref<10000x64xf32, #tpu.memory_space<hbm>> -> memref<10000x64xf32, #tpu.memory_space<hbm>>
      tpu.enqueue_indirect_dma source(%dma_start3A_207 : memref<10000x64xf32, #tpu.memory_space<hbm>>) target(%arg10 : memref<200x64xf32, #tpu.memory_space<vmem>>) offsets(%dma_start3A_204 : memref<200xi32, #tpu.memory_space<vmem>>) semaphore(%arg17 : memref<!tpu.dma_semaphore, #tpu.memory_space<semaphore_mem>>)
      %mul3A_208 = arith.constant 5 : i32
      %mul3A_209 = arith.muli %mul3A_208, %scan3A_123 : i32
      %add3A_210 = arith.constant 4 : i32
      %add3A_211 = arith.addi %mul3A_209, %add3A_210 : i32
      %dma_wait3A_212 = arith.constant 0 : i32
      %dma_wait3A_213 = arith.constant 0 : i32
      %dma_wait3A_214 = tpu.memref_slice %arg6[%add3A_211, %dma_wait3A_212, %dma_wait3A_213] : memref<50x2x200xi32, #tpu.memory_space<vmem>> -> memref<1x1x200xi32, #tpu.memory_space<vmem>>
      %dma_wait3A_215 = tpu.memref_squeeze %dma_wait3A_214 : memref<1x1x200xi32, #tpu.memory_space<vmem>> -> memref<200xi32, #tpu.memory_space<vmem>>
      %dma_wait3A_216 = arith.constant 0 : i32
      %dma_wait3A_217 = arith.constant 0 : i32
      %dma_wait3A_218 = tpu.memref_slice %arg2[%dma_wait3A_216, %dma_wait3A_217] : memref<10000x64xf32, #tpu.memory_space<hbm>> -> memref<10000x64xf32, #tpu.memory_space<hbm>>
      tpu.wait_indirect_dma semaphore(%arg18 : memref<!tpu.dma_semaphore, #tpu.memory_space<semaphore_mem>>) src(%dma_wait3A_218 : memref<10000x64xf32, #tpu.memory_space<hbm>>) dst(%arg11 : memref<200x64xf32, #tpu.memory_space<vmem>>)
      %run_scoped3A_219 = arith.constant 1 : i32
      "tpu.region"() ({
        %run_scoped3A_229 = tpu.sem_alloc : memref<!tpu.dma_semaphore, #tpu.memory_space<semaphore_mem>>
        %dma_start3A_230 = arith.constant 0 : i32
        %dma_start3A_231 = tpu.memref_slice %arg6[%add3A_211, %run_scoped3A_219, %dma_start3A_230] : memref<50x2x200xi32, #tpu.memory_space<vmem>> -> memref<1x1x200xi32, #tpu.memory_space<vmem>>
        %dma_start3A_232 = tpu.memref_squeeze %dma_start3A_231 : memref<1x1x200xi32, #tpu.memory_space<vmem>> -> memref<200xi32, #tpu.memory_space<vmem>>
        %dma_start3A_233 = arith.constant 0 : i32
        %dma_start3A_234 = arith.constant 0 : i32
        %dma_start3A_235 = tpu.memref_slice %arg12[%dma_start3A_233, %dma_start3A_234] : memref<10000x64xf32, #tpu.memory_space<vmem_shared>> -> memref<10000x64xf32, #tpu.memory_space<vmem_shared>>
        tpu.enqueue_indirect_dma source(%arg11 : memref<200x64xf32, #tpu.memory_space<vmem>>) target(%dma_start3A_235 : memref<10000x64xf32, #tpu.memory_space<vmem_shared>>) offsets(%dma_start3A_232 : memref<200xi32, #tpu.memory_space<vmem>>) semaphore(%run_scoped3A_229 : memref<!tpu.dma_semaphore, #tpu.memory_space<semaphore_mem>>) {add = true}
        %dma_wait3A_236 = arith.constant 0 : i32
        %dma_wait3A_237 = tpu.memref_slice %arg6[%add3A_211, %run_scoped3A_219, %dma_wait3A_236] : memref<50x2x200xi32, #tpu.memory_space<vmem>> -> memref<1x1x200xi32, #tpu.memory_space<vmem>>
        %dma_wait3A_238 = tpu.memref_squeeze %dma_wait3A_237 : memref<1x1x200xi32, #tpu.memory_space<vmem>> -> memref<200xi32, #tpu.memory_space<vmem>>
        %dma_wait3A_239 = arith.constant 0 : i32
        %dma_wait3A_240 = arith.constant 0 : i32
        %dma_wait3A_241 = tpu.memref_slice %arg12[%dma_wait3A_239, %dma_wait3A_240] : memref<10000x64xf32, #tpu.memory_space<vmem_shared>> -> memref<10000x64xf32, #tpu.memory_space<vmem_shared>>
        tpu.wait_indirect_dma semaphore(%run_scoped3A_229 : memref<!tpu.dma_semaphore, #tpu.memory_space<semaphore_mem>>) src(%arg11 : memref<200x64xf32, #tpu.memory_space<vmem>>) dst(%dma_wait3A_241 : memref<10000x64xf32, #tpu.memory_space<vmem_shared>>)
        tpu.yield
      }) : () -> ()
      %add3A_220 = arith.constant 5 : i32
      %add3A_221 = arith.addi %add3A_211, %add3A_220 : i32
      %dma_start3A_222 = arith.constant 0 : i32
      %dma_start3A_223 = arith.constant 0 : i32
      %dma_start3A_224 = tpu.memref_slice %arg6[%add3A_221, %dma_start3A_222, %dma_start3A_223] : memref<50x2x200xi32, #tpu.memory_space<vmem>> -> memref<1x1x200xi32, #tpu.memory_space<vmem>>
      %dma_start3A_225 = tpu.memref_squeeze %dma_start3A_224 : memref<1x1x200xi32, #tpu.memory_space<vmem>> -> memref<200xi32, #tpu.memory_space<vmem>>
      %dma_start3A_226 = arith.constant 0 : i32
      %dma_start3A_227 = arith.constant 0 : i32
      %dma_start3A_228 = tpu.memref_slice %arg2[%dma_start3A_226, %dma_start3A_227] : memref<10000x64xf32, #tpu.memory_space<hbm>> -> memref<10000x64xf32, #tpu.memory_space<hbm>>
      tpu.enqueue_indirect_dma source(%dma_start3A_228 : memref<10000x64xf32, #tpu.memory_space<hbm>>) target(%arg11 : memref<200x64xf32, #tpu.memory_space<vmem>>) offsets(%dma_start3A_225 : memref<200xi32, #tpu.memory_space<vmem>>) semaphore(%arg18 : memref<!tpu.dma_semaphore, #tpu.memory_space<semaphore_mem>>)
    }
    %scan3A_67 = arith.constant 9 : i32
    %dma_wait3A_68 = arith.constant 45 : i32
    %dma_wait3A_69 = arith.constant 0 : i32
    %dma_wait3A_70 = arith.constant 0 : i32
    %dma_wait3A_71 = tpu.memref_slice %arg6[%dma_wait3A_68, %dma_wait3A_69, %dma_wait3A_70] : memref<50x2x200xi32, #tpu.memory_space<vmem>> -> memref<1x1x200xi32, #tpu.memory_space<vmem>>
    %dma_wait3A_72 = tpu.memref_squeeze %dma_wait3A_71 : memref<1x1x200xi32, #tpu.memory_space<vmem>> -> memref<200xi32, #tpu.memory_space<vmem>>
    %dma_wait3A_73 = arith.constant 0 : i32
    %dma_wait3A_74 = arith.constant 0 : i32
    %dma_wait3A_75 = tpu.memref_slice %arg2[%dma_wait3A_73, %dma_wait3A_74] : memref<10000x64xf32, #tpu.memory_space<hbm>> -> memref<10000x64xf32, #tpu.memory_space<hbm>>
    tpu.wait_indirect_dma semaphore(%arg14 : memref<!tpu.dma_semaphore, #tpu.memory_space<semaphore_mem>>) src(%dma_wait3A_75 : memref<10000x64xf32, #tpu.memory_space<hbm>>) dst(%arg7 : memref<200x64xf32, #tpu.memory_space<vmem>>)
    %run_scoped3A = arith.constant 45 : i32
    %run_scoped3A_76 = arith.constant 1 : i32
    "tpu.region"() ({
      %run_scoped3A_123 = tpu.sem_alloc : memref<!tpu.dma_semaphore, #tpu.memory_space<semaphore_mem>>
      %dma_start3A_124 = arith.constant 0 : i32
      %dma_start3A_125 = tpu.memref_slice %arg6[%run_scoped3A, %run_scoped3A_76, %dma_start3A_124] : memref<50x2x200xi32, #tpu.memory_space<vmem>> -> memref<1x1x200xi32, #tpu.memory_space<vmem>>
      %dma_start3A_126 = tpu.memref_squeeze %dma_start3A_125 : memref<1x1x200xi32, #tpu.memory_space<vmem>> -> memref<200xi32, #tpu.memory_space<vmem>>
      %dma_start3A_127 = arith.constant 0 : i32
      %dma_start3A_128 = arith.constant 0 : i32
      %dma_start3A_129 = tpu.memref_slice %arg12[%dma_start3A_127, %dma_start3A_128] : memref<10000x64xf32, #tpu.memory_space<vmem_shared>> -> memref<10000x64xf32, #tpu.memory_space<vmem_shared>>
      tpu.enqueue_indirect_dma source(%arg7 : memref<200x64xf32, #tpu.memory_space<vmem>>) target(%dma_start3A_129 : memref<10000x64xf32, #tpu.memory_space<vmem_shared>>) offsets(%dma_start3A_126 : memref<200xi32, #tpu.memory_space<vmem>>) semaphore(%run_scoped3A_123 : memref<!tpu.dma_semaphore, #tpu.memory_space<semaphore_mem>>) {add = true}
      %dma_wait3A_130 = arith.constant 0 : i32
      %dma_wait3A_131 = tpu.memref_slice %arg6[%run_scoped3A, %run_scoped3A_76, %dma_wait3A_130] : memref<50x2x200xi32, #tpu.memory_space<vmem>> -> memref<1x1x200xi32, #tpu.memory_space<vmem>>
      %dma_wait3A_132 = tpu.memref_squeeze %dma_wait3A_131 : memref<1x1x200xi32, #tpu.memory_space<vmem>> -> memref<200xi32, #tpu.memory_space<vmem>>
      %dma_wait3A_133 = arith.constant 0 : i32
      %dma_wait3A_134 = arith.constant 0 : i32
      %dma_wait3A_135 = tpu.memref_slice %arg12[%dma_wait3A_133, %dma_wait3A_134] : memref<10000x64xf32, #tpu.memory_space<vmem_shared>> -> memref<10000x64xf32, #tpu.memory_space<vmem_shared>>
      tpu.wait_indirect_dma semaphore(%run_scoped3A_123 : memref<!tpu.dma_semaphore, #tpu.memory_space<semaphore_mem>>) src(%arg7 : memref<200x64xf32, #tpu.memory_space<vmem>>) dst(%dma_wait3A_135 : memref<10000x64xf32, #tpu.memory_space<vmem_shared>>)
      tpu.yield
    }) : () -> ()
    %dma_wait3A_77 = arith.constant 46 : i32
    %dma_wait3A_78 = arith.constant 0 : i32
    %dma_wait3A_79 = arith.constant 0 : i32
    %dma_wait3A_80 = tpu.memref_slice %arg6[%dma_wait3A_77, %dma_wait3A_78, %dma_wait3A_79] : memref<50x2x200xi32, #tpu.memory_space<vmem>> -> memref<1x1x200xi32, #tpu.memory_space<vmem>>
    %dma_wait3A_81 = tpu.memref_squeeze %dma_wait3A_80 : memref<1x1x200xi32, #tpu.memory_space<vmem>> -> memref<200xi32, #tpu.memory_space<vmem>>
    %dma_wait3A_82 = arith.constant 0 : i32
    %dma_wait3A_83 = arith.constant 0 : i32
    %dma_wait3A_84 = tpu.memref_slice %arg2[%dma_wait3A_82, %dma_wait3A_83] : memref<10000x64xf32, #tpu.memory_space<hbm>> -> memref<10000x64xf32, #tpu.memory_space<hbm>>
    tpu.wait_indirect_dma semaphore(%arg15 : memref<!tpu.dma_semaphore, #tpu.memory_space<semaphore_mem>>) src(%dma_wait3A_84 : memref<10000x64xf32, #tpu.memory_space<hbm>>) dst(%arg8 : memref<200x64xf32, #tpu.memory_space<vmem>>)
    %run_scoped3A_85 = arith.constant 46 : i32
    %run_scoped3A_86 = arith.constant 1 : i32
    "tpu.region"() ({
      %run_scoped3A_123 = tpu.sem_alloc : memref<!tpu.dma_semaphore, #tpu.memory_space<semaphore_mem>>
      %dma_start3A_124 = arith.constant 0 : i32
      %dma_start3A_125 = tpu.memref_slice %arg6[%run_scoped3A_85, %run_scoped3A_86, %dma_start3A_124] : memref<50x2x200xi32, #tpu.memory_space<vmem>> -> memref<1x1x200xi32, #tpu.memory_space<vmem>>
      %dma_start3A_126 = tpu.memref_squeeze %dma_start3A_125 : memref<1x1x200xi32, #tpu.memory_space<vmem>> -> memref<200xi32, #tpu.memory_space<vmem>>
      %dma_start3A_127 = arith.constant 0 : i32
      %dma_start3A_128 = arith.constant 0 : i32
      %dma_start3A_129 = tpu.memref_slice %arg12[%dma_start3A_127, %dma_start3A_128] : memref<10000x64xf32, #tpu.memory_space<vmem_shared>> -> memref<10000x64xf32, #tpu.memory_space<vmem_shared>>
      tpu.enqueue_indirect_dma source(%arg8 : memref<200x64xf32, #tpu.memory_space<vmem>>) target(%dma_start3A_129 : memref<10000x64xf32, #tpu.memory_space<vmem_shared>>) offsets(%dma_start3A_126 : memref<200xi32, #tpu.memory_space<vmem>>) semaphore(%run_scoped3A_123 : memref<!tpu.dma_semaphore, #tpu.memory_space<semaphore_mem>>) {add = true}
      %dma_wait3A_130 = arith.constant 0 : i32
      %dma_wait3A_131 = tpu.memref_slice %arg6[%run_scoped3A_85, %run_scoped3A_86, %dma_wait3A_130] : memref<50x2x200xi32, #tpu.memory_space<vmem>> -> memref<1x1x200xi32, #tpu.memory_space<vmem>>
      %dma_wait3A_132 = tpu.memref_squeeze %dma_wait3A_131 : memref<1x1x200xi32, #tpu.memory_space<vmem>> -> memref<200xi32, #tpu.memory_space<vmem>>
      %dma_wait3A_133 = arith.constant 0 : i32
      %dma_wait3A_134 = arith.constant 0 : i32
      %dma_wait3A_135 = tpu.memref_slice %arg12[%dma_wait3A_133, %dma_wait3A_134] : memref<10000x64xf32, #tpu.memory_space<vmem_shared>> -> memref<10000x64xf32, #tpu.memory_space<vmem_shared>>
      tpu.wait_indirect_dma semaphore(%run_scoped3A_123 : memref<!tpu.dma_semaphore, #tpu.memory_space<semaphore_mem>>) src(%arg8 : memref<200x64xf32, #tpu.memory_space<vmem>>) dst(%dma_wait3A_135 : memref<10000x64xf32, #tpu.memory_space<vmem_shared>>)
      tpu.yield
    }) : () -> ()
    %dma_wait3A_87 = arith.constant 47 : i32
    %dma_wait3A_88 = arith.constant 0 : i32
    %dma_wait3A_89 = arith.constant 0 : i32
    %dma_wait3A_90 = tpu.memref_slice %arg6[%dma_wait3A_87, %dma_wait3A_88, %dma_wait3A_89] : memref<50x2x200xi32, #tpu.memory_space<vmem>> -> memref<1x1x200xi32, #tpu.memory_space<vmem>>
    %dma_wait3A_91 = tpu.memref_squeeze %dma_wait3A_90 : memref<1x1x200xi32, #tpu.memory_space<vmem>> -> memref<200xi32, #tpu.memory_space<vmem>>
    %dma_wait3A_92 = arith.constant 0 : i32
    %dma_wait3A_93 = arith.constant 0 : i32
    %dma_wait3A_94 = tpu.memref_slice %arg2[%dma_wait3A_92, %dma_wait3A_93] : memref<10000x64xf32, #tpu.memory_space<hbm>> -> memref<10000x64xf32, #tpu.memory_space<hbm>>
    tpu.wait_indirect_dma semaphore(%arg16 : memref<!tpu.dma_semaphore, #tpu.memory_space<semaphore_mem>>) src(%dma_wait3A_94 : memref<10000x64xf32, #tpu.memory_space<hbm>>) dst(%arg9 : memref<200x64xf32, #tpu.memory_space<vmem>>)
    %run_scoped3A_95 = arith.constant 47 : i32
    %run_scoped3A_96 = arith.constant 1 : i32
    "tpu.region"() ({
      %run_scoped3A_123 = tpu.sem_alloc : memref<!tpu.dma_semaphore, #tpu.memory_space<semaphore_mem>>
      %dma_start3A_124 = arith.constant 0 : i32
      %dma_start3A_125 = tpu.memref_slice %arg6[%run_scoped3A_95, %run_scoped3A_96, %dma_start3A_124] : memref<50x2x200xi32, #tpu.memory_space<vmem>> -> memref<1x1x200xi32, #tpu.memory_space<vmem>>
      %dma_start3A_126 = tpu.memref_squeeze %dma_start3A_125 : memref<1x1x200xi32, #tpu.memory_space<vmem>> -> memref<200xi32, #tpu.memory_space<vmem>>
      %dma_start3A_127 = arith.constant 0 : i32
      %dma_start3A_128 = arith.constant 0 : i32
      %dma_start3A_129 = tpu.memref_slice %arg12[%dma_start3A_127, %dma_start3A_128] : memref<10000x64xf32, #tpu.memory_space<vmem_shared>> -> memref<10000x64xf32, #tpu.memory_space<vmem_shared>>
      tpu.enqueue_indirect_dma source(%arg9 : memref<200x64xf32, #tpu.memory_space<vmem>>) target(%dma_start3A_129 : memref<10000x64xf32, #tpu.memory_space<vmem_shared>>) offsets(%dma_start3A_126 : memref<200xi32, #tpu.memory_space<vmem>>) semaphore(%run_scoped3A_123 : memref<!tpu.dma_semaphore, #tpu.memory_space<semaphore_mem>>) {add = true}
      %dma_wait3A_130 = arith.constant 0 : i32
      %dma_wait3A_131 = tpu.memref_slice %arg6[%run_scoped3A_95, %run_scoped3A_96, %dma_wait3A_130] : memref<50x2x200xi32, #tpu.memory_space<vmem>> -> memref<1x1x200xi32, #tpu.memory_space<vmem>>
      %dma_wait3A_132 = tpu.memref_squeeze %dma_wait3A_131 : memref<1x1x200xi32, #tpu.memory_space<vmem>> -> memref<200xi32, #tpu.memory_space<vmem>>
      %dma_wait3A_133 = arith.constant 0 : i32
      %dma_wait3A_134 = arith.constant 0 : i32
      %dma_wait3A_135 = tpu.memref_slice %arg12[%dma_wait3A_133, %dma_wait3A_134] : memref<10000x64xf32, #tpu.memory_space<vmem_shared>> -> memref<10000x64xf32, #tpu.memory_space<vmem_shared>>
      tpu.wait_indirect_dma semaphore(%run_scoped3A_123 : memref<!tpu.dma_semaphore, #tpu.memory_space<semaphore_mem>>) src(%arg9 : memref<200x64xf32, #tpu.memory_space<vmem>>) dst(%dma_wait3A_135 : memref<10000x64xf32, #tpu.memory_space<vmem_shared>>)
      tpu.yield
    }) : () -> ()
    %dma_wait3A_97 = arith.constant 48 : i32
    %dma_wait3A_98 = arith.constant 0 : i32
    %dma_wait3A_99 = arith.constant 0 : i32
    %dma_wait3A_100 = tpu.memref_slice %arg6[%dma_wait3A_97, %dma_wait3A_98, %dma_wait3A_99] : memref<50x2x200xi32, #tpu.memory_space<vmem>> -> memref<1x1x200xi32, #tpu.memory_space<vmem>>
    %dma_wait3A_101 = tpu.memref_squeeze %dma_wait3A_100 : memref<1x1x200xi32, #tpu.memory_space<vmem>> -> memref<200xi32, #tpu.memory_space<vmem>>
    %dma_wait3A_102 = arith.constant 0 : i32
    %dma_wait3A_103 = arith.constant 0 : i32
    %dma_wait3A_104 = tpu.memref_slice %arg2[%dma_wait3A_102, %dma_wait3A_103] : memref<10000x64xf32, #tpu.memory_space<hbm>> -> memref<10000x64xf32, #tpu.memory_space<hbm>>
    tpu.wait_indirect_dma semaphore(%arg17 : memref<!tpu.dma_semaphore, #tpu.memory_space<semaphore_mem>>) src(%dma_wait3A_104 : memref<10000x64xf32, #tpu.memory_space<hbm>>) dst(%arg10 : memref<200x64xf32, #tpu.memory_space<vmem>>)
    %run_scoped3A_105 = arith.constant 48 : i32
    %run_scoped3A_106 = arith.constant 1 : i32
    "tpu.region"() ({
      %run_scoped3A_123 = tpu.sem_alloc : memref<!tpu.dma_semaphore, #tpu.memory_space<semaphore_mem>>
      %dma_start3A_124 = arith.constant 0 : i32
      %dma_start3A_125 = tpu.memref_slice %arg6[%run_scoped3A_105, %run_scoped3A_106, %dma_start3A_124] : memref<50x2x200xi32, #tpu.memory_space<vmem>> -> memref<1x1x200xi32, #tpu.memory_space<vmem>>
      %dma_start3A_126 = tpu.memref_squeeze %dma_start3A_125 : memref<1x1x200xi32, #tpu.memory_space<vmem>> -> memref<200xi32, #tpu.memory_space<vmem>>
      %dma_start3A_127 = arith.constant 0 : i32
      %dma_start3A_128 = arith.constant 0 : i32
      %dma_start3A_129 = tpu.memref_slice %arg12[%dma_start3A_127, %dma_start3A_128] : memref<10000x64xf32, #tpu.memory_space<vmem_shared>> -> memref<10000x64xf32, #tpu.memory_space<vmem_shared>>
      tpu.enqueue_indirect_dma source(%arg10 : memref<200x64xf32, #tpu.memory_space<vmem>>) target(%dma_start3A_129 : memref<10000x64xf32, #tpu.memory_space<vmem_shared>>) offsets(%dma_start3A_126 : memref<200xi32, #tpu.memory_space<vmem>>) semaphore(%run_scoped3A_123 : memref<!tpu.dma_semaphore, #tpu.memory_space<semaphore_mem>>) {add = true}
      %dma_wait3A_130 = arith.constant 0 : i32
      %dma_wait3A_131 = tpu.memref_slice %arg6[%run_scoped3A_105, %run_scoped3A_106, %dma_wait3A_130] : memref<50x2x200xi32, #tpu.memory_space<vmem>> -> memref<1x1x200xi32, #tpu.memory_space<vmem>>
      %dma_wait3A_132 = tpu.memref_squeeze %dma_wait3A_131 : memref<1x1x200xi32, #tpu.memory_space<vmem>> -> memref<200xi32, #tpu.memory_space<vmem>>
      %dma_wait3A_133 = arith.constant 0 : i32
      %dma_wait3A_134 = arith.constant 0 : i32
      %dma_wait3A_135 = tpu.memref_slice %arg12[%dma_wait3A_133, %dma_wait3A_134] : memref<10000x64xf32, #tpu.memory_space<vmem_shared>> -> memref<10000x64xf32, #tpu.memory_space<vmem_shared>>
      tpu.wait_indirect_dma semaphore(%run_scoped3A_123 : memref<!tpu.dma_semaphore, #tpu.memory_space<semaphore_mem>>) src(%arg10 : memref<200x64xf32, #tpu.memory_space<vmem>>) dst(%dma_wait3A_135 : memref<10000x64xf32, #tpu.memory_space<vmem_shared>>)
      tpu.yield
    }) : () -> ()
    %dma_wait3A_107 = arith.constant 49 : i32
    %dma_wait3A_108 = arith.constant 0 : i32
    %dma_wait3A_109 = arith.constant 0 : i32
    %dma_wait3A_110 = tpu.memref_slice %arg6[%dma_wait3A_107, %dma_wait3A_108, %dma_wait3A_109] : memref<50x2x200xi32, #tpu.memory_space<vmem>> -> memref<1x1x200xi32, #tpu.memory_space<vmem>>
    %dma_wait3A_111 = tpu.memref_squeeze %dma_wait3A_110 : memref<1x1x200xi32, #tpu.memory_space<vmem>> -> memref<200xi32, #tpu.memory_space<vmem>>
    %dma_wait3A_112 = arith.constant 0 : i32
    %dma_wait3A_113 = arith.constant 0 : i32
    %dma_wait3A_114 = tpu.memref_slice %arg2[%dma_wait3A_112, %dma_wait3A_113] : memref<10000x64xf32, #tpu.memory_space<hbm>> -> memref<10000x64xf32, #tpu.memory_space<hbm>>
    tpu.wait_indirect_dma semaphore(%arg18 : memref<!tpu.dma_semaphore, #tpu.memory_space<semaphore_mem>>) src(%dma_wait3A_114 : memref<10000x64xf32, #tpu.memory_space<hbm>>) dst(%arg11 : memref<200x64xf32, #tpu.memory_space<vmem>>)
    %run_scoped3A_115 = arith.constant 49 : i32
    %run_scoped3A_116 = arith.constant 1 : i32
    "tpu.region"() ({
      %run_scoped3A_123 = tpu.sem_alloc : memref<!tpu.dma_semaphore, #tpu.memory_space<semaphore_mem>>
      %dma_start3A_124 = arith.constant 0 : i32
      %dma_start3A_125 = tpu.memref_slice %arg6[%run_scoped3A_115, %run_scoped3A_116, %dma_start3A_124] : memref<50x2x200xi32, #tpu.memory_space<vmem>> -> memref<1x1x200xi32, #tpu.memory_space<vmem>>
      %dma_start3A_126 = tpu.memref_squeeze %dma_start3A_125 : memref<1x1x200xi32, #tpu.memory_space<vmem>> -> memref<200xi32, #tpu.memory_space<vmem>>
      %dma_start3A_127 = arith.constant 0 : i32
      %dma_start3A_128 = arith.constant 0 : i32
      %dma_start3A_129 = tpu.memref_slice %arg12[%dma_start3A_127, %dma_start3A_128] : memref<10000x64xf32, #tpu.memory_space<vmem_shared>> -> memref<10000x64xf32, #tpu.memory_space<vmem_shared>>
      tpu.enqueue_indirect_dma source(%arg11 : memref<200x64xf32, #tpu.memory_space<vmem>>) target(%dma_start3A_129 : memref<10000x64xf32, #tpu.memory_space<vmem_shared>>) offsets(%dma_start3A_126 : memref<200xi32, #tpu.memory_space<vmem>>) semaphore(%run_scoped3A_123 : memref<!tpu.dma_semaphore, #tpu.memory_space<semaphore_mem>>) {add = true}
      %dma_wait3A_130 = arith.constant 0 : i32
      %dma_wait3A_131 = tpu.memref_slice %arg6[%run_scoped3A_115, %run_scoped3A_116, %dma_wait3A_130] : memref<50x2x200xi32, #tpu.memory_space<vmem>> -> memref<1x1x200xi32, #tpu.memory_space<vmem>>
      %dma_wait3A_132 = tpu.memref_squeeze %dma_wait3A_131 : memref<1x1x200xi32, #tpu.memory_space<vmem>> -> memref<200xi32, #tpu.memory_space<vmem>>
      %dma_wait3A_133 = arith.constant 0 : i32
      %dma_wait3A_134 = arith.constant 0 : i32
      %dma_wait3A_135 = tpu.memref_slice %arg12[%dma_wait3A_133, %dma_wait3A_134] : memref<10000x64xf32, #tpu.memory_space<vmem_shared>> -> memref<10000x64xf32, #tpu.memory_space<vmem_shared>>
      tpu.wait_indirect_dma semaphore(%run_scoped3A_123 : memref<!tpu.dma_semaphore, #tpu.memory_space<semaphore_mem>>) src(%arg11 : memref<200x64xf32, #tpu.memory_space<vmem>>) dst(%dma_wait3A_135 : memref<10000x64xf32, #tpu.memory_space<vmem_shared>>)
      tpu.yield
    }) : () -> ()
    %barrier3A_117 = arith.constant 0 : index
    tpu.barrier barrier_id(%barrier3A_117)
    "tpu.region"() ({
      %run_scoped3A_123 = tpu.sem_alloc : memref<!tpu.dma_semaphore, #tpu.memory_space<semaphore_mem>>
      %dma_start3A_124 = arith.constant 0 : i32
      %dma_start3A_125 = tpu.memref_slice %arg5[%arg0, %multiple_of3A, %dma_start3A_124] : memref<2x10000x64xf32, #tpu.memory_space<hbm>> -> memref<1x624x64xf32, #tpu.memory_space<hbm>>
      %dma_start3A_126 = tpu.memref_squeeze %dma_start3A_125 : memref<1x624x64xf32, #tpu.memory_space<hbm>> -> memref<624x64xf32, #tpu.memory_space<hbm>>
      %dma_start3A_127 = arith.constant 0 : i32
      %dma_start3A_128 = tpu.memref_slice %arg12[%multiple_of3A, %dma_start3A_127] : memref<10000x64xf32, #tpu.memory_space<vmem_shared>> -> memref<624x64xf32, #tpu.memory_space<vmem_shared>>
      tpu.enqueue_dma source(%dma_start3A_128 : memref<624x64xf32, #tpu.memory_space<vmem_shared>>) target(%dma_start3A_126 : memref<624x64xf32, #tpu.memory_space<hbm>>) target_semaphore(%run_scoped3A_123 : memref<!tpu.dma_semaphore, #tpu.memory_space<semaphore_mem>>)
      %dma_wait3A_129 = arith.constant 0 : i32
      %dma_wait3A_130 = tpu.memref_slice %arg5[%arg0, %multiple_of3A, %dma_wait3A_129] : memref<2x10000x64xf32, #tpu.memory_space<hbm>> -> memref<1x624x64xf32, #tpu.memory_space<hbm>>
      %dma_wait3A_131 = tpu.memref_squeeze %dma_wait3A_130 : memref<1x624x64xf32, #tpu.memory_space<hbm>> -> memref<624x64xf32, #tpu.memory_space<hbm>>
      %dma_wait3A_132 = arith.constant 0 : i32
      %dma_wait3A_133 = tpu.memref_slice %arg12[%multiple_of3A, %dma_wait3A_132] : memref<10000x64xf32, #tpu.memory_space<vmem_shared>> -> memref<624x64xf32, #tpu.memory_space<vmem_shared>>
      tpu.wait_dma2 semaphore(%run_scoped3A_123 : memref<!tpu.dma_semaphore, #tpu.memory_space<semaphore_mem>>) src(%dma_wait3A_133 : memref<624x64xf32, #tpu.memory_space<vmem_shared>>) dst(%dma_wait3A_131 : memref<624x64xf32, #tpu.memory_space<hbm>>)
      tpu.yield
    }) : () -> ()
    %eq3A_118 = arith.constant 0 : i32
    %eq3A_119 = arith.cmpi eq, %arg1, %eq3A_118 : i32
    %convert_element_type3A_120 = arith.extui %eq3A_119 : i1 to i32
    %cond3A_121 = arith.constant 0 : i32
    %cond3A_122 = arith.cmpi ne, %convert_element_type3A_120, %cond3A_121 : i32
    scf.if %cond3A_122 {
      "tpu.region"() ({
        %run_scoped3A_123 = tpu.sem_alloc : memref<!tpu.dma_semaphore, #tpu.memory_space<semaphore_mem>>
        %dma_start3A_124 = arith.constant 9984 : i32
        %dma_start3A_125 = arith.constant 0 : i32
        %dma_start3A_126 = tpu.memref_slice %arg5[%arg0, %dma_start3A_124, %dma_start3A_125] : memref<2x10000x64xf32, #tpu.memory_space<hbm>> -> memref<1x16x64xf32, #tpu.memory_space<hbm>>
        %dma_start3A_127 = tpu.memref_squeeze %dma_start3A_126 : memref<1x16x64xf32, #tpu.memory_space<hbm>> -> memref<16x64xf32, #tpu.memory_space<hbm>>
        %dma_start3A_128 = arith.constant 9984 : i32
        %dma_start3A_129 = arith.constant 0 : i32
        %dma_start3A_130 = tpu.memref_slice %arg12[%dma_start3A_128, %dma_start3A_129] : memref<10000x64xf32, #tpu.memory_space<vmem_shared>> -> memref<16x64xf32, #tpu.memory_space<vmem_shared>>
        tpu.enqueue_dma source(%dma_start3A_130 : memref<16x64xf32, #tpu.memory_space<vmem_shared>>) target(%dma_start3A_127 : memref<16x64xf32, #tpu.memory_space<hbm>>) target_semaphore(%run_scoped3A_123 : memref<!tpu.dma_semaphore, #tpu.memory_space<semaphore_mem>>)
        %dma_wait3A_131 = arith.constant 9984 : i32
        %dma_wait3A_132 = arith.constant 0 : i32
        %dma_wait3A_133 = tpu.memref_slice %arg5[%arg0, %dma_wait3A_131, %dma_wait3A_132] : memref<2x10000x64xf32, #tpu.memory_space<hbm>> -> memref<1x16x64xf32, #tpu.memory_space<hbm>>
        %dma_wait3A_134 = tpu.memref_squeeze %dma_wait3A_133 : memref<1x16x64xf32, #tpu.memory_space<hbm>> -> memref<16x64xf32, #tpu.memory_space<hbm>>
        %dma_wait3A_135 = arith.constant 9984 : i32
        %dma_wait3A_136 = arith.constant 0 : i32
        %dma_wait3A_137 = tpu.memref_slice %arg12[%dma_wait3A_135, %dma_wait3A_136] : memref<10000x64xf32, #tpu.memory_space<vmem_shared>> -> memref<16x64xf32, #tpu.memory_space<vmem_shared>>
        tpu.wait_dma2 semaphore(%run_scoped3A_123 : memref<!tpu.dma_semaphore, #tpu.memory_space<semaphore_mem>>) src(%dma_wait3A_137 : memref<16x64xf32, #tpu.memory_space<vmem_shared>>) dst(%dma_wait3A_134 : memref<16x64xf32, #tpu.memory_space<hbm>>)
        tpu.yield
      }) : () -> ()
    } else {
    }
    return
  }
}

module attributes {stable_mosaic.version = 14 : i64} {
  func.func @_enc_body(%arg0: memref<10000x128xf32, #tpu.memory_space<vmem>>, %arg1: memref<64x128xf32, #tpu.memory_space<vmem>>, %arg2: memref<64xf32, #tpu.memory_space<vmem>>, %arg3: memref<10000x64xf32, #tpu.memory_space<vmem>>) attributes {dimension_semantics = [], scalar_prefetch = 0 : i64, scratch_operands = 0 : i64, tpu.core_type = #tpu.core_type<tc>} {
    %get3A = arith.constant 0 : index
    %get3A_0 = arith.constant 0 : index
    %get3A_1 = vector.load %arg0[%get3A, %get3A_0] : memref<10000x128xf32, #tpu.memory_space<vmem>>, vector<10000x128xf32>
    %get3A_2 = arith.constant 0 : index
    %get3A_3 = arith.constant 0 : index
    %get3A_4 = vector.load %arg1[%get3A_2, %get3A_3] : memref<64x128xf32, #tpu.memory_space<vmem>>, vector<64x128xf32>
    %dot_general3A = arith.constant dense<0.000000e+00> : vector<10000x64xf32>
    %dot_general3A_5 = tpu.matmul %get3A_1, %get3A_4, %dot_general3A {dimension_numbers = #tpu.dot_dimension_numbers<[1], [1], [0], [0], [0, 0, 1, 0], [], []>, transpose_lhs_hint = false} : vector<10000x128xf32>, vector<64x128xf32>, vector<10000x64xf32> -> vector<10000x64xf32>
    %get3A_6 = arith.constant 0 : index
    %get3A_7 = vector.load %arg2[%get3A_6] : memref<64xf32, #tpu.memory_space<vmem>>, vector<64xf32>
    %broadcast_in_dim3A = vector.shape_cast %get3A_7 : vector<64xf32> to vector<1x64xf32>
    %add3A = vector.broadcast %broadcast_in_dim3A : vector<1x64xf32> to vector<10000x64xf32>
    %add3A_8 = arith.addf %dot_general3A_5, %add3A : vector<10000x64xf32>
    %max3A = arith.constant 0.000000e+00 : f32
    %max3A_9 = vector.broadcast %max3A : f32 to vector<10000x64xf32>
    %max3A_10 = arith.maximumf %add3A_8, %max3A_9 : vector<10000x64xf32>
    %swap3A = arith.constant 0 : index
    %swap3A_11 = arith.constant 0 : index
    %swap3A_12 = vector.load %arg3[%swap3A, %swap3A_11] : memref<10000x64xf32, #tpu.memory_space<vmem>>, vector<10000x64xf32>
    tpu.vector_store %arg3[%swap3A, %swap3A_11], %max3A_10 {strides = array<i32>} : memref<10000x64xf32, #tpu.memory_space<vmem>>, vector<10000x64xf32>,
    return
  }
}

module attributes {stable_mosaic.version = 14 : i64} {
  func.func @_comb_body(%arg0: memref<2x10000x64xf32, #tpu.memory_space<vmem>>, %arg1: memref<2x10000x8xf32, #tpu.memory_space<vmem>>, %arg2: memref<10000x64xf32, #tpu.memory_space<vmem>>, %arg3: memref<4x64x64xf32, #tpu.memory_space<vmem>>, %arg4: memref<1x4xf32, #tpu.memory_space<vmem>>, %arg5: memref<64x64xf32, #tpu.memory_space<vmem>>, %arg6: memref<64xf32, #tpu.memory_space<vmem>>, %arg7: memref<10000x64xf32, #tpu.memory_space<vmem>>) attributes {dimension_semantics = [], scalar_prefetch = 0 : i64, scratch_operands = 0 : i64, tpu.core_type = #tpu.core_type<tc>} {
    %get3A = arith.constant 0 : index
    %get3A_0 = arith.constant 0 : index
    %get3A_1 = arith.constant 0 : index
    %get3A_2 = vector.load %arg1[%get3A, %get3A_0, %get3A_1] : memref<2x10000x8xf32, #tpu.memory_space<vmem>>, vector<1x10000x8xf32>
    %get3A_3 = vector.shape_cast %get3A_2 : vector<1x10000x8xf32> to vector<10000x8xf32>
    %get3A_4 = arith.constant 1 : index
    %get3A_5 = arith.constant 0 : index
    %get3A_6 = arith.constant 0 : index
    %get3A_7 = vector.load %arg1[%get3A_4, %get3A_5, %get3A_6] : memref<2x10000x8xf32, #tpu.memory_space<vmem>>, vector<1x10000x8xf32>
    %get3A_8 = vector.shape_cast %get3A_7 : vector<1x10000x8xf32> to vector<10000x8xf32>
    %add3A = arith.addf %get3A_3, %get3A_8 : vector<10000x8xf32>
    %slice3A = vector.extract_strided_slice %add3A {offsets = [0, 0], sizes = [10000, 1], strides = [1, 1]} : vector<10000x8xf32> to vector<10000x1xf32>
    %max3A = arith.constant 1.000000e+00 : f32
    %max3A_9 = vector.broadcast %max3A : f32 to vector<10000x1xf32>
    %max3A_10 = arith.maximumf %slice3A, %max3A_9 : vector<10000x1xf32>
    %div3A = arith.constant 1.000000e+00 : f32
    %div3A_11 = vector.broadcast %div3A : f32 to vector<10000x1xf32>
    %div3A_12 = arith.divf %div3A_11, %max3A_10 : vector<10000x1xf32>
    %get3A_13 = arith.constant 0 : index
    %get3A_14 = arith.constant 0 : index
    %get3A_15 = arith.constant 0 : index
    %get3A_16 = vector.load %arg0[%get3A_13, %get3A_14, %get3A_15] : memref<2x10000x64xf32, #tpu.memory_space<vmem>>, vector<1x10000x64xf32>
    %get3A_17 = vector.shape_cast %get3A_16 : vector<1x10000x64xf32> to vector<10000x64xf32>
    %get3A_18 = arith.constant 1 : index
    %get3A_19 = arith.constant 0 : index
    %get3A_20 = arith.constant 0 : index
    %get3A_21 = vector.load %arg0[%get3A_18, %get3A_19, %get3A_20] : memref<2x10000x64xf32, #tpu.memory_space<vmem>>, vector<1x10000x64xf32>
    %get3A_22 = vector.shape_cast %get3A_21 : vector<1x10000x64xf32> to vector<10000x64xf32>
    %add3A_23 = arith.addf %get3A_17, %get3A_22 : vector<10000x64xf32>
    %mul3A = vector.broadcast %div3A_12 : vector<10000x1xf32> to vector<10000x64xf32>
    %mul3A_24 = arith.mulf %add3A_23, %mul3A : vector<10000x64xf32>
    %get3A_25 = arith.constant 0 : index
    %get3A_26 = arith.constant 0 : index
    %get3A_27 = vector.load %arg4[%get3A_25, %get3A_26] : memref<1x4xf32, #tpu.memory_space<vmem>>, vector<1x1xf32>
    %get3A_28 = vector.extract %get3A_27[0, 0] : f32 from vector<1x1xf32>
    %get3A_29 = arith.constant 0 : index
    %get3A_30 = arith.constant 0 : index
    %get3A_31 = arith.constant 0 : index
    %get3A_32 = vector.load %arg3[%get3A_29, %get3A_30, %get3A_31] : memref<4x64x64xf32, #tpu.memory_space<vmem>>, vector<1x64x64xf32>
    %get3A_33 = vector.shape_cast %get3A_32 : vector<1x64x64xf32> to vector<64x64xf32>
    %mul3A_34 = vector.broadcast %get3A_28 : f32 to vector<64x64xf32>
    %mul3A_35 = arith.mulf %mul3A_34, %get3A_33 : vector<64x64xf32>
    %get3A_36 = arith.constant 0 : index
    %get3A_37 = arith.constant 1 : index
    %get3A_38 = vector.load %arg4[%get3A_36, %get3A_37] : memref<1x4xf32, #tpu.memory_space<vmem>>, vector<1x1xf32>
    %get3A_39 = vector.extract %get3A_38[0, 0] : f32 from vector<1x1xf32>
    %get3A_40 = arith.constant 1 : index
    %get3A_41 = arith.constant 0 : index
    %get3A_42 = arith.constant 0 : index
    %get3A_43 = vector.load %arg3[%get3A_40, %get3A_41, %get3A_42] : memref<4x64x64xf32, #tpu.memory_space<vmem>>, vector<1x64x64xf32>
    %get3A_44 = vector.shape_cast %get3A_43 : vector<1x64x64xf32> to vector<64x64xf32>
    %mul3A_45 = vector.broadcast %get3A_39 : f32 to vector<64x64xf32>
    %mul3A_46 = arith.mulf %mul3A_45, %get3A_44 : vector<64x64xf32>
    %add3A_47 = arith.addf %mul3A_35, %mul3A_46 : vector<64x64xf32>
    %get3A_48 = arith.constant 0 : index
    %get3A_49 = arith.constant 2 : index
    %get3A_50 = vector.load %arg4[%get3A_48, %get3A_49] : memref<1x4xf32, #tpu.memory_space<vmem>>, vector<1x1xf32>
    %get3A_51 = vector.extract %get3A_50[0, 0] : f32 from vector<1x1xf32>
    %get3A_52 = arith.constant 2 : index
    %get3A_53 = arith.constant 0 : index
    %get3A_54 = arith.constant 0 : index
    %get3A_55 = vector.load %arg3[%get3A_52, %get3A_53, %get3A_54] : memref<4x64x64xf32, #tpu.memory_space<vmem>>, vector<1x64x64xf32>
    %get3A_56 = vector.shape_cast %get3A_55 : vector<1x64x64xf32> to vector<64x64xf32>
    %mul3A_57 = vector.broadcast %get3A_51 : f32 to vector<64x64xf32>
    %mul3A_58 = arith.mulf %mul3A_57, %get3A_56 : vector<64x64xf32>
    %add3A_59 = arith.addf %add3A_47, %mul3A_58 : vector<64x64xf32>
    %get3A_60 = arith.constant 0 : index
    %get3A_61 = arith.constant 3 : index
    %get3A_62 = vector.load %arg4[%get3A_60, %get3A_61] : memref<1x4xf32, #tpu.memory_space<vmem>>, vector<1x1xf32>
    %get3A_63 = vector.extract %get3A_62[0, 0] : f32 from vector<1x1xf32>
    %get3A_64 = arith.constant 3 : index
    %get3A_65 = arith.constant 0 : index
    %get3A_66 = arith.constant 0 : index
    %get3A_67 = vector.load %arg3[%get3A_64, %get3A_65, %get3A_66] : memref<4x64x64xf32, #tpu.memory_space<vmem>>, vector<1x64x64xf32>
    %get3A_68 = vector.shape_cast %get3A_67 : vector<1x64x64xf32> to vector<64x64xf32>
    %mul3A_69 = vector.broadcast %get3A_63 : f32 to vector<64x64xf32>
    %mul3A_70 = arith.mulf %mul3A_69, %get3A_68 : vector<64x64xf32>
    %add3A_71 = arith.addf %add3A_59, %mul3A_70 : vector<64x64xf32>
    %get3A_72 = arith.constant 0 : index
    %get3A_73 = arith.constant 0 : index
    %get3A_74 = vector.load %arg2[%get3A_72, %get3A_73] : memref<10000x64xf32, #tpu.memory_space<vmem>>, vector<10000x64xf32>
    %dot_general3A = arith.constant dense<0.000000e+00> : vector<10000x64xf32>
    %dot_general3A_75 = tpu.matmul %mul3A_24, %add3A_71, %dot_general3A {dimension_numbers = #tpu.dot_dimension_numbers<[1], [0], [0], [1], [0, 0, 1, 1], [], []>, transpose_lhs_hint = false} : vector<10000x64xf32>, vector<64x64xf32>, vector<10000x64xf32> -> vector<10000x64xf32>
    %get3A_76 = arith.constant 0 : index
    %get3A_77 = arith.constant 0 : index
    %get3A_78 = vector.load %arg5[%get3A_76, %get3A_77] : memref<64x64xf32, #tpu.memory_space<vmem>>, vector<64x64xf32>
    %dot_general3A_79 = arith.constant dense<0.000000e+00> : vector<10000x64xf32>
    %dot_general3A_80 = tpu.matmul %get3A_74, %get3A_78, %dot_general3A_79 {dimension_numbers = #tpu.dot_dimension_numbers<[1], [0], [0], [1], [0, 0, 1, 1], [], []>, transpose_lhs_hint = false} : vector<10000x64xf32>, vector<64x64xf32>, vector<10000x64xf32> -> vector<10000x64xf32>
    %add3A_81 = arith.addf %dot_general3A_75, %dot_general3A_80 : vector<10000x64xf32>
    %get3A_82 = arith.constant 0 : index
    %get3A_83 = vector.load %arg6[%get3A_82] : memref<64xf32, #tpu.memory_space<vmem>>, vector<64xf32>
    %broadcast_in_dim3A = vector.shape_cast %get3A_83 : vector<64xf32> to vector<1x64xf32>
    %add3A_84 = vector.broadcast %broadcast_in_dim3A : vector<1x64xf32> to vector<10000x64xf32>
    %add3A_85 = arith.addf %add3A_81, %add3A_84 : vector<10000x64xf32>
    %max3A_86 = arith.constant 0.000000e+00 : f32
    %max3A_87 = vector.broadcast %max3A_86 : f32 to vector<10000x64xf32>
    %max3A_88 = arith.maximumf %add3A_85, %max3A_87 : vector<10000x64xf32>
    %add3A_89 = arith.addf %max3A_88, %get3A_74 : vector<10000x64xf32>
    %swap3A = arith.constant 0 : index
    %swap3A_90 = arith.constant 0 : index
    %swap3A_91 = vector.load %arg7[%swap3A, %swap3A_90] : memref<10000x64xf32, #tpu.memory_space<vmem>>, vector<10000x64xf32>
    tpu.vector_store %arg7[%swap3A, %swap3A_90], %add3A_89 {strides = array<i32>} : memref<10000x64xf32, #tpu.memory_space<vmem>>, vector<10000x64xf32>,
    return
  }
}

module attributes {stable_mosaic.version = 14 : i64} {
  func.func @_final_body(%arg0: memref<2x10000x64xf32, #tpu.memory_space<vmem>>, %arg1: memref<2x10000x8xf32, #tpu.memory_space<vmem>>, %arg2: memref<10000x64xf32, #tpu.memory_space<vmem>>, %arg3: memref<4x64x64xf32, #tpu.memory_space<vmem>>, %arg4: memref<1x4xf32, #tpu.memory_space<vmem>>, %arg5: memref<64x64xf32, #tpu.memory_space<vmem>>, %arg6: memref<64xf32, #tpu.memory_space<vmem>>, %arg7: memref<2x64xf32, #tpu.memory_space<vmem>>, %arg8: memref<2xf32, #tpu.memory_space<vmem>>, %arg9: memref<2x64xf32, #tpu.memory_space<vmem>>, %arg10: memref<2xf32, #tpu.memory_space<vmem>>, %arg11: memref<10000x64xf32, #tpu.memory_space<vmem>>, %arg12: memref<10000x2xf32, #tpu.memory_space<vmem>>, %arg13: memref<10000x2xf32, #tpu.memory_space<vmem>>) attributes {dimension_semantics = [], scalar_prefetch = 0 : i64, scratch_operands = 0 : i64, tpu.core_type = #tpu.core_type<tc>} {
    %get3A = arith.constant 0 : index
    %get3A_0 = arith.constant 0 : index
    %get3A_1 = arith.constant 0 : index
    %get3A_2 = vector.load %arg1[%get3A, %get3A_0, %get3A_1] : memref<2x10000x8xf32, #tpu.memory_space<vmem>>, vector<1x10000x8xf32>
    %get3A_3 = vector.shape_cast %get3A_2 : vector<1x10000x8xf32> to vector<10000x8xf32>
    %get3A_4 = arith.constant 1 : index
    %get3A_5 = arith.constant 0 : index
    %get3A_6 = arith.constant 0 : index
    %get3A_7 = vector.load %arg1[%get3A_4, %get3A_5, %get3A_6] : memref<2x10000x8xf32, #tpu.memory_space<vmem>>, vector<1x10000x8xf32>
    %get3A_8 = vector.shape_cast %get3A_7 : vector<1x10000x8xf32> to vector<10000x8xf32>
    %add3A = arith.addf %get3A_3, %get3A_8 : vector<10000x8xf32>
    %slice3A = vector.extract_strided_slice %add3A {offsets = [0, 0], sizes = [10000, 1], strides = [1, 1]} : vector<10000x8xf32> to vector<10000x1xf32>
    %max3A = arith.constant 1.000000e+00 : f32
    %max3A_9 = vector.broadcast %max3A : f32 to vector<10000x1xf32>
    %max3A_10 = arith.maximumf %slice3A, %max3A_9 : vector<10000x1xf32>
    %div3A = arith.constant 1.000000e+00 : f32
    %div3A_11 = vector.broadcast %div3A : f32 to vector<10000x1xf32>
    %div3A_12 = arith.divf %div3A_11, %max3A_10 : vector<10000x1xf32>
    %get3A_13 = arith.constant 0 : index
    %get3A_14 = arith.constant 0 : index
    %get3A_15 = arith.constant 0 : index
    %get3A_16 = vector.load %arg0[%get3A_13, %get3A_14, %get3A_15] : memref<2x10000x64xf32, #tpu.memory_space<vmem>>, vector<1x10000x64xf32>
    %get3A_17 = vector.shape_cast %get3A_16 : vector<1x10000x64xf32> to vector<10000x64xf32>
    %get3A_18 = arith.constant 1 : index
    %get3A_19 = arith.constant 0 : index
    %get3A_20 = arith.constant 0 : index
    %get3A_21 = vector.load %arg0[%get3A_18, %get3A_19, %get3A_20] : memref<2x10000x64xf32, #tpu.memory_space<vmem>>, vector<1x10000x64xf32>
    %get3A_22 = vector.shape_cast %get3A_21 : vector<1x10000x64xf32> to vector<10000x64xf32>
    %add3A_23 = arith.addf %get3A_17, %get3A_22 : vector<10000x64xf32>
    %mul3A = vector.broadcast %div3A_12 : vector<10000x1xf32> to vector<10000x64xf32>
    %mul3A_24 = arith.mulf %add3A_23, %mul3A : vector<10000x64xf32>
    %get3A_25 = arith.constant 0 : index
    %get3A_26 = arith.constant 0 : index
    %get3A_27 = vector.load %arg4[%get3A_25, %get3A_26] : memref<1x4xf32, #tpu.memory_space<vmem>>, vector<1x1xf32>
    %get3A_28 = vector.extract %get3A_27[0, 0] : f32 from vector<1x1xf32>
    %get3A_29 = arith.constant 0 : index
    %get3A_30 = arith.constant 0 : index
    %get3A_31 = arith.constant 0 : index
    %get3A_32 = vector.load %arg3[%get3A_29, %get3A_30, %get3A_31] : memref<4x64x64xf32, #tpu.memory_space<vmem>>, vector<1x64x64xf32>
    %get3A_33 = vector.shape_cast %get3A_32 : vector<1x64x64xf32> to vector<64x64xf32>
    %mul3A_34 = vector.broadcast %get3A_28 : f32 to vector<64x64xf32>
    %mul3A_35 = arith.mulf %mul3A_34, %get3A_33 : vector<64x64xf32>
    %get3A_36 = arith.constant 0 : index
    %get3A_37 = arith.constant 1 : index
    %get3A_38 = vector.load %arg4[%get3A_36, %get3A_37] : memref<1x4xf32, #tpu.memory_space<vmem>>, vector<1x1xf32>
    %get3A_39 = vector.extract %get3A_38[0, 0] : f32 from vector<1x1xf32>
    %get3A_40 = arith.constant 1 : index
    %get3A_41 = arith.constant 0 : index
    %get3A_42 = arith.constant 0 : index
    %get3A_43 = vector.load %arg3[%get3A_40, %get3A_41, %get3A_42] : memref<4x64x64xf32, #tpu.memory_space<vmem>>, vector<1x64x64xf32>
    %get3A_44 = vector.shape_cast %get3A_43 : vector<1x64x64xf32> to vector<64x64xf32>
    %mul3A_45 = vector.broadcast %get3A_39 : f32 to vector<64x64xf32>
    %mul3A_46 = arith.mulf %mul3A_45, %get3A_44 : vector<64x64xf32>
    %add3A_47 = arith.addf %mul3A_35, %mul3A_46 : vector<64x64xf32>
    %get3A_48 = arith.constant 0 : index
    %get3A_49 = arith.constant 2 : index
    %get3A_50 = vector.load %arg4[%get3A_48, %get3A_49] : memref<1x4xf32, #tpu.memory_space<vmem>>, vector<1x1xf32>
    %get3A_51 = vector.extract %get3A_50[0, 0] : f32 from vector<1x1xf32>
    %get3A_52 = arith.constant 2 : index
    %get3A_53 = arith.constant 0 : index
    %get3A_54 = arith.constant 0 : index
    %get3A_55 = vector.load %arg3[%get3A_52, %get3A_53, %get3A_54] : memref<4x64x64xf32, #tpu.memory_space<vmem>>, vector<1x64x64xf32>
    %get3A_56 = vector.shape_cast %get3A_55 : vector<1x64x64xf32> to vector<64x64xf32>
    %mul3A_57 = vector.broadcast %get3A_51 : f32 to vector<64x64xf32>
    %mul3A_58 = arith.mulf %mul3A_57, %get3A_56 : vector<64x64xf32>
    %add3A_59 = arith.addf %add3A_47, %mul3A_58 : vector<64x64xf32>
    %get3A_60 = arith.constant 0 : index
    %get3A_61 = arith.constant 3 : index
    %get3A_62 = vector.load %arg4[%get3A_60, %get3A_61] : memref<1x4xf32, #tpu.memory_space<vmem>>, vector<1x1xf32>
    %get3A_63 = vector.extract %get3A_62[0, 0] : f32 from vector<1x1xf32>
    %get3A_64 = arith.constant 3 : index
    %get3A_65 = arith.constant 0 : index
    %get3A_66 = arith.constant 0 : index
    %get3A_67 = vector.load %arg3[%get3A_64, %get3A_65, %get3A_66] : memref<4x64x64xf32, #tpu.memory_space<vmem>>, vector<1x64x64xf32>
    %get3A_68 = vector.shape_cast %get3A_67 : vector<1x64x64xf32> to vector<64x64xf32>
    %mul3A_69 = vector.broadcast %get3A_63 : f32 to vector<64x64xf32>
    %mul3A_70 = arith.mulf %mul3A_69, %get3A_68 : vector<64x64xf32>
    %add3A_71 = arith.addf %add3A_59, %mul3A_70 : vector<64x64xf32>
    %get3A_72 = arith.constant 0 : index
    %get3A_73 = arith.constant 0 : index
    %get3A_74 = vector.load %arg2[%get3A_72, %get3A_73] : memref<10000x64xf32, #tpu.memory_space<vmem>>, vector<10000x64xf32>
    %dot_general3A = arith.constant dense<0.000000e+00> : vector<10000x64xf32>
    %dot_general3A_75 = tpu.matmul %mul3A_24, %add3A_71, %dot_general3A {dimension_numbers = #tpu.dot_dimension_numbers<[1], [0], [0], [1], [0, 0, 1, 1], [], []>, transpose_lhs_hint = false} : vector<10000x64xf32>, vector<64x64xf32>, vector<10000x64xf32> -> vector<10000x64xf32>
    %get3A_76 = arith.constant 0 : index
    %get3A_77 = arith.constant 0 : index
    %get3A_78 = vector.load %arg5[%get3A_76, %get3A_77] : memref<64x64xf32, #tpu.memory_space<vmem>>, vector<64x64xf32>
    %dot_general3A_79 = arith.constant dense<0.000000e+00> : vector<10000x64xf32>
    %dot_general3A_80 = tpu.matmul %get3A_74, %get3A_78, %dot_general3A_79 {dimension_numbers = #tpu.dot_dimension_numbers<[1], [0], [0], [1], [0, 0, 1, 1], [], []>, transpose_lhs_hint = false} : vector<10000x64xf32>, vector<64x64xf32>, vector<10000x64xf32> -> vector<10000x64xf32>
    %add3A_81 = arith.addf %dot_general3A_75, %dot_general3A_80 : vector<10000x64xf32>
    %get3A_82 = arith.constant 0 : index
    %get3A_83 = vector.load %arg6[%get3A_82] : memref<64xf32, #tpu.memory_space<vmem>>, vector<64xf32>
    %broadcast_in_dim3A = vector.shape_cast %get3A_83 : vector<64xf32> to vector<1x64xf32>
    %add3A_84 = vector.broadcast %broadcast_in_dim3A : vector<1x64xf32> to vector<10000x64xf32>
    %add3A_85 = arith.addf %add3A_81, %add3A_84 : vector<10000x64xf32>
    %max3A_86 = arith.constant 0.000000e+00 : f32
    %max3A_87 = vector.broadcast %max3A_86 : f32 to vector<10000x64xf32>
    %max3A_88 = arith.maximumf %add3A_85, %max3A_87 : vector<10000x64xf32>
    %add3A_89 = arith.addf %max3A_88, %get3A_74 : vector<10000x64xf32>
    %swap3A = arith.constant 0 : index
    %swap3A_90 = arith.constant 0 : index
    %swap3A_91 = vector.load %arg11[%swap3A, %swap3A_90] : memref<10000x64xf32, #tpu.memory_space<vmem>>, vector<10000x64xf32>
    tpu.vector_store %arg11[%swap3A, %swap3A_90], %add3A_89 {strides = array<i32>} : memref<10000x64xf32, #tpu.memory_space<vmem>>, vector<10000x64xf32>,
    %get3A_92 = arith.constant 0 : index
    %get3A_93 = arith.constant 0 : index
    %get3A_94 = vector.load %arg11[%get3A_92, %get3A_93] : memref<10000x64xf32, #tpu.memory_space<vmem>>, vector<10000x64xf32>
    %get3A_95 = arith.constant 0 : index
    %get3A_96 = arith.constant 0 : index
    %get3A_97 = vector.load %arg7[%get3A_95, %get3A_96] : memref<2x64xf32, #tpu.memory_space<vmem>>, vector<2x64xf32>
    %dot_general3A_98 = arith.constant dense<0.000000e+00> : vector<10000x2xf32>
    %dot_general3A_99 = tpu.matmul %get3A_94, %get3A_97, %dot_general3A_98 {dimension_numbers = #tpu.dot_dimension_numbers<[1], [1], [0], [0], [0, 0, 1, 0], [], []>, transpose_lhs_hint = false} : vector<10000x64xf32>, vector<2x64xf32>, vector<10000x2xf32> -> vector<10000x2xf32>
    %get3A_100 = arith.constant 0 : index
    %get3A_101 = vector.load %arg8[%get3A_100] : memref<2xf32, #tpu.memory_space<vmem>>, vector<2xf32>
    %broadcast_in_dim3A_102 = vector.shape_cast %get3A_101 : vector<2xf32> to vector<1x2xf32>
    %add3A_103 = vector.broadcast %broadcast_in_dim3A_102 : vector<1x2xf32> to vector<10000x2xf32>
    %add3A_104 = arith.addf %dot_general3A_99, %add3A_103 : vector<10000x2xf32>
    %swap3A_105 = arith.constant 0 : index
    %swap3A_106 = arith.constant 0 : index
    %swap3A_107 = vector.load %arg12[%swap3A_105, %swap3A_106] : memref<10000x2xf32, #tpu.memory_space<vmem>>, vector<10000x2xf32>
    tpu.vector_store %arg12[%swap3A_105, %swap3A_106], %add3A_104 {strides = array<i32>} : memref<10000x2xf32, #tpu.memory_space<vmem>>, vector<10000x2xf32>,
    %get3A_108 = arith.constant 0 : index
    %get3A_109 = arith.constant 0 : index
    %get3A_110 = vector.load %arg9[%get3A_108, %get3A_109] : memref<2x64xf32, #tpu.memory_space<vmem>>, vector<2x64xf32>
    %dot_general3A_111 = arith.constant dense<0.000000e+00> : vector<10000x2xf32>
    %dot_general3A_112 = tpu.matmul %get3A_94, %get3A_110, %dot_general3A_111 {dimension_numbers = #tpu.dot_dimension_numbers<[1], [1], [0], [0], [0, 0, 1, 0], [], []>, transpose_lhs_hint = false} : vector<10000x64xf32>, vector<2x64xf32>, vector<10000x2xf32> -> vector<10000x2xf32>
    %get3A_113 = arith.constant 0 : index
    %get3A_114 = vector.load %arg10[%get3A_113] : memref<2xf32, #tpu.memory_space<vmem>>, vector<2xf32>
    %broadcast_in_dim3A_115 = vector.shape_cast %get3A_114 : vector<2xf32> to vector<1x2xf32>
    %add3A_116 = vector.broadcast %broadcast_in_dim3A_115 : vector<1x2xf32> to vector<10000x2xf32>
    %add3A_117 = arith.addf %dot_general3A_112, %add3A_116 : vector<10000x2xf32>
    %swap3A_118 = arith.constant 0 : index
    %swap3A_119 = arith.constant 0 : index
    %swap3A_120 = vector.load %arg13[%swap3A_118, %swap3A_119] : memref<10000x2xf32, #tpu.memory_space<vmem>>, vector<10000x2xf32>
    tpu.vector_store %arg13[%swap3A_118, %swap3A_119], %add3A_117 {strides = array<i32>} : memref<10000x2xf32, #tpu.memory_space<vmem>>, vector<10000x2xf32>,
    return
  }
}

</mosaic_0001>

<sc_bundles>
// kernel: kernel.11.cloned.1.call-start
scs
__scs_entry_jumppad:
0x0: {  	(pc) =	sbr.rel $0x88, $3  }
0x1: {  	(tag) =	ssettag $0x0;
	lr =	simm.s32 $0x1  }
0x2: {  	[smem:$0x3F91] =	sst lr;
	_ =	strace $0xD0000000  }
0x3: {  	_ = 	snop  }
0x4: {  	_ = 	snop  }
0x5: {  	_ = 	snop  }
0x6: {  	_ = 	snop  }
0x7: {  	_ = 	snop  }
__scs_overlays_trampoline_lowered:
0x8: {  	[smem:$0x3FA0] =	sst s0  }
0x9: {  	[smem:$0x3FA1] =	sst s1  }
0xa: {  	[smem:$0x3FA2] =	sst s2  }
0xb: {  	[smem:$0x3FA3] =	sst s3  }
0xc: {  	[smem:$0x3FA4] =	sst s4  }
0xd: {  	[smem:$0x3FA5] =	sst s5  }
0xe: {  	[smem:$0x3FA6] =	sst s6  }
0xf: {  	[smem:$0x3FA7] =	sst s7  }
0x10: {  	[smem:$0x3FA8] =	sst s8  }
0x11: {  	[smem:$0x3FA9] =	sst s9;
	s0 =	simm.s32 @!p0 $0x0  }
0x12: {  	s1 =	sld [smem:$0x3F8F];
	s0 =	simm.s32 @p0 $0x1  }
0x13: {  	[smem:$0x3FAA] =	sst s0;
	s0 =	simm.s32 @!p1 $0x0  }
0x14: {  	s2 =	sld [smem:$0x3F8E];
	s0 =	simm.s32 @p1 $0x1  }
0x15: {  	[smem:$0x3FAB] =	sst s0;
	s0 =	simm.s32 @!p2 $0x0  }
0x16: {  	s3 =	sld [smem:$0x3FDB];
	s0 =	simm.s32 @p2 $0x1  }
0x17: {  	s4 =	simm.s32 $0x1BF5;
	[smem:$0x3FAD] =	sst s0  }
0x18: {  	s0 =	sld [smem:$0x3F90];
	_ =	swait.ge [sflag:s4], $0x0  }
0x19: {  	s7 =	sld [smem:$0x3F91]  }
0x1a: {  	s8 =	sadd.s32 $0xFFFFE003, lr  }
0x1b: {  	s9 =	sadd.s32 $0xFFFFFEF7, lr;
	s5 =	simm.s32 $0xFFFFFFFF;
	p2 =	slt.u32 s8, $0xFFFFF086  }
0x1c: {  	p1 =	slt.u32 s9, $0xF7A;
	s5 =	simm.s32 @!p2 $0x0  }
0x1d: {  	s5 =	simm.s32 @p1 $0x1;
	p0 =	seq.s32 s7, s2  }
0x1e: {  	s7 =	smul.u32 @!p0 $0xF7A, s2;
	p2 =	seq.s32 @!p0 s5, $0x0  }
0x1f: {  	s9 =	smul.u32 $0xF7A, s1;
	s8 =	simm.s32 @!p0 $0x1BF5;
	p2 =	por !p2, p0  }
0x20: {  	[sflag:s8] =	ssyncset.s32 @!p0 $0xFFFFF086;
	s6 =	sadd.s32 @!p0 s3, s7;
	s7 =	simm.s32 @!p0 $0x108  }
0x21: {  	s3 =	sadd.s32 s3, s9;
	s6 =	sadd.s32 @!p0 $0x88, s6;
	s7 =	simm.s32 @p2 $0x1082  }
0x22: {  	[simem:s7], [sflag:s8] =	dma.local @!p0 [hbm:s6], $0xF7A  }
0x23: {  	s9 =	sor.u32 $0xD0000000, s2;
	s6 =	simm.s32 $0x108;
	_ =	swait.ge @!p0 [sflag:s8], $0x0  }
0x24: {  	s3 =	sadd.s32 $0x88, s3;
	s6 =	simm.s32 @!p1 $0x1082;
	[sflag:s4] =	ssyncset.s32 $0xFFFFF086  }
0x25: {  	[simem:s6], [sflag:s4] =	dma.local [hbm:s3], $0xF7A  }
0x26: {  	[smem:$0x3F91] =	sst s1;
	(tag) =	ssettag s2;
	_ =	strace s9  }
0x27: {  	s1 =	sld [smem:$0x3FA1]  }
0x28: {  	s2 =	sld [smem:$0x3FA2]  }
0x29: {  	s4 =	sld [smem:$0x3FA4]  }
0x2a: {  	p0 =	seq.s32 s5, $0x0;
	s5 =	sld [smem:$0x3FA5]  }
0x2b: {  	s6 =	sld [smem:$0x3FA6]  }
0x2c: {  	s7 =	sld [smem:$0x3FA7]  }
0x2d: {  	s3 =	simm.s32 $0x108;
	s8 =	sld [smem:$0x3FA8]  }
0x2e: {  	s3 =	simm.s32 @!p0 $0x1082;
	s9 =	sld [smem:$0x3FA9]  }
0x2f: {  	lr =	sadd.s32 s0, s3;
	s0 =	sld [smem:$0x3FA0]  }
0x30: {  	s3 =	sld [smem:$0x3FA3]  }
0x31: {  	[smem:$0x3FAC] =	sst s10  }
0x32: {  	s10 =	sld [smem:$0x3FAA];
	_ =	sdelay $0x3  }
0x33: {  	p0 =	seq.s32 s10, $0x1;
	s10 =	sld [smem:$0x3FAC];
	_ =	sdelay $0x3  }
0x34: {  	[smem:$0x3FAC] =	sst s10  }
0x35: {  	s10 =	sld [smem:$0x3FAB];
	_ =	sdelay $0x3  }
0x36: {  	p1 =	seq.s32 s10, $0x1;
	s10 =	sld [smem:$0x3FAC];
	_ =	sdelay $0x3  }
0x37: {  	[smem:$0x3FAC] =	sst s10  }
0x38: {  	s10 =	sld [smem:$0x3FAD]  }
0x39: {  	_ = 	snop;
	(pc) =	sbr.ind lr, $3  }
0x3a: {  	_ = 	snop  }
0x3b: {  	_ = 	snop  }
0x3c: {  	p2 =	seq.s32 s10, $0x1;
	s10 =	sld [smem:$0x3FAC]  }
0x3d: {  	_ =	shalt  }
0x3e: {  	_ =	shalt  }
0x3f: {  	_ =	shalt  }
0x40: {  	_ =	shalt  }
0x41: {  	_ =	shalt  }
0x42: {  	_ =	shalt  }
0x43: {  	_ =	shalt  }
0x44: {  	_ =	shalt  }
0x45: {  	_ =	shalt  }
0x46: {  	_ =	shalt  }
0x47: {  	_ =	shalt  }
0x48: {  	_ =	shalt  }
0x49: {  	_ =	shalt  }
0x4a: {  	_ =	shalt  }
0x4b: {  	_ =	shalt  }
0x4c: {  	_ =	shalt  }
0x4d: {  	_ =	shalt  }
0x4e: {  	_ =	shalt  }
0x4f: {  	_ =	shalt  }
0x50: {  	_ =	shalt  }
0x51: {  	_ =	shalt  }
0x52: {  	_ =	shalt  }
0x53: {  	_ =	shalt  }
0x54: {  	_ =	shalt  }
0x55: {  	_ =	shalt  }
0x56: {  	_ =	shalt  }
0x57: {  	_ =	shalt  }
0x58: {  	_ =	shalt  }
0x59: {  	_ =	shalt  }
0x5a: {  	_ =	shalt  }
0x5b: {  	_ =	shalt  }
0x5c: {  	_ =	shalt  }
0x5d: {  	_ =	shalt  }
0x5e: {  	_ =	shalt  }
0x5f: {  	_ =	shalt  }
0x60: {  	_ =	shalt  }
0x61: {  	_ =	shalt  }
0x62: {  	_ =	shalt  }
0x63: {  	_ =	shalt  }
0x64: {  	_ =	shalt  }
0x65: {  	_ =	shalt  }
0x66: {  	_ =	shalt  }
0x67: {  	_ =	shalt  }
0x68: {  	_ =	shalt  }
0x69: {  	_ =	shalt  }
0x6a: {  	_ =	shalt  }
0x6b: {  	_ =	shalt  }
0x6c: {  	_ =	shalt  }
0x6d: {  	_ =	shalt  }
0x6e: {  	_ =	shalt  }
0x6f: {  	_ =	shalt  }
0x70: {  	_ =	shalt  }
0x71: {  	_ =	shalt  }
0x72: {  	_ =	shalt  }
0x73: {  	_ =	shalt  }
0x74: {  	_ =	shalt  }
0x75: {  	_ =	shalt  }
0x76: {  	_ =	shalt  }
0x77: {  	_ =	shalt  }
0x78: {  	_ =	shalt  }
0x79: {  	_ =	shalt  }
0x7a: {  	_ =	shalt  }
0x7b: {  	_ =	shalt  }
0x7c: {  	_ =	shalt  }
0x7d: {  	_ =	shalt  }
0x7e: {  	_ =	shalt  }
0x7f: {  	_ =	shalt  }
0x80: {  	_ =	shalt  }
0x81: {  	_ =	shalt  }
0x82: {  	_ =	shalt  }
0x83: {  	_ =	shalt  }
0x84: {  	_ =	shalt  }
0x85: {  	_ =	shalt  }
0x86: {  	_ =	shalt  }
0x87: {  	_ =	shalt  }
.Lfunc_end0:
.L_simem_size_0:
called_computation.1_lowered:
.L_overlay_start_0:
0x88: {  	s2 =	sld [smem:$0x3FD9]  }
0x89: {  	s3 =	sld [smem:$0x3FFE];
	_ =	sdelay $0x1  }
0x8a: {  	s1 =	srdreg.scid  }
0x8b: {  	s0 =	sand.u32 $0x1, s1  }
0x8c: {  	s14 =	sshll.u32 s0, $0xA;
	s2 =	sadd.s32 s3, s2  }
0x8d: {  	s2 =	sadd.s32 s2, s14  }
0x8e: {  	[smem:$0x3FB8] =	sst s2  }
0x8f: {  	_ = 	snop  }
0x90: {  	s2 =	sld [smem:$0x3FD0];
	_ =	sdelay $0x2  }
0x91: {  	s15 =	simm.s32 $0xB;
	s4 =	simm.s32 $0x10  }
0x92: {  	[smem:s4], [sflag:s15] =	dma.local [hbm:s2], $0x1  }
0x93: {  	_ =	swait.eq [sflag:s15], $0x1  }
0x94: {  	[sflag:s15] =	ssyncset.done $0x0  }
0x95: {  	[sflag:s15] =	ssyncadd.s32 $0xFFFFFFFF  }
0x96: {  	s16 =	sld [smem:$0x10];
	(tm) =	ssettm $0x1  }
0x97: {  	s17 =	sld [smem:$0x3FFB];
	_ =	sdelay $0x3  }
0x98: {  	_ =	strace s17  }
0x99: {  	s3 =	sld [smem:$0x3FFC];
	_ =	sdelay $0x3  }
0x9a: {  	_ =	strace s3  }
0x9b: {  	s3 =	sld [smem:$0x3FFD];
	_ =	sdelay $0x3  }
0x9c: {  	_ =	strace s3  }
0x9d: {  	_ =	strace $0x8FFFFFFF  }
0x9e: {  	s18 =	sld [smem:$0x3FDB];
	_ =	sdelay $0x1  }
0x9f: {  	s19 =	simm.s32 $_scs_section_size  }
0xa0: {  	s5 =	simm.s32 $_size__tile_overlayer_lowered;
	s6 =	simm.s32 $_tile_overlayer_lowered  }
0xa1: {  	s22 =	simm.s32 $0x1BFF;
	s21 =	sshll.u32 s6, $0x1;
	s3 =	sadd.s32 s19, s18  }
0xa2: {  	s7 =	simm.s32 $0x0;
	s20 =	sshll.u32 s5, $0x1;
	s5 =	sadd.s32 s21, s3  }
0xa3: {  	[timem:s7], [sflag:s22] =	dma.local [hbm:s5], s20  }
0xa4: {  	_ =	swait.ge [sflag:s22], s20  }
0xa5: {  	s4 =	ssub.s32 $0x0, s20;
	[sflag:s22] =	ssyncset.done $0x0  }
0xa6: {  	[sflag:s22] =	ssyncadd.s32 s4;
	_ =	sdelay $0x1  }
0xa7: {  	s23 =	simm.s32 $0x1B8B  }
0xa8: {  	_ =	swait.ge [sflag:s23], $0x1  }
0xa9: {  	[sflag:s23] =	ssyncset.done $0x0  }
0xaa: {  	s25 =	simm.s32 $0x1B8E;
	s24 =	sld [smem:$0x3FFE];
	[sflag:s23] =	ssyncadd.s32 $0xFFFFFFFF  }
0xab: {  	s26 =	simm.s32 $execute0_lowered;
	[smem:$0x3FD2] =	sst s25  }
0xac: {  	s5 =	sshll.u32 s26, $0x1;
	_ =	strace $0x80000046;
	[dreg:$0x1] =	wrdreg $0xFFFFFFFF  }
0xad: {  	s28 =	simm.s32 $_size_execute0_lowered;
	s3 =	sadd.s32 s3, s5;
	[dreg:$0x0] =	wrdreg $0x0  }
0xae: {  	s5 =	sshll.u32 s28, $0x1;
	[dreg:$0x2] =	wrdreg s3  }
0xaf: {  	[dreg:$0x3] =	wrdreg s5  }
0xb0: {  	[dreg:$0x4] =	wrdreg $0xC0  }
0xb1: {  	_ =	task [dreg:s7], $0x5FFFF  }
0xb2: {  	[dreg:$0x1] =	wrdreg $0xFFFFFFFF  }
0xb3: {  	[dreg:$0x0] =	wrdreg $0x60  }
0xb4: {  	[dreg:$0x2] =	wrdreg s16  }
0xb5: {  	[dreg:$0x3] =	wrdreg s24  }
0xb6: {  	[dreg:$0x4] =	wrdreg $0x148200  }
0xb7: {  	[dreg:$0x5] =	wrdreg $0xA  }
0xb8: {  	_ =	task.clear_ibuf [dreg:s7], $0x6FFFF;
	_ =	strace $0x90000046  }
0xb9: {  	s29 =	simm.s32 $0xA;
	_ =	strace $0x80000048  }
0xba: {  	_ =	swait.ge [sflag:s29], $0x1  }
0xbb: {  	[sflag:s29] =	ssyncadd.s32 $0xFFFFFFFF  }
0xbc: {  	_ =	strace $0x90000048  }
0xbd: {  	_ =	sfence  }
0xbe: {  	s30 =	sld [smem:$0x0];
	_ =	sdelay $0x2  }
0xbf: {  	s31 =	sshll.u32 s1, $0xD;
	s1 =	sshrl.u32 s1, $0x2  }
0xc0: {  	s3 =	sand.u32 $0x4000, s31;
	s1 =	sadd.s32 s1, s30  }
0xc1: {  	s0 =	sor.u32 s3, s0;
	s1 =	sshll.u32 s1, $0x11  }
0xc2: {  	s0 =	sor.u32 s1, s0  }
0xc3: {  	s0 =	sadd.s32 $0x8F2B, s0  }
0xc4: {  	[sflag:s0] =	ssyncadd.remote.s32 $0x1  }
0xc5: {  	_ =	sfence.sel $0xFFFF  }
0xc6: {  	[dreg:$0x0] =	wrdreg $0xFFFFFFFF;
	(pc) =	sbr.abs _section_cstart, $3  }
0xc7: {  	[dreg:$0x1] =	wrdreg $0xFFFFFFFF  }
0xc8: {  	_ =	task.clear_ibuf [dreg:s7], $0x2FFFF;
	_ =	strace $0x9FFFFFFF  }
0xc9: {  	(tm) =	ssettm $0x7FFFFFFF  }
tec
execute0_lowered:
.L_overlay_start_1:
0x0: {  	(tag) =	ssettag $0x1  }
0x1: {  	s0 =	rddreg [dreg:$0x0]  }
0x2: {  	s1 =	srdreg.scid;
	s7 =	rddreg [dreg:$0x1]  }
0x3: {  	s11 =	stileid.u32;
	s2 =	rddreg [dreg:$0x2];
	s14 =	simm.s32 $0x1  }
0x4: {  	s15 =	simm.s32 $0xC8;
	s16 =	simm.s32 $0x4E20;
	s18 =	simm.s32 $0x8020  }
0x5: {  	s20 =	simm.s32 $0xB220;
	s22 =	simm.s32 $0xE420;
	s24 =	simm.s32 $0x11620  }
0x6: {  	s25 =	simm.s32 $0x2;
	s26 =	simm.s32 $0x3;
	s28 =	simm.s32 $0x4  }
0x7: {  	s29 =	simm.s32 $0x5;
	s30 =	simm.s32 $0x6;
	s19 =	simm.s32 $0x4BC8  }
0x8: {  	s21 =	simm.s32 $0x4D58;
	s23 =	simm.s32 $0x0;
	s1 =	sand.u32 $0x1, s1  }
0x9: {  	s3 =	sshll.u32 s11, $0x1;
	s8 =	smul.u32 $0x9C00, s11;
	s9 =	sadd.s32 $0x2A600, s7  }
0xa: {  	s31 =	sshll.u32 s11, $0x6;
	s13 =	sadd.s32 $0x9C000, s2;
	p0 =	sne.s32 s11, $0x0  }
0xb: {  	s4 =	sor.u32 s1, s3;
	s6 =	ssub.s32 $0x2, s1;
	s1 =	smul.u32 $0x9C400, s1  }
0xc: {  	s3 =	simm.s32 $0x0;
	s13 =	sshrl.u32 @!p0 s13, $0x3;
	s4 =	smul.u32 $0x9C4, s4  }
0xd: {  	[smem:$0x7FF] =	sst s3;
	s5 =	sshrl.u32 s8, $0x3;
	s10 =	sshrl.u32 s6, $0x1  }
0xe: {  	s12 =	sadd.s32 s8, s2;
	_ =	strace $0x80000047;
	s5 =	sadd.s32 s5, s7  }
0xf: {  	s10 =	ssub.s32 s6, s10;
	s6 =	sor.u32 $0x1C07, s31;
	s8 =	sadd.s32 s8, s1  }
0x10: {  	s1 =	sshrl.u32 s1, $0x3;
	s11 =	sshrl.u32 s12, $0x3;
	s12 =	simm.s32 $0x7  }
0x11: {  	s4 =	sadd.s32 s4, s7;
	s5 =	sadd.s32 $0x16C00, s5;
	s8 =	sshrl.u32 s8, $0x3  }
0x12: {  	s1 =	sadd.s32 s9, s1;
	s7 =	sadd.s32 $0x2A400, s7;
	s10 =	smax.u32 s10, $0x1  }
0x13: {  	s4 =	sadd.s32 $0x3200, s4;
	s8 =	sadd.s32 s9, s8;
	s9 =	sadd.s32 $0x13800, s1  }
.LBB2_1:
0x14: {  	[tilespmem:s3], [sflag:$0x1] =	stream.linear.gather [hbm4b:s4+s3], $0x4E20, $0x38;
	[tilespmem:$0x1E460] =	vst v63  }
0x15: {  	[spmem:s11], [sflag:s6] =	dma.local [hbm:s5], $0x1380  }
0x16: {  	_ =	swait.ge [sflag:s12], $0x1380  }
0x17: {  	[sflag:s12] =	ssyncset.done $0x0  }
0x18: {  	s1 =	simm.s32 @!p0 $0x7;
	[sflag:s12] =	ssyncadd.s32 $0xFFFFEC80  }
0x19: {  	[spmem:s13], [sflag:s6] =	dma.local @!p0 [hbm:s7], $0x80  }
0x1a: {  	_ =	swait.ge @!p0 [sflag:s1], $0x80  }
0x1b: {  	[sflag:s1] =	ssyncset.done @!p0 $0x0  }
0x1c: {  	[sflag:s1] =	ssyncadd.s32 @!p0 $0xFFFFFF80  }
0x1d: {  	_ =	swait.ge [sflag:s14], $0x4E20  }
0x1e: {  	[sflag:s14] =	ssyncset.done $0x0  }
0x1f: {  	[sflag:s14] =	ssyncadd.s32 $0xFFFFB1E0  }
0x20: {  	[bflag:$0x0] =	sbarrier.arrive $0xFFFF  }
0x21: {  	[tilespmem:s16], [sflag:$0x2] =	stream.indirect.gather [hbm4b:s0+s15], $0x40, s3, s15, $0xb8;
	[tilespmem:$0x1E460] =	vst v63  }
0x22: {  	s17 =	simm.s32 $0x190  }
0x23: {  	[tilespmem:s18], [sflag:$0x3] =	stream.indirect.gather [hbm4b:s0+s15], $0x40, s17, s15, $0xb8;
	[tilespmem:$0x1E460] =	vst v63  }
0x24: {  	s17 =	simm.s32 $0x320  }
0x25: {  	[tilespmem:s20], [sflag:$0x4] =	stream.indirect.gather [hbm4b:s0+s15], $0x40, s17, s15, $0xb8;
	[tilespmem:$0x1E460] =	vst v63  }
0x26: {  	s17 =	simm.s32 $0x4B0  }
0x27: {  	[tilespmem:s22], [sflag:$0x5] =	stream.indirect.gather [hbm4b:s0+s15], $0x40, s17, s15, $0xb8;
	[tilespmem:$0x1E460] =	vst v63  }
0x28: {  	s17 =	simm.s32 $0x640  }
0x29: {  	[tilespmem:s24], [sflag:$0x6] =	stream.indirect.gather [hbm4b:s0+s15], $0x40, s17, s15, $0xb8;
	[tilespmem:$0x1E460] =	vst v63  }
0x2a: {  	_ =	swait.ge [sflag:s25], $0x3200  }
0x2b: {  	[sflag:s25] =	ssyncset.done $0x0  }
0x2c: {  	s17 =	simm.s32 $0xC8;
	[sflag:s25] =	ssyncadd.s32 $0xFFFFCE00  }
0x2d: {  	[spmem:s2] =	stream.indirect.scatter.add.f32 [tilespmem:s16], [sflag:$0x7], $0x40, s17, s15, $0xb8;
	[tilespmem:$0x1E460] =	vst v63  }
0x2e: {  	_ =	swait.ge [sflag:s12], $0x3200  }
0x2f: {  	[sflag:s12] =	ssyncset.done $0x0  }
0x30: {  	s17 =	simm.s32 $0x7D0;
	[sflag:s12] =	ssyncadd.s32 $0xFFFFCE00  }
0x31: {  	[tilespmem:s16], [sflag:$0x2] =	stream.indirect.gather [hbm4b:s0+s15], $0x40, s17, s15, $0xb8;
	[tilespmem:$0x1E460] =	vst v63  }
0x32: {  	_ =	swait.ge [sflag:s26], $0x3200  }
0x33: {  	[sflag:s26] =	ssyncset.done $0x0  }
0x34: {  	s17 =	simm.s32 $0x258;
	[sflag:s26] =	ssyncadd.s32 $0xFFFFCE00  }
0x35: {  	[spmem:s2] =	stream.indirect.scatter.add.f32 [tilespmem:s18], [sflag:$0x7], $0x40, s17, s15, $0xb8;
	[tilespmem:$0x1E460] =	vst v63  }
0x36: {  	_ =	swait.ge [sflag:s12], $0x3200  }
0x37: {  	[sflag:s12] =	ssyncset.done $0x0  }
0x38: {  	s17 =	simm.s32 $0x960;
	[sflag:s12] =	ssyncadd.s32 $0xFFFFCE00  }
0x39: {  	[tilespmem:s18], [sflag:$0x3] =	stream.indirect.gather [hbm4b:s0+s15], $0x40, s17, s15, $0xb8;
	[tilespmem:$0x1E460] =	vst v63  }
0x3a: {  	_ =	swait.ge [sflag:s28], $0x3200  }
0x3b: {  	[sflag:s28] =	ssyncset.done $0x0  }
0x3c: {  	s17 =	simm.s32 $0x3E8;
	[sflag:s28] =	ssyncadd.s32 $0xFFFFCE00  }
0x3d: {  	[spmem:s2] =	stream.indirect.scatter.add.f32 [tilespmem:s20], [sflag:$0x7], $0x40, s17, s15, $0xb8;
	[tilespmem:$0x1E460] =	vst v63  }
0x3e: {  	_ =	swait.ge [sflag:s12], $0x3200  }
0x3f: {  	[sflag:s12] =	ssyncset.done $0x0  }
0x40: {  	s17 =	simm.s32 $0xAF0;
	[sflag:s12] =	ssyncadd.s32 $0xFFFFCE00  }
0x41: {  	[tilespmem:s20], [sflag:$0x4] =	stream.indirect.gather [hbm4b:s0+s15], $0x40, s17, s15, $0xb8;
	[tilespmem:$0x1E460] =	vst v63  }
0x42: {  	_ =	swait.ge [sflag:s29], $0x3200  }
0x43: {  	[sflag:s29] =	ssyncset.done $0x0  }
0x44: {  	s17 =	simm.s32 $0x578;
	[sflag:s29] =	ssyncadd.s32 $0xFFFFCE00  }
0x45: {  	[spmem:s2] =	stream.indirect.scatter.add.f32 [tilespmem:s22], [sflag:$0x7], $0x40, s17, s15, $0xb8;
	[tilespmem:$0x1E460] =	vst v63  }
0x46: {  	_ =	swait.ge [sflag:s12], $0x3200  }
0x47: {  	[sflag:s12] =	ssyncset.done $0x0  }
0x48: {  	s17 =	simm.s32 $0xC80;
	[sflag:s12] =	ssyncadd.s32 $0xFFFFCE00  }
0x49: {  	[tilespmem:s22], [sflag:$0x5] =	stream.indirect.gather [hbm4b:s0+s15], $0x40, s17, s15, $0xb8;
	[tilespmem:$0x1E460] =	vst v63  }
0x4a: {  	_ =	swait.ge [sflag:s30], $0x3200  }
0x4b: {  	[sflag:s30] =	ssyncset.done $0x0  }
0x4c: {  	s17 =	simm.s32 $0x708;
	[sflag:s30] =	ssyncadd.s32 $0xFFFFCE00  }
0x4d: {  	[spmem:s2] =	stream.indirect.scatter.add.f32 [tilespmem:s24], [sflag:$0x7], $0x40, s17, s15, $0xb8;
	[tilespmem:$0x1E460] =	vst v63  }
0x4e: {  	_ =	swait.ge [sflag:s12], $0x3200  }
0x4f: {  	[sflag:s12] =	ssyncset.done $0x0  }
0x50: {  	s31 =	simm.s32 $0x1F40;
	s1 =	simm.s32 $0xE10;
	[sflag:s12] =	ssyncadd.s32 $0xFFFFCE00  }
.LBB2_2:
0x51: {  	[tilespmem:s24], [sflag:$0x6] =	stream.indirect.gather [hbm4b:s0+s15], $0x40, s1, s15, $0xb8;
	[tilespmem:$0x1E460] =	vst v63  }
0x52: {  	s1 =	smov.u32 s31  }
0x53: {  	p1 =	sne.s32 s31, $0xFA00;
	s31 =	sadd.s32 $0x1F40, s31;
	_ =	swait.ge [sflag:s25], $0x3200  }
0x54: {  	s1 =	sshra.s32 s1, $0x2;
	[sflag:s25] =	ssyncset.done $0x0  }
0x55: {  	s17 =	sadd.s32 $0xC8, s1;
	[sflag:s25] =	ssyncadd.s32 $0xFFFFCE00  }
0x56: {  	[spmem:s2] =	stream.indirect.scatter.add.f32 [tilespmem:s16], [sflag:$0x7], $0x40, s17, s15, $0xb8;
	[tilespmem:$0x1E460] =	vst v63  }
0x57: {  	_ =	swait.ge [sflag:s12], $0x3200  }
0x58: {  	[sflag:s12] =	ssyncset.done $0x0  }
0x59: {  	s17 =	sadd.s32 $0x7D0, s1;
	[sflag:s12] =	ssyncadd.s32 $0xFFFFCE00  }
0x5a: {  	[tilespmem:s16], [sflag:$0x2] =	stream.indirect.gather [hbm4b:s0+s15], $0x40, s17, s15, $0xb8;
	[tilespmem:$0x1E460] =	vst v63  }
0x5b: {  	_ =	swait.ge [sflag:s26], $0x3200  }
0x5c: {  	[sflag:s26] =	ssyncset.done $0x0  }
0x5d: {  	s17 =	sadd.s32 $0x258, s1;
	[sflag:s26] =	ssyncadd.s32 $0xFFFFCE00  }
0x5e: {  	[spmem:s2] =	stream.indirect.scatter.add.f32 [tilespmem:s18], [sflag:$0x7], $0x40, s17, s15, $0xb8;
	[tilespmem:$0x1E460] =	vst v63  }
0x5f: {  	_ =	swait.ge [sflag:s12], $0x3200  }
0x60: {  	[sflag:s12] =	ssyncset.done $0x0  }
0x61: {  	s17 =	sadd.s32 $0x960, s1;
	[sflag:s12] =	ssyncadd.s32 $0xFFFFCE00  }
0x62: {  	[tilespmem:s18], [sflag:$0x3] =	stream.indirect.gather [hbm4b:s0+s15], $0x40, s17, s15, $0xb8;
	[tilespmem:$0x1E460] =	vst v63  }
0x63: {  	_ =	swait.ge [sflag:s28], $0x3200  }
0x64: {  	[sflag:s28] =	ssyncset.done $0x0  }
0x65: {  	s17 =	sadd.s32 $0x3E8, s1;
	[sflag:s28] =	ssyncadd.s32 $0xFFFFCE00  }
0x66: {  	[spmem:s2] =	stream.indirect.scatter.add.f32 [tilespmem:s20], [sflag:$0x7], $0x40, s17, s15, $0xb8;
	[tilespmem:$0x1E460] =	vst v63  }
0x67: {  	_ =	swait.ge [sflag:s12], $0x3200  }
0x68: {  	[sflag:s12] =	ssyncset.done $0x0  }
0x69: {  	s17 =	sadd.s32 $0xAF0, s1;
	[sflag:s12] =	ssyncadd.s32 $0xFFFFCE00  }
0x6a: {  	[tilespmem:s20], [sflag:$0x4] =	stream.indirect.gather [hbm4b:s0+s15], $0x40, s17, s15, $0xb8;
	[tilespmem:$0x1E460] =	vst v63  }
0x6b: {  	_ =	swait.ge [sflag:s29], $0x3200  }
0x6c: {  	[sflag:s29] =	ssyncset.done $0x0  }
0x6d: {  	s17 =	sadd.s32 $0x578, s1;
	[sflag:s29] =	ssyncadd.s32 $0xFFFFCE00  }
0x6e: {  	[spmem:s2] =	stream.indirect.scatter.add.f32 [tilespmem:s22], [sflag:$0x7], $0x40, s17, s15, $0xb8;
	[tilespmem:$0x1E460] =	vst v63  }
0x6f: {  	_ =	swait.ge [sflag:s12], $0x3200  }
0x70: {  	[sflag:s12] =	ssyncset.done $0x0  }
0x71: {  	s17 =	sadd.s32 $0xC80, s1;
	[sflag:s12] =	ssyncadd.s32 $0xFFFFCE00  }
0x72: {  	[tilespmem:s22], [sflag:$0x5] =	stream.indirect.gather [hbm4b:s0+s15], $0x40, s17, s15, $0xb8;
	[tilespmem:$0x1E460] =	vst v63  }
0x73: {  	_ =	swait.ge [sflag:s30], $0x3200  }
0x74: {  	[sflag:s30] =	ssyncset.done $0x0  }
.Ltmp0:
0x75: {  	s17 =	sadd.s32 $0x708, s1;
	[sflag:s30] =	ssyncadd.s32 $0xFFFFCE00;
	(pc) =	sbr.rel @p1 .LBB2_2-.Ltmp0, $4  }
0x76: {  	[spmem:s2] =	stream.indirect.scatter.add.f32 [tilespmem:s24], [sflag:$0x7], $0x40, s17, s15, $0xb8;
	[tilespmem:$0x1E460] =	vst v63  }
0x77: {  	_ =	swait.ge [sflag:s12], $0x3200  }
0x78: {  	[sflag:s12] =	ssyncset.done $0x0  }
0x79: {  	s1 =	sadd.s32 $0xE10, s1;
	[sflag:s12] =	ssyncadd.s32 $0xFFFFCE00  }
0x7a: {  	[tilespmem:s24], [sflag:$0x6] =	stream.indirect.gather [hbm4b:s0+s15], $0x40, s1, s15, $0xb8;
	[tilespmem:$0x1E460] =	vst v63  }
0x7b: {  	_ =	swait.ge [sflag:s25], $0x3200  }
0x7c: {  	[sflag:s25] =	ssyncset.done $0x0  }
0x7d: {  	s31 =	simm.s32 $0x4718;
	[sflag:s25] =	ssyncadd.s32 $0xFFFFCE00  }
0x7e: {  	[spmem:s2] =	stream.indirect.scatter.add.f32 [tilespmem:s16], [sflag:$0x7], $0x40, s31, s15, $0xb8;
	[tilespmem:$0x1E460] =	vst v63  }
0x7f: {  	_ =	swait.ge [sflag:s12], $0x3200  }
0x80: {  	[sflag:s12] =	ssyncset.done $0x0  }
0x81: {  	[sflag:s12] =	ssyncadd.s32 $0xFFFFCE00  }
0x82: {  	_ =	swait.ge [sflag:s26], $0x3200  }
0x83: {  	[sflag:s26] =	ssyncset.done $0x0  }
0x84: {  	s17 =	simm.s32 $0x48A8;
	[sflag:s26] =	ssyncadd.s32 $0xFFFFCE00  }
0x85: {  	[spmem:s2] =	stream.indirect.scatter.add.f32 [tilespmem:s18], [sflag:$0x7], $0x40, s17, s15, $0xb8;
	[tilespmem:$0x1E460] =	vst v63  }
0x86: {  	_ =	swait.ge [sflag:s12], $0x3200  }
0x87: {  	[sflag:s12] =	ssyncset.done $0x0  }
0x88: {  	[sflag:s12] =	ssyncadd.s32 $0xFFFFCE00  }
0x89: {  	_ =	swait.ge [sflag:s28], $0x3200  }
0x8a: {  	[sflag:s28] =	ssyncset.done $0x0  }
0x8b: {  	s31 =	simm.s32 $0x4A38;
	[sflag:s28] =	ssyncadd.s32 $0xFFFFCE00  }
0x8c: {  	[spmem:s2] =	stream.indirect.scatter.add.f32 [tilespmem:s20], [sflag:$0x7], $0x40, s31, s15, $0xb8;
	[tilespmem:$0x1E460] =	vst v63  }
0x8d: {  	_ =	swait.ge [sflag:s12], $0x3200  }
0x8e: {  	[sflag:s12] =	ssyncset.done $0x0  }
0x8f: {  	[sflag:s12] =	ssyncadd.s32 $0xFFFFCE00  }
0x90: {  	_ =	swait.ge [sflag:s29], $0x3200  }
0x91: {  	[sflag:s29] =	ssyncset.done $0x0  }
0x92: {  	[sflag:s29] =	ssyncadd.s32 $0xFFFFCE00  }
0x93: {  	[spmem:s2] =	stream.indirect.scatter.add.f32 [tilespmem:s22], [sflag:$0x7], $0x40, s19, s15, $0xb8;
	[tilespmem:$0x1E460] =	vst v63  }
0x94: {  	_ =	swait.ge [sflag:s12], $0x3200  }
0x95: {  	[sflag:s12] =	ssyncset.done $0x0  }
0x96: {  	[sflag:s12] =	ssyncadd.s32 $0xFFFFCE00  }
0x97: {  	_ =	swait.ge [sflag:s30], $0x3200  }
0x98: {  	[sflag:s30] =	ssyncset.done $0x0  }
0x99: {  	[sflag:s30] =	ssyncadd.s32 $0xFFFFCE00  }
0x9a: {  	[spmem:s2] =	stream.indirect.scatter.add.f32 [tilespmem:s24], [sflag:$0x7], $0x40, s21, s15, $0xb8;
	[tilespmem:$0x1E460] =	vst v63  }
0x9b: {  	_ =	swait.ge [sflag:s12], $0x3200  }
0x9c: {  	[sflag:s12] =	ssyncset.done $0x0  }
0x9d: {  	[sflag:s12] =	ssyncadd.s32 $0xFFFFCE00  }
0x9e: {  	[bflag:$0x0] =	sbarrier.arrive $0xFFFF  }
0x9f: {  	[hbm:s8], [sflag:s6] =	dma.local [spmem:s11], $0x1380  }
0xa0: {  	s23 =	sadd.s32 $0x1, s23;
	_ =	swait.ge [sflag:s12], $0x1380  }
0xa1: {  	p1 =	sne.s32 s23, s10;
	[sflag:s12] =	ssyncset.done $0x0  }
.Ltmp1:
0xa2: {  	s1 =	simm.s32 @!p0 $0x7;
	[sflag:s12] =	ssyncadd.s32 $0xFFFFEC80;
	(pc) =	sbr.rel @p1 .LBB2_1-.Ltmp1, $4  }
0xa3: {  	[hbm:s9], [sflag:s6] =	dma.local @!p0 [spmem:s13], $0x80  }
0xa4: {  	_ =	swait.ge @!p0 [sflag:s1], $0x80  }
0xa5: {  	[sflag:s1] =	ssyncset.done @!p0 $0x0  }
0xa6: {  	[sflag:s1] =	ssyncadd.s32 @!p0 $0xFFFFFF80  }
0xa7: {  	_ =	sfence.sel $0x180000  }
0xa8: {  	[bflag:$0x0] =	sbarrier.arrive $0xFFFF  }
0xa9: {  	_ =	strace $0x90000047  }
0xaa: {  	[bflag:$0x2] =	sbarrier.arrive $0xFFFF  }
0xab: {  	s0 =	rddreg [dreg:$0x3]  }
0xac: {  	s0 =	sadd.s32 @!p0 $0x100000, s0  }
0xad: {  	[sflag:s0] =	ssyncadd.tile.s32 @!p0 $0x1;
	_ =	shalt  }
.Lfunc_end2:
_tile_overlayer_lowered:
.L_overlay_start_2:
0xae: {  	(tag) =	ssettag $0x2  }
0xaf: {  	s0 =	rddreg [dreg:$0x0];
	s2 =	stileid.u32  }
0xb0: {  	s1 =	rddreg [dreg:$0x1];
	p0 =	sne.s32 s2, $0x0  }
0xb1: {  	s3 =	rddreg [dreg:$0x2];
	[bflag:$0x3] =	sbarrier.arrive $0xFFFF;
	s2 =	simm.s32 @!p0 $0x1C07  }
0xb2: {  	[timem:s3], [sflag:s2] =	dma.local @!p0 [hbm:s0], s1  }
0xb3: {  	s0 =	simm.s32 @!p0 $0x7  }
0xb4: {  	_ =	swait.ge @!p0 [sflag:s0], s1  }
0xb5: {  	s1 =	ssub.s32 @!p0 $0x0, s1;
	[sflag:s0] =	ssyncset.done @!p0 $0x0  }
0xb6: {  	[sflag:s0] =	ssyncadd.s32 @!p0 s1  }
0xb7: {  	[bflag:$0x3] =	sbarrier.arrive $0xFFFF  }
0xb8: {  	_ =	shalt  }

// kernel: kernel.14.cloned.1.call-start
scs
__scs_entry_jumppad:
0x0: {  	(pc) =	sbr.rel $0x88, $3  }
0x1: {  	(tag) =	ssettag $0x0;
	lr =	simm.s32 $0x1  }
0x2: {  	[smem:$0x3F91] =	sst lr;
	_ =	strace $0xD0000000  }
0x3: {  	_ = 	snop  }
0x4: {  	_ = 	snop  }
0x5: {  	_ = 	snop  }
0x6: {  	_ = 	snop  }
0x7: {  	_ = 	snop  }
__scs_overlays_trampoline_lowered:
0x8: {  	[smem:$0x3FA0] =	sst s0  }
0x9: {  	[smem:$0x3FA1] =	sst s1  }
0xa: {  	[smem:$0x3FA2] =	sst s2  }
0xb: {  	[smem:$0x3FA3] =	sst s3  }
0xc: {  	[smem:$0x3FA4] =	sst s4  }
0xd: {  	[smem:$0x3FA5] =	sst s5  }
0xe: {  	[smem:$0x3FA6] =	sst s6  }
0xf: {  	[smem:$0x3FA7] =	sst s7  }
0x10: {  	[smem:$0x3FA8] =	sst s8  }
0x11: {  	[smem:$0x3FA9] =	sst s9;
	s0 =	simm.s32 @!p0 $0x0  }
0x12: {  	s1 =	sld [smem:$0x3F8F];
	s0 =	simm.s32 @p0 $0x1  }
0x13: {  	[smem:$0x3FAA] =	sst s0;
	s0 =	simm.s32 @!p1 $0x0  }
0x14: {  	s2 =	sld [smem:$0x3F8E];
	s0 =	simm.s32 @p1 $0x1  }
0x15: {  	[smem:$0x3FAB] =	sst s0;
	s0 =	simm.s32 @!p2 $0x0  }
0x16: {  	s3 =	sld [smem:$0x3FDB];
	s0 =	simm.s32 @p2 $0x1  }
0x17: {  	s4 =	simm.s32 $0x1BF5;
	[smem:$0x3FAD] =	sst s0  }
0x18: {  	s0 =	sld [smem:$0x3F90];
	_ =	swait.ge [sflag:s4], $0x0  }
0x19: {  	s7 =	sld [smem:$0x3F91]  }
0x1a: {  	s8 =	sadd.s32 $0xFFFFE003, lr  }
0x1b: {  	s9 =	sadd.s32 $0xFFFFFEF7, lr;
	s5 =	simm.s32 $0xFFFFFFFF;
	p2 =	slt.u32 s8, $0xFFFFF086  }
0x1c: {  	p1 =	slt.u32 s9, $0xF7A;
	s5 =	simm.s32 @!p2 $0x0  }
0x1d: {  	s5 =	simm.s32 @p1 $0x1;
	p0 =	seq.s32 s7, s2  }
0x1e: {  	s7 =	smul.u32 @!p0 $0xF7A, s2;
	p2 =	seq.s32 @!p0 s5, $0x0  }
0x1f: {  	s9 =	smul.u32 $0xF7A, s1;
	s8 =	simm.s32 @!p0 $0x1BF5;
	p2 =	por !p2, p0  }
0x20: {  	[sflag:s8] =	ssyncset.s32 @!p0 $0xFFFFF086;
	s6 =	sadd.s32 @!p0 s3, s7;
	s7 =	simm.s32 @!p0 $0x108  }
0x21: {  	s3 =	sadd.s32 s3, s9;
	s6 =	sadd.s32 @!p0 $0x88, s6;
	s7 =	simm.s32 @p2 $0x1082  }
0x22: {  	[simem:s7], [sflag:s8] =	dma.local @!p0 [hbm:s6], $0xF7A  }
0x23: {  	s9 =	sor.u32 $0xD0000000, s2;
	s6 =	simm.s32 $0x108;
	_ =	swait.ge @!p0 [sflag:s8], $0x0  }
0x24: {  	s3 =	sadd.s32 $0x88, s3;
	s6 =	simm.s32 @!p1 $0x1082;
	[sflag:s4] =	ssyncset.s32 $0xFFFFF086  }
0x25: {  	[simem:s6], [sflag:s4] =	dma.local [hbm:s3], $0xF7A  }
0x26: {  	[smem:$0x3F91] =	sst s1;
	(tag) =	ssettag s2;
	_ =	strace s9  }
0x27: {  	s1 =	sld [smem:$0x3FA1]  }
0x28: {  	s2 =	sld [smem:$0x3FA2]  }
0x29: {  	s4 =	sld [smem:$0x3FA4]  }
0x2a: {  	p0 =	seq.s32 s5, $0x0;
	s5 =	sld [smem:$0x3FA5]  }
0x2b: {  	s6 =	sld [smem:$0x3FA6]  }
0x2c: {  	s7 =	sld [smem:$0x3FA7]  }
0x2d: {  	s3 =	simm.s32 $0x108;
	s8 =	sld [smem:$0x3FA8]  }
0x2e: {  	s3 =	simm.s32 @!p0 $0x1082;
	s9 =	sld [smem:$0x3FA9]  }
0x2f: {  	lr =	sadd.s32 s0, s3;
	s0 =	sld [smem:$0x3FA0]  }
0x30: {  	s3 =	sld [smem:$0x3FA3]  }
0x31: {  	[smem:$0x3FAC] =	sst s10  }
0x32: {  	s10 =	sld [smem:$0x3FAA];
	_ =	sdelay $0x3  }
0x33: {  	p0 =	seq.s32 s10, $0x1;
	s10 =	sld [smem:$0x3FAC];
	_ =	sdelay $0x3  }
0x34: {  	[smem:$0x3FAC] =	sst s10  }
0x35: {  	s10 =	sld [smem:$0x3FAB];
	_ =	sdelay $0x3  }
0x36: {  	p1 =	seq.s32 s10, $0x1;
	s10 =	sld [smem:$0x3FAC];
	_ =	sdelay $0x3  }
0x37: {  	[smem:$0x3FAC] =	sst s10  }
0x38: {  	s10 =	sld [smem:$0x3FAD]  }
0x39: {  	_ = 	snop;
	(pc) =	sbr.ind lr, $3  }
0x3a: {  	_ = 	snop  }
0x3b: {  	_ = 	snop  }
0x3c: {  	p2 =	seq.s32 s10, $0x1;
	s10 =	sld [smem:$0x3FAC]  }
0x3d: {  	_ =	shalt  }
0x3e: {  	_ =	shalt  }
0x3f: {  	_ =	shalt  }
0x40: {  	_ =	shalt  }
0x41: {  	_ =	shalt  }
0x42: {  	_ =	shalt  }
0x43: {  	_ =	shalt  }
0x44: {  	_ =	shalt  }
0x45: {  	_ =	shalt  }
0x46: {  	_ =	shalt  }
0x47: {  	_ =	shalt  }
0x48: {  	_ =	shalt  }
0x49: {  	_ =	shalt  }
0x4a: {  	_ =	shalt  }
0x4b: {  	_ =	shalt  }
0x4c: {  	_ =	shalt  }
0x4d: {  	_ =	shalt  }
0x4e: {  	_ =	shalt  }
0x4f: {  	_ =	shalt  }
0x50: {  	_ =	shalt  }
0x51: {  	_ =	shalt  }
0x52: {  	_ =	shalt  }
0x53: {  	_ =	shalt  }
0x54: {  	_ =	shalt  }
0x55: {  	_ =	shalt  }
0x56: {  	_ =	shalt  }
0x57: {  	_ =	shalt  }
0x58: {  	_ =	shalt  }
0x59: {  	_ =	shalt  }
0x5a: {  	_ =	shalt  }
0x5b: {  	_ =	shalt  }
0x5c: {  	_ =	shalt  }
0x5d: {  	_ =	shalt  }
0x5e: {  	_ =	shalt  }
0x5f: {  	_ =	shalt  }
0x60: {  	_ =	shalt  }
0x61: {  	_ =	shalt  }
0x62: {  	_ =	shalt  }
0x63: {  	_ =	shalt  }
0x64: {  	_ =	shalt  }
0x65: {  	_ =	shalt  }
0x66: {  	_ =	shalt  }
0x67: {  	_ =	shalt  }
0x68: {  	_ =	shalt  }
0x69: {  	_ =	shalt  }
0x6a: {  	_ =	shalt  }
0x6b: {  	_ =	shalt  }
0x6c: {  	_ =	shalt  }
0x6d: {  	_ =	shalt  }
0x6e: {  	_ =	shalt  }
0x6f: {  	_ =	shalt  }
0x70: {  	_ =	shalt  }
0x71: {  	_ =	shalt  }
0x72: {  	_ =	shalt  }
0x73: {  	_ =	shalt  }
0x74: {  	_ =	shalt  }
0x75: {  	_ =	shalt  }
0x76: {  	_ =	shalt  }
0x77: {  	_ =	shalt  }
0x78: {  	_ =	shalt  }
0x79: {  	_ =	shalt  }
0x7a: {  	_ =	shalt  }
0x7b: {  	_ =	shalt  }
0x7c: {  	_ =	shalt  }
0x7d: {  	_ =	shalt  }
0x7e: {  	_ =	shalt  }
0x7f: {  	_ =	shalt  }
0x80: {  	_ =	shalt  }
0x81: {  	_ =	shalt  }
0x82: {  	_ =	shalt  }
0x83: {  	_ =	shalt  }
0x84: {  	_ =	shalt  }
0x85: {  	_ =	shalt  }
0x86: {  	_ =	shalt  }
0x87: {  	_ =	shalt  }
.Lfunc_end0:
.L_simem_size_0:
called_computation.2_lowered:
.L_overlay_start_0:
0x88: {  	s2 =	sld [smem:$0x3FD9]  }
0x89: {  	s3 =	sld [smem:$0x3FFE];
	_ =	sdelay $0x1  }
0x8a: {  	s1 =	srdreg.scid  }
0x8b: {  	s0 =	sand.u32 $0x1, s1  }
0x8c: {  	s14 =	sshll.u32 s0, $0xA;
	s2 =	sadd.s32 s3, s2  }
0x8d: {  	s2 =	sadd.s32 s2, s14  }
0x8e: {  	[smem:$0x3FB8] =	sst s2  }
0x8f: {  	_ = 	snop  }
0x90: {  	s2 =	sld [smem:$0x3FD0];
	_ =	sdelay $0x2  }
0x91: {  	s15 =	simm.s32 $0xB;
	s4 =	simm.s32 $0x10  }
0x92: {  	[smem:s4], [sflag:s15] =	dma.local [hbm:s2], $0x1  }
0x93: {  	_ =	swait.eq [sflag:s15], $0x1  }
0x94: {  	[sflag:s15] =	ssyncset.done $0x0  }
0x95: {  	[sflag:s15] =	ssyncadd.s32 $0xFFFFFFFF  }
0x96: {  	s16 =	sld [smem:$0x10];
	(tm) =	ssettm $0x1  }
0x97: {  	s17 =	sld [smem:$0x3FFB];
	_ =	sdelay $0x3  }
0x98: {  	_ =	strace s17  }
0x99: {  	s3 =	sld [smem:$0x3FFC];
	_ =	sdelay $0x3  }
0x9a: {  	_ =	strace s3  }
0x9b: {  	s3 =	sld [smem:$0x3FFD];
	_ =	sdelay $0x3  }
0x9c: {  	_ =	strace s3  }
0x9d: {  	_ =	strace $0x8FFFFFFF  }
0x9e: {  	s18 =	sld [smem:$0x3FDB];
	_ =	sdelay $0x1  }
0x9f: {  	s19 =	simm.s32 $_scs_section_size  }
0xa0: {  	s5 =	simm.s32 $_size__tile_overlayer_lowered;
	s6 =	simm.s32 $_tile_overlayer_lowered  }
0xa1: {  	s22 =	simm.s32 $0x1BFF;
	s21 =	sshll.u32 s6, $0x1;
	s3 =	sadd.s32 s19, s18  }
0xa2: {  	s7 =	simm.s32 $0x0;
	s20 =	sshll.u32 s5, $0x1;
	s5 =	sadd.s32 s21, s3  }
0xa3: {  	[timem:s7], [sflag:s22] =	dma.local [hbm:s5], s20  }
0xa4: {  	_ =	swait.ge [sflag:s22], s20  }
0xa5: {  	s4 =	ssub.s32 $0x0, s20;
	[sflag:s22] =	ssyncset.done $0x0  }
0xa6: {  	[sflag:s22] =	ssyncadd.s32 s4;
	_ =	sdelay $0x1  }
0xa7: {  	s23 =	simm.s32 $0x1B8B  }
0xa8: {  	_ =	swait.ge [sflag:s23], $0x1  }
0xa9: {  	[sflag:s23] =	ssyncset.done $0x0  }
0xaa: {  	s25 =	simm.s32 $0x1B8E;
	s24 =	sld [smem:$0x3FFE];
	[sflag:s23] =	ssyncadd.s32 $0xFFFFFFFF  }
0xab: {  	s26 =	simm.s32 $execute0_lowered;
	[smem:$0x3FD2] =	sst s25  }
0xac: {  	s5 =	sshll.u32 s26, $0x1;
	_ =	strace $0x8000004C;
	[dreg:$0x1] =	wrdreg $0xFFFFFFFF  }
0xad: {  	s28 =	simm.s32 $_size_execute0_lowered;
	s3 =	sadd.s32 s3, s5;
	[dreg:$0x0] =	wrdreg $0x0  }
0xae: {  	s5 =	sshll.u32 s28, $0x1;
	[dreg:$0x2] =	wrdreg s3  }
0xaf: {  	[dreg:$0x3] =	wrdreg s5  }
0xb0: {  	[dreg:$0x4] =	wrdreg $0xC0  }
0xb1: {  	_ =	task [dreg:s7], $0x5FFFF  }
0xb2: {  	[dreg:$0x1] =	wrdreg $0xFFFFFFFF  }
0xb3: {  	[dreg:$0x0] =	wrdreg $0x60  }
0xb4: {  	[dreg:$0x2] =	wrdreg s16  }
0xb5: {  	[dreg:$0x3] =	wrdreg s24  }
0xb6: {  	[dreg:$0x4] =	wrdreg $0x148200  }
0xb7: {  	[dreg:$0x5] =	wrdreg $0x9  }
0xb8: {  	_ =	task.clear_ibuf [dreg:s7], $0x6FFFF;
	_ =	strace $0x9000004C  }
0xb9: {  	s29 =	simm.s32 $0x9;
	_ =	strace $0x8000004E  }
0xba: {  	_ =	swait.ge [sflag:s29], $0x1  }
0xbb: {  	[sflag:s29] =	ssyncadd.s32 $0xFFFFFFFF  }
0xbc: {  	_ =	strace $0x9000004E  }
0xbd: {  	_ =	sfence  }
0xbe: {  	s30 =	sld [smem:$0x0];
	_ =	sdelay $0x2  }
0xbf: {  	s31 =	sshll.u32 s1, $0xD;
	s1 =	sshrl.u32 s1, $0x2  }
0xc0: {  	s3 =	sand.u32 $0x4000, s31;
	s1 =	sadd.s32 s1, s30  }
0xc1: {  	s0 =	sor.u32 s3, s0;
	s1 =	sshll.u32 s1, $0x11  }
0xc2: {  	s0 =	sor.u32 s1, s0  }
0xc3: {  	s0 =	sadd.s32 $0x8F2B, s0  }
0xc4: {  	[sflag:s0] =	ssyncadd.remote.s32 $0x1  }
0xc5: {  	_ =	sfence.sel $0xFFFF  }
0xc6: {  	[dreg:$0x0] =	wrdreg $0xFFFFFFFF;
	(pc) =	sbr.abs _section_cstart, $3  }
0xc7: {  	[dreg:$0x1] =	wrdreg $0xFFFFFFFF  }
0xc8: {  	_ =	task.clear_ibuf [dreg:s7], $0x2FFFF;
	_ =	strace $0x9FFFFFFF  }
0xc9: {  	(tm) =	ssettm $0x7FFFFFFF  }
tec
execute0_lowered:
.L_overlay_start_1:
0x0: {  	(tag) =	ssettag $0x1  }
0x1: {  	s0 =	rddreg [dreg:$0x0]  }
0x2: {  	s1 =	srdreg.scid;
	s7 =	rddreg [dreg:$0x1]  }
0x3: {  	s11 =	stileid.u32;
	s2 =	rddreg [dreg:$0x2];
	s14 =	simm.s32 $0x1  }
0x4: {  	s15 =	simm.s32 $0xC8;
	s16 =	simm.s32 $0x4E20;
	s18 =	simm.s32 $0x8020  }
0x5: {  	s20 =	simm.s32 $0xB220;
	s22 =	simm.s32 $0xE420;
	s24 =	simm.s32 $0x11620  }
0x6: {  	s25 =	simm.s32 $0x2;
	s26 =	simm.s32 $0x3;
	s28 =	simm.s32 $0x4  }
0x7: {  	s29 =	simm.s32 $0x5;
	s30 =	simm.s32 $0x6;
	s19 =	simm.s32 $0x4BC8  }
0x8: {  	s21 =	simm.s32 $0x4D58;
	s23 =	simm.s32 $0x0;
	s1 =	sand.u32 $0x1, s1  }
0x9: {  	s3 =	sshll.u32 s11, $0x1;
	s8 =	smul.u32 $0x9C00, s11;
	s9 =	sadd.s32 $0x2A600, s7  }
0xa: {  	s31 =	sshll.u32 s11, $0x6;
	s13 =	sadd.s32 $0x9C000, s2;
	p0 =	sne.s32 s11, $0x0  }
0xb: {  	s4 =	sor.u32 s1, s3;
	s6 =	ssub.s32 $0x2, s1;
	s1 =	smul.u32 $0x9C400, s1  }
0xc: {  	s3 =	simm.s32 $0x0;
	s13 =	sshrl.u32 @!p0 s13, $0x3;
	s4 =	smul.u32 $0x9C4, s4  }
0xd: {  	[smem:$0x7FF] =	sst s3;
	s5 =	sshrl.u32 s8, $0x3;
	s10 =	sshrl.u32 s6, $0x1  }
0xe: {  	s12 =	sadd.s32 s8, s2;
	_ =	strace $0x8000004D;
	s5 =	sadd.s32 s5, s7  }
0xf: {  	s10 =	ssub.s32 s6, s10;
	s6 =	sor.u32 $0x1C07, s31;
	s8 =	sadd.s32 s8, s1  }
0x10: {  	s1 =	sshrl.u32 s1, $0x3;
	s11 =	sshrl.u32 s12, $0x3;
	s12 =	simm.s32 $0x7  }
0x11: {  	s4 =	sadd.s32 s4, s7;
	s5 =	sadd.s32 $0x16C00, s5;
	s8 =	sshrl.u32 s8, $0x3  }
0x12: {  	s1 =	sadd.s32 s9, s1;
	s7 =	sadd.s32 $0x2A400, s7;
	s10 =	smax.u32 s10, $0x1  }
0x13: {  	s4 =	sadd.s32 $0x3200, s4;
	s8 =	sadd.s32 s9, s8;
	s9 =	sadd.s32 $0x13800, s1  }
.LBB2_1:
0x14: {  	[tilespmem:s3], [sflag:$0x1] =	stream.linear.gather [hbm4b:s4+s3], $0x4E20, $0x38;
	[tilespmem:$0x1E460] =	vst v63  }
0x15: {  	[spmem:s11], [sflag:s6] =	dma.local [hbm:s5], $0x1380  }
0x16: {  	_ =	swait.ge [sflag:s12], $0x1380  }
0x17: {  	[sflag:s12] =	ssyncset.done $0x0  }
0x18: {  	s1 =	simm.s32 @!p0 $0x7;
	[sflag:s12] =	ssyncadd.s32 $0xFFFFEC80  }
0x19: {  	[spmem:s13], [sflag:s6] =	dma.local @!p0 [hbm:s7], $0x80  }
0x1a: {  	_ =	swait.ge @!p0 [sflag:s1], $0x80  }
0x1b: {  	[sflag:s1] =	ssyncset.done @!p0 $0x0  }
0x1c: {  	[sflag:s1] =	ssyncadd.s32 @!p0 $0xFFFFFF80  }
0x1d: {  	_ =	swait.ge [sflag:s14], $0x4E20  }
0x1e: {  	[sflag:s14] =	ssyncset.done $0x0  }
0x1f: {  	[sflag:s14] =	ssyncadd.s32 $0xFFFFB1E0  }
0x20: {  	[bflag:$0x0] =	sbarrier.arrive $0xFFFF  }
0x21: {  	[tilespmem:s16], [sflag:$0x2] =	stream.indirect.gather [hbm4b:s0+s15], $0x40, s3, s15, $0xb8;
	[tilespmem:$0x1E460] =	vst v63  }
0x22: {  	s17 =	simm.s32 $0x190  }
0x23: {  	[tilespmem:s18], [sflag:$0x3] =	stream.indirect.gather [hbm4b:s0+s15], $0x40, s17, s15, $0xb8;
	[tilespmem:$0x1E460] =	vst v63  }
0x24: {  	s17 =	simm.s32 $0x320  }
0x25: {  	[tilespmem:s20], [sflag:$0x4] =	stream.indirect.gather [hbm4b:s0+s15], $0x40, s17, s15, $0xb8;
	[tilespmem:$0x1E460] =	vst v63  }
0x26: {  	s17 =	simm.s32 $0x4B0  }
0x27: {  	[tilespmem:s22], [sflag:$0x5] =	stream.indirect.gather [hbm4b:s0+s15], $0x40, s17, s15, $0xb8;
	[tilespmem:$0x1E460] =	vst v63  }
0x28: {  	s17 =	simm.s32 $0x640  }
0x29: {  	[tilespmem:s24], [sflag:$0x6] =	stream.indirect.gather [hbm4b:s0+s15], $0x40, s17, s15, $0xb8;
	[tilespmem:$0x1E460] =	vst v63  }
0x2a: {  	_ =	swait.ge [sflag:s25], $0x3200  }
0x2b: {  	[sflag:s25] =	ssyncset.done $0x0  }
0x2c: {  	s17 =	simm.s32 $0xC8;
	[sflag:s25] =	ssyncadd.s32 $0xFFFFCE00  }
0x2d: {  	[spmem:s2] =	stream.indirect.scatter.add.f32 [tilespmem:s16], [sflag:$0x7], $0x40, s17, s15, $0xb8;
	[tilespmem:$0x1E460] =	vst v63  }
0x2e: {  	_ =	swait.ge [sflag:s12], $0x3200  }
0x2f: {  	[sflag:s12] =	ssyncset.done $0x0  }
0x30: {  	s17 =	simm.s32 $0x7D0;
	[sflag:s12] =	ssyncadd.s32 $0xFFFFCE00  }
0x31: {  	[tilespmem:s16], [sflag:$0x2] =	stream.indirect.gather [hbm4b:s0+s15], $0x40, s17, s15, $0xb8;
	[tilespmem:$0x1E460] =	vst v63  }
0x32: {  	_ =	swait.ge [sflag:s26], $0x3200  }
0x33: {  	[sflag:s26] =	ssyncset.done $0x0  }
0x34: {  	s17 =	simm.s32 $0x258;
	[sflag:s26] =	ssyncadd.s32 $0xFFFFCE00  }
0x35: {  	[spmem:s2] =	stream.indirect.scatter.add.f32 [tilespmem:s18], [sflag:$0x7], $0x40, s17, s15, $0xb8;
	[tilespmem:$0x1E460] =	vst v63  }
0x36: {  	_ =	swait.ge [sflag:s12], $0x3200  }
0x37: {  	[sflag:s12] =	ssyncset.done $0x0  }
0x38: {  	s17 =	simm.s32 $0x960;
	[sflag:s12] =	ssyncadd.s32 $0xFFFFCE00  }
0x39: {  	[tilespmem:s18], [sflag:$0x3] =	stream.indirect.gather [hbm4b:s0+s15], $0x40, s17, s15, $0xb8;
	[tilespmem:$0x1E460] =	vst v63  }
0x3a: {  	_ =	swait.ge [sflag:s28], $0x3200  }
0x3b: {  	[sflag:s28] =	ssyncset.done $0x0  }
0x3c: {  	s17 =	simm.s32 $0x3E8;
	[sflag:s28] =	ssyncadd.s32 $0xFFFFCE00  }
0x3d: {  	[spmem:s2] =	stream.indirect.scatter.add.f32 [tilespmem:s20], [sflag:$0x7], $0x40, s17, s15, $0xb8;
	[tilespmem:$0x1E460] =	vst v63  }
0x3e: {  	_ =	swait.ge [sflag:s12], $0x3200  }
0x3f: {  	[sflag:s12] =	ssyncset.done $0x0  }
0x40: {  	s17 =	simm.s32 $0xAF0;
	[sflag:s12] =	ssyncadd.s32 $0xFFFFCE00  }
0x41: {  	[tilespmem:s20], [sflag:$0x4] =	stream.indirect.gather [hbm4b:s0+s15], $0x40, s17, s15, $0xb8;
	[tilespmem:$0x1E460] =	vst v63  }
0x42: {  	_ =	swait.ge [sflag:s29], $0x3200  }
0x43: {  	[sflag:s29] =	ssyncset.done $0x0  }
0x44: {  	s17 =	simm.s32 $0x578;
	[sflag:s29] =	ssyncadd.s32 $0xFFFFCE00  }
0x45: {  	[spmem:s2] =	stream.indirect.scatter.add.f32 [tilespmem:s22], [sflag:$0x7], $0x40, s17, s15, $0xb8;
	[tilespmem:$0x1E460] =	vst v63  }
0x46: {  	_ =	swait.ge [sflag:s12], $0x3200  }
0x47: {  	[sflag:s12] =	ssyncset.done $0x0  }
0x48: {  	s17 =	simm.s32 $0xC80;
	[sflag:s12] =	ssyncadd.s32 $0xFFFFCE00  }
0x49: {  	[tilespmem:s22], [sflag:$0x5] =	stream.indirect.gather [hbm4b:s0+s15], $0x40, s17, s15, $0xb8;
	[tilespmem:$0x1E460] =	vst v63  }
0x4a: {  	_ =	swait.ge [sflag:s30], $0x3200  }
0x4b: {  	[sflag:s30] =	ssyncset.done $0x0  }
0x4c: {  	s17 =	simm.s32 $0x708;
	[sflag:s30] =	ssyncadd.s32 $0xFFFFCE00  }
0x4d: {  	[spmem:s2] =	stream.indirect.scatter.add.f32 [tilespmem:s24], [sflag:$0x7], $0x40, s17, s15, $0xb8;
	[tilespmem:$0x1E460] =	vst v63  }
0x4e: {  	_ =	swait.ge [sflag:s12], $0x3200  }
0x4f: {  	[sflag:s12] =	ssyncset.done $0x0  }
0x50: {  	s31 =	simm.s32 $0x1F40;
	s1 =	simm.s32 $0xE10;
	[sflag:s12] =	ssyncadd.s32 $0xFFFFCE00  }
.LBB2_2:
0x51: {  	[tilespmem:s24], [sflag:$0x6] =	stream.indirect.gather [hbm4b:s0+s15], $0x40, s1, s15, $0xb8;
	[tilespmem:$0x1E460] =	vst v63  }
0x52: {  	s1 =	smov.u32 s31  }
0x53: {  	p1 =	sne.s32 s31, $0xFA00;
	s31 =	sadd.s32 $0x1F40, s31;
	_ =	swait.ge [sflag:s25], $0x3200  }
0x54: {  	s1 =	sshra.s32 s1, $0x2;
	[sflag:s25] =	ssyncset.done $0x0  }
0x55: {  	s17 =	sadd.s32 $0xC8, s1;
	[sflag:s25] =	ssyncadd.s32 $0xFFFFCE00  }
0x56: {  	[spmem:s2] =	stream.indirect.scatter.add.f32 [tilespmem:s16], [sflag:$0x7], $0x40, s17, s15, $0xb8;
	[tilespmem:$0x1E460] =	vst v63  }
0x57: {  	_ =	swait.ge [sflag:s12], $0x3200  }
0x58: {  	[sflag:s12] =	ssyncset.done $0x0  }
0x59: {  	s17 =	sadd.s32 $0x7D0, s1;
	[sflag:s12] =	ssyncadd.s32 $0xFFFFCE00  }
0x5a: {  	[tilespmem:s16], [sflag:$0x2] =	stream.indirect.gather [hbm4b:s0+s15], $0x40, s17, s15, $0xb8;
	[tilespmem:$0x1E460] =	vst v63  }
0x5b: {  	_ =	swait.ge [sflag:s26], $0x3200  }
0x5c: {  	[sflag:s26] =	ssyncset.done $0x0  }
0x5d: {  	s17 =	sadd.s32 $0x258, s1;
	[sflag:s26] =	ssyncadd.s32 $0xFFFFCE00  }
0x5e: {  	[spmem:s2] =	stream.indirect.scatter.add.f32 [tilespmem:s18], [sflag:$0x7], $0x40, s17, s15, $0xb8;
	[tilespmem:$0x1E460] =	vst v63  }
0x5f: {  	_ =	swait.ge [sflag:s12], $0x3200  }
0x60: {  	[sflag:s12] =	ssyncset.done $0x0  }
0x61: {  	s17 =	sadd.s32 $0x960, s1;
	[sflag:s12] =	ssyncadd.s32 $0xFFFFCE00  }
0x62: {  	[tilespmem:s18], [sflag:$0x3] =	stream.indirect.gather [hbm4b:s0+s15], $0x40, s17, s15, $0xb8;
	[tilespmem:$0x1E460] =	vst v63  }
0x63: {  	_ =	swait.ge [sflag:s28], $0x3200  }
0x64: {  	[sflag:s28] =	ssyncset.done $0x0  }
0x65: {  	s17 =	sadd.s32 $0x3E8, s1;
	[sflag:s28] =	ssyncadd.s32 $0xFFFFCE00  }
0x66: {  	[spmem:s2] =	stream.indirect.scatter.add.f32 [tilespmem:s20], [sflag:$0x7], $0x40, s17, s15, $0xb8;
	[tilespmem:$0x1E460] =	vst v63  }
0x67: {  	_ =	swait.ge [sflag:s12], $0x3200  }
0x68: {  	[sflag:s12] =	ssyncset.done $0x0  }
0x69: {  	s17 =	sadd.s32 $0xAF0, s1;
	[sflag:s12] =	ssyncadd.s32 $0xFFFFCE00  }
0x6a: {  	[tilespmem:s20], [sflag:$0x4] =	stream.indirect.gather [hbm4b:s0+s15], $0x40, s17, s15, $0xb8;
	[tilespmem:$0x1E460] =	vst v63  }
0x6b: {  	_ =	swait.ge [sflag:s29], $0x3200  }
0x6c: {  	[sflag:s29] =	ssyncset.done $0x0  }
0x6d: {  	s17 =	sadd.s32 $0x578, s1;
	[sflag:s29] =	ssyncadd.s32 $0xFFFFCE00  }
0x6e: {  	[spmem:s2] =	stream.indirect.scatter.add.f32 [tilespmem:s22], [sflag:$0x7], $0x40, s17, s15, $0xb8;
	[tilespmem:$0x1E460] =	vst v63  }
0x6f: {  	_ =	swait.ge [sflag:s12], $0x3200  }
0x70: {  	[sflag:s12] =	ssyncset.done $0x0  }
0x71: {  	s17 =	sadd.s32 $0xC80, s1;
	[sflag:s12] =	ssyncadd.s32 $0xFFFFCE00  }
0x72: {  	[tilespmem:s22], [sflag:$0x5] =	stream.indirect.gather [hbm4b:s0+s15], $0x40, s17, s15, $0xb8;
	[tilespmem:$0x1E460] =	vst v63  }
0x73: {  	_ =	swait.ge [sflag:s30], $0x3200  }
0x74: {  	[sflag:s30] =	ssyncset.done $0x0  }
.Ltmp0:
0x75: {  	s17 =	sadd.s32 $0x708, s1;
	[sflag:s30] =	ssyncadd.s32 $0xFFFFCE00;
	(pc) =	sbr.rel @p1 .LBB2_2-.Ltmp0, $4  }
0x76: {  	[spmem:s2] =	stream.indirect.scatter.add.f32 [tilespmem:s24], [sflag:$0x7], $0x40, s17, s15, $0xb8;
	[tilespmem:$0x1E460] =	vst v63  }
0x77: {  	_ =	swait.ge [sflag:s12], $0x3200  }
0x78: {  	[sflag:s12] =	ssyncset.done $0x0  }
0x79: {  	s1 =	sadd.s32 $0xE10, s1;
	[sflag:s12] =	ssyncadd.s32 $0xFFFFCE00  }
0x7a: {  	[tilespmem:s24], [sflag:$0x6] =	stream.indirect.gather [hbm4b:s0+s15], $0x40, s1, s15, $0xb8;
	[tilespmem:$0x1E460] =	vst v63  }
0x7b: {  	_ =	swait.ge [sflag:s25], $0x3200  }
0x7c: {  	[sflag:s25] =	ssyncset.done $0x0  }
0x7d: {  	s31 =	simm.s32 $0x4718;
	[sflag:s25] =	ssyncadd.s32 $0xFFFFCE00  }
0x7e: {  	[spmem:s2] =	stream.indirect.scatter.add.f32 [tilespmem:s16], [sflag:$0x7], $0x40, s31, s15, $0xb8;
	[tilespmem:$0x1E460] =	vst v63  }
0x7f: {  	_ =	swait.ge [sflag:s12], $0x3200  }
0x80: {  	[sflag:s12] =	ssyncset.done $0x0  }
0x81: {  	[sflag:s12] =	ssyncadd.s32 $0xFFFFCE00  }
0x82: {  	_ =	swait.ge [sflag:s26], $0x3200  }
0x83: {  	[sflag:s26] =	ssyncset.done $0x0  }
0x84: {  	s17 =	simm.s32 $0x48A8;
	[sflag:s26] =	ssyncadd.s32 $0xFFFFCE00  }
0x85: {  	[spmem:s2] =	stream.indirect.scatter.add.f32 [tilespmem:s18], [sflag:$0x7], $0x40, s17, s15, $0xb8;
	[tilespmem:$0x1E460] =	vst v63  }
0x86: {  	_ =	swait.ge [sflag:s12], $0x3200  }
0x87: {  	[sflag:s12] =	ssyncset.done $0x0  }
0x88: {  	[sflag:s12] =	ssyncadd.s32 $0xFFFFCE00  }
0x89: {  	_ =	swait.ge [sflag:s28], $0x3200  }
0x8a: {  	[sflag:s28] =	ssyncset.done $0x0  }
0x8b: {  	s31 =	simm.s32 $0x4A38;
	[sflag:s28] =	ssyncadd.s32 $0xFFFFCE00  }
0x8c: {  	[spmem:s2] =	stream.indirect.scatter.add.f32 [tilespmem:s20], [sflag:$0x7], $0x40, s31, s15, $0xb8;
	[tilespmem:$0x1E460] =	vst v63  }
0x8d: {  	_ =	swait.ge [sflag:s12], $0x3200  }
0x8e: {  	[sflag:s12] =	ssyncset.done $0x0  }
0x8f: {  	[sflag:s12] =	ssyncadd.s32 $0xFFFFCE00  }
0x90: {  	_ =	swait.ge [sflag:s29], $0x3200  }
0x91: {  	[sflag:s29] =	ssyncset.done $0x0  }
0x92: {  	[sflag:s29] =	ssyncadd.s32 $0xFFFFCE00  }
0x93: {  	[spmem:s2] =	stream.indirect.scatter.add.f32 [tilespmem:s22], [sflag:$0x7], $0x40, s19, s15, $0xb8;
	[tilespmem:$0x1E460] =	vst v63  }
0x94: {  	_ =	swait.ge [sflag:s12], $0x3200  }
0x95: {  	[sflag:s12] =	ssyncset.done $0x0  }
0x96: {  	[sflag:s12] =	ssyncadd.s32 $0xFFFFCE00  }
0x97: {  	_ =	swait.ge [sflag:s30], $0x3200  }
0x98: {  	[sflag:s30] =	ssyncset.done $0x0  }
0x99: {  	[sflag:s30] =	ssyncadd.s32 $0xFFFFCE00  }
0x9a: {  	[spmem:s2] =	stream.indirect.scatter.add.f32 [tilespmem:s24], [sflag:$0x7], $0x40, s21, s15, $0xb8;
	[tilespmem:$0x1E460] =	vst v63  }
0x9b: {  	_ =	swait.ge [sflag:s12], $0x3200  }
0x9c: {  	[sflag:s12] =	ssyncset.done $0x0  }
0x9d: {  	[sflag:s12] =	ssyncadd.s32 $0xFFFFCE00  }
0x9e: {  	[bflag:$0x0] =	sbarrier.arrive $0xFFFF  }
0x9f: {  	[hbm:s8], [sflag:s6] =	dma.local [spmem:s11], $0x1380  }
0xa0: {  	s23 =	sadd.s32 $0x1, s23;
	_ =	swait.ge [sflag:s12], $0x1380  }
0xa1: {  	p1 =	sne.s32 s23, s10;
	[sflag:s12] =	ssyncset.done $0x0  }
.Ltmp1:
0xa2: {  	s1 =	simm.s32 @!p0 $0x7;
	[sflag:s12] =	ssyncadd.s32 $0xFFFFEC80;
	(pc) =	sbr.rel @p1 .LBB2_1-.Ltmp1, $4  }
0xa3: {  	[hbm:s9], [sflag:s6] =	dma.local @!p0 [spmem:s13], $0x80  }
0xa4: {  	_ =	swait.ge @!p0 [sflag:s1], $0x80  }
0xa5: {  	[sflag:s1] =	ssyncset.done @!p0 $0x0  }
0xa6: {  	[sflag:s1] =	ssyncadd.s32 @!p0 $0xFFFFFF80  }
0xa7: {  	_ =	sfence.sel $0x180000  }
0xa8: {  	[bflag:$0x0] =	sbarrier.arrive $0xFFFF  }
0xa9: {  	_ =	strace $0x9000004D  }
0xaa: {  	[bflag:$0x2] =	sbarrier.arrive $0xFFFF  }
0xab: {  	s0 =	rddreg [dreg:$0x3]  }
0xac: {  	s0 =	sadd.s32 @!p0 $0x100000, s0  }
0xad: {  	[sflag:s0] =	ssyncadd.tile.s32 @!p0 $0x1;
	_ =	shalt  }
.Lfunc_end2:
_tile_overlayer_lowered:
.L_overlay_start_2:
0xae: {  	(tag) =	ssettag $0x2  }
0xaf: {  	s0 =	rddreg [dreg:$0x0];
	s2 =	stileid.u32  }
0xb0: {  	s1 =	rddreg [dreg:$0x1];
	p0 =	sne.s32 s2, $0x0  }
0xb1: {  	s3 =	rddreg [dreg:$0x2];
	[bflag:$0x3] =	sbarrier.arrive $0xFFFF;
	s2 =	simm.s32 @!p0 $0x1C07  }
0xb2: {  	[timem:s3], [sflag:s2] =	dma.local @!p0 [hbm:s0], s1  }
0xb3: {  	s0 =	simm.s32 @!p0 $0x7  }
0xb4: {  	_ =	swait.ge @!p0 [sflag:s0], s1  }
0xb5: {  	s1 =	ssub.s32 @!p0 $0x0, s1;
	[sflag:s0] =	ssyncset.done @!p0 $0x0  }
0xb6: {  	[sflag:s0] =	ssyncadd.s32 @!p0 s1  }
0xb7: {  	[bflag:$0x3] =	sbarrier.arrive $0xFFFF  }
0xb8: {  	_ =	shalt  }

// kernel: kernel.8.cloned.1.call-start
scs
__scs_entry_jumppad:
0x0: {  	(pc) =	sbr.rel $0x88, $3  }
0x1: {  	(tag) =	ssettag $0x0;
	lr =	simm.s32 $0x1  }
0x2: {  	[smem:$0x3F91] =	sst lr;
	_ =	strace $0xD0000000  }
0x3: {  	_ = 	snop  }
0x4: {  	_ = 	snop  }
0x5: {  	_ = 	snop  }
0x6: {  	_ = 	snop  }
0x7: {  	_ = 	snop  }
__scs_overlays_trampoline_lowered:
0x8: {  	[smem:$0x3FA0] =	sst s0  }
0x9: {  	[smem:$0x3FA1] =	sst s1  }
0xa: {  	[smem:$0x3FA2] =	sst s2  }
0xb: {  	[smem:$0x3FA3] =	sst s3  }
0xc: {  	[smem:$0x3FA4] =	sst s4  }
0xd: {  	[smem:$0x3FA5] =	sst s5  }
0xe: {  	[smem:$0x3FA6] =	sst s6  }
0xf: {  	[smem:$0x3FA7] =	sst s7  }
0x10: {  	[smem:$0x3FA8] =	sst s8  }
0x11: {  	[smem:$0x3FA9] =	sst s9;
	s0 =	simm.s32 @!p0 $0x0  }
0x12: {  	s1 =	sld [smem:$0x3F8F];
	s0 =	simm.s32 @p0 $0x1  }
0x13: {  	[smem:$0x3FAA] =	sst s0;
	s0 =	simm.s32 @!p1 $0x0  }
0x14: {  	s2 =	sld [smem:$0x3F8E];
	s0 =	simm.s32 @p1 $0x1  }
0x15: {  	[smem:$0x3FAB] =	sst s0;
	s0 =	simm.s32 @!p2 $0x0  }
0x16: {  	s3 =	sld [smem:$0x3FDB];
	s0 =	simm.s32 @p2 $0x1  }
0x17: {  	s4 =	simm.s32 $0x1BF5;
	[smem:$0x3FAD] =	sst s0  }
0x18: {  	s0 =	sld [smem:$0x3F90];
	_ =	swait.ge [sflag:s4], $0x0  }
0x19: {  	s7 =	sld [smem:$0x3F91]  }
0x1a: {  	s8 =	sadd.s32 $0xFFFFE003, lr  }
0x1b: {  	s9 =	sadd.s32 $0xFFFFFEF7, lr;
	s5 =	simm.s32 $0xFFFFFFFF;
	p2 =	slt.u32 s8, $0xFFFFF086  }
0x1c: {  	p1 =	slt.u32 s9, $0xF7A;
	s5 =	simm.s32 @!p2 $0x0  }
0x1d: {  	s5 =	simm.s32 @p1 $0x1;
	p0 =	seq.s32 s7, s2  }
0x1e: {  	s7 =	smul.u32 @!p0 $0xF7A, s2;
	p2 =	seq.s32 @!p0 s5, $0x0  }
0x1f: {  	s9 =	smul.u32 $0xF7A, s1;
	s8 =	simm.s32 @!p0 $0x1BF5;
	p2 =	por !p2, p0  }
0x20: {  	[sflag:s8] =	ssyncset.s32 @!p0 $0xFFFFF086;
	s6 =	sadd.s32 @!p0 s3, s7;
	s7 =	simm.s32 @!p0 $0x108  }
0x21: {  	s3 =	sadd.s32 s3, s9;
	s6 =	sadd.s32 @!p0 $0x88, s6;
	s7 =	simm.s32 @p2 $0x1082  }
0x22: {  	[simem:s7], [sflag:s8] =	dma.local @!p0 [hbm:s6], $0xF7A  }
0x23: {  	s9 =	sor.u32 $0xD0000000, s2;
	s6 =	simm.s32 $0x108;
	_ =	swait.ge @!p0 [sflag:s8], $0x0  }
0x24: {  	s3 =	sadd.s32 $0x88, s3;
	s6 =	simm.s32 @!p1 $0x1082;
	[sflag:s4] =	ssyncset.s32 $0xFFFFF086  }
0x25: {  	[simem:s6], [sflag:s4] =	dma.local [hbm:s3], $0xF7A  }
0x26: {  	[smem:$0x3F91] =	sst s1;
	(tag) =	ssettag s2;
	_ =	strace s9  }
0x27: {  	s1 =	sld [smem:$0x3FA1]  }
0x28: {  	s2 =	sld [smem:$0x3FA2]  }
0x29: {  	s4 =	sld [smem:$0x3FA4]  }
0x2a: {  	p0 =	seq.s32 s5, $0x0;
	s5 =	sld [smem:$0x3FA5]  }
0x2b: {  	s6 =	sld [smem:$0x3FA6]  }
0x2c: {  	s7 =	sld [smem:$0x3FA7]  }
0x2d: {  	s3 =	simm.s32 $0x108;
	s8 =	sld [smem:$0x3FA8]  }
0x2e: {  	s3 =	simm.s32 @!p0 $0x1082;
	s9 =	sld [smem:$0x3FA9]  }
0x2f: {  	lr =	sadd.s32 s0, s3;
	s0 =	sld [smem:$0x3FA0]  }
0x30: {  	s3 =	sld [smem:$0x3FA3]  }
0x31: {  	[smem:$0x3FAC] =	sst s10  }
0x32: {  	s10 =	sld [smem:$0x3FAA];
	_ =	sdelay $0x3  }
0x33: {  	p0 =	seq.s32 s10, $0x1;
	s10 =	sld [smem:$0x3FAC];
	_ =	sdelay $0x3  }
0x34: {  	[smem:$0x3FAC] =	sst s10  }
0x35: {  	s10 =	sld [smem:$0x3FAB];
	_ =	sdelay $0x3  }
0x36: {  	p1 =	seq.s32 s10, $0x1;
	s10 =	sld [smem:$0x3FAC];
	_ =	sdelay $0x3  }
0x37: {  	[smem:$0x3FAC] =	sst s10  }
0x38: {  	s10 =	sld [smem:$0x3FAD]  }
0x39: {  	_ = 	snop;
	(pc) =	sbr.ind lr, $3  }
0x3a: {  	_ = 	snop  }
0x3b: {  	_ = 	snop  }
0x3c: {  	p2 =	seq.s32 s10, $0x1;
	s10 =	sld [smem:$0x3FAC]  }
0x3d: {  	_ =	shalt  }
0x3e: {  	_ =	shalt  }
0x3f: {  	_ =	shalt  }
0x40: {  	_ =	shalt  }
0x41: {  	_ =	shalt  }
0x42: {  	_ =	shalt  }
0x43: {  	_ =	shalt  }
0x44: {  	_ =	shalt  }
0x45: {  	_ =	shalt  }
0x46: {  	_ =	shalt  }
0x47: {  	_ =	shalt  }
0x48: {  	_ =	shalt  }
0x49: {  	_ =	shalt  }
0x4a: {  	_ =	shalt  }
0x4b: {  	_ =	shalt  }
0x4c: {  	_ =	shalt  }
0x4d: {  	_ =	shalt  }
0x4e: {  	_ =	shalt  }
0x4f: {  	_ =	shalt  }
0x50: {  	_ =	shalt  }
0x51: {  	_ =	shalt  }
0x52: {  	_ =	shalt  }
0x53: {  	_ =	shalt  }
0x54: {  	_ =	shalt  }
0x55: {  	_ =	shalt  }
0x56: {  	_ =	shalt  }
0x57: {  	_ =	shalt  }
0x58: {  	_ =	shalt  }
0x59: {  	_ =	shalt  }
0x5a: {  	_ =	shalt  }
0x5b: {  	_ =	shalt  }
0x5c: {  	_ =	shalt  }
0x5d: {  	_ =	shalt  }
0x5e: {  	_ =	shalt  }
0x5f: {  	_ =	shalt  }
0x60: {  	_ =	shalt  }
0x61: {  	_ =	shalt  }
0x62: {  	_ =	shalt  }
0x63: {  	_ =	shalt  }
0x64: {  	_ =	shalt  }
0x65: {  	_ =	shalt  }
0x66: {  	_ =	shalt  }
0x67: {  	_ =	shalt  }
0x68: {  	_ =	shalt  }
0x69: {  	_ =	shalt  }
0x6a: {  	_ =	shalt  }
0x6b: {  	_ =	shalt  }
0x6c: {  	_ =	shalt  }
0x6d: {  	_ =	shalt  }
0x6e: {  	_ =	shalt  }
0x6f: {  	_ =	shalt  }
0x70: {  	_ =	shalt  }
0x71: {  	_ =	shalt  }
0x72: {  	_ =	shalt  }
0x73: {  	_ =	shalt  }
0x74: {  	_ =	shalt  }
0x75: {  	_ =	shalt  }
0x76: {  	_ =	shalt  }
0x77: {  	_ =	shalt  }
0x78: {  	_ =	shalt  }
0x79: {  	_ =	shalt  }
0x7a: {  	_ =	shalt  }
0x7b: {  	_ =	shalt  }
0x7c: {  	_ =	shalt  }
0x7d: {  	_ =	shalt  }
0x7e: {  	_ =	shalt  }
0x7f: {  	_ =	shalt  }
0x80: {  	_ =	shalt  }
0x81: {  	_ =	shalt  }
0x82: {  	_ =	shalt  }
0x83: {  	_ =	shalt  }
0x84: {  	_ =	shalt  }
0x85: {  	_ =	shalt  }
0x86: {  	_ =	shalt  }
0x87: {  	_ =	shalt  }
.Lfunc_end0:
.L_simem_size_0:
called_computation_lowered:
.L_overlay_start_0:
0x88: {  	s2 =	sld [smem:$0x3FD9]  }
0x89: {  	s3 =	sld [smem:$0x3FFE];
	_ =	sdelay $0x1  }
0x8a: {  	s1 =	srdreg.scid  }
0x8b: {  	s0 =	sand.u32 $0x1, s1  }
0x8c: {  	s15 =	sshll.u32 s0, $0xA;
	s2 =	sadd.s32 s3, s2  }
0x8d: {  	s2 =	sadd.s32 s2, s15  }
0x8e: {  	[smem:$0x3FB8] =	sst s2  }
0x8f: {  	_ = 	snop  }
0x90: {  	s2 =	sld [smem:$0x3FD0];
	_ =	sdelay $0x2  }
0x91: {  	s16 =	simm.s32 $0xB;
	s4 =	simm.s32 $0x10  }
0x92: {  	[smem:s4], [sflag:s16] =	dma.local [hbm:s2], $0x1  }
0x93: {  	_ =	swait.eq [sflag:s16], $0x1  }
0x94: {  	[sflag:s16] =	ssyncset.done $0x0  }
0x95: {  	[sflag:s16] =	ssyncadd.s32 $0xFFFFFFFF  }
0x96: {  	s17 =	sld [smem:$0x12];
	(tm) =	ssettm $0x1  }
0x97: {  	s18 =	sld [smem:$0x3FFB];
	_ =	sdelay $0x3  }
0x98: {  	_ =	strace s18  }
0x99: {  	s2 =	sld [smem:$0x3FFC];
	_ =	sdelay $0x3  }
0x9a: {  	_ =	strace s2  }
0x9b: {  	s2 =	sld [smem:$0x3FFD];
	_ =	sdelay $0x3  }
0x9c: {  	_ =	strace s2  }
0x9d: {  	_ =	strace $0x8FFFFFFF  }
0x9e: {  	s19 =	sld [smem:$0x3FDB];
	_ =	sdelay $0x1  }
0x9f: {  	s20 =	simm.s32 $_scs_section_size  }
0xa0: {  	s5 =	simm.s32 $_size__tile_overlayer_lowered;
	s6 =	simm.s32 $_tile_overlayer_lowered  }
0xa1: {  	s7 =	simm.s32 $0x1BFF;
	s21 =	sshll.u32 s6, $0x1;
	s4 =	sadd.s32 s20, s19  }
0xa2: {  	s22 =	simm.s32 $0x0;
	s5 =	sshll.u32 s5, $0x1;
	s6 =	sadd.s32 s21, s4  }
0xa3: {  	[timem:s22], [sflag:s7] =	dma.local [hbm:s6], s5  }
0xa4: {  	_ =	swait.ge [sflag:s7], s5  }
0xa5: {  	s5 =	ssub.s32 $0x0, s5;
	[sflag:s7] =	ssyncset.done $0x0  }
0xa6: {  	[sflag:s7] =	ssyncadd.s32 s5;
	_ =	sdelay $0x1  }
0xa7: {  	s23 =	simm.s32 $0x1B8B  }
0xa8: {  	_ =	swait.ge [sflag:s23], $0x1  }
0xa9: {  	[sflag:s23] =	ssyncset.done $0x0  }
0xaa: {  	[sflag:s23] =	ssyncadd.s32 $0xFFFFFFFF  }
0xab: {  	s5 =	sld [smem:$0x0]  }
0xac: {  	s6 =	sand.u32 $0xFFFFFFFE, s1  }
0xad: {  	p0 =	sne.s32 s1, s6  }
0xae: {  	s6 =	sshll.u32 @p0 s6, $0xE  }
0xaf: {  	s6 =	sadd.s32 @p0 $0x11B8D, s6;
	s7 =	sshll.u32 @p0 s5, $0x11  }
0xb0: {  	s6 =	sor.u32 @p0 s7, s6  }
0xb1: {  	[sflag:s6] =	ssyncadd.remote.s32 @p0 $0x1;
	_ =	sdelay $0x1  }
0xb2: {  	s6 =	simm.s32 @p0 $0x1B8D  }
0xb3: {  	_ =	swait.eq @p0 [sflag:s6], $0x1  }
0xb4: {  	[sflag:s6] =	ssyncadd.s32 @p0 $0xFFFFFFFF  }
0xb5: {  	s7 =	sshll.u32 @!p0 s1, $0xE  }
0xb6: {  	s7 =	sor.u32 @!p0 $0x4000, s7;
	s6 =	simm.s32 @!p0 $0x1B8D  }
0xb7: {  	s5 =	sshll.u32 @!p0 s5, $0x11;
	s7 =	sadd.s32 @!p0 $0x11B8D, s7;
	_ =	swait.eq @!p0 [sflag:s6], $0x1  }
0xb8: {  	s5 =	sor.u32 @!p0 s5, s7;
	[sflag:s6] =	ssyncadd.s32 @!p0 $0xFFFFFFFF  }
0xb9: {  	s25 =	simm.s32 $0x1B8E;
	s24 =	sld [smem:$0x3FFE];
	[sflag:s5] =	ssyncadd.remote.s32 @!p0 $0x1  }
0xba: {  	s26 =	simm.s32 $execute0_lowered;
	[smem:$0x3FD2] =	sst s25  }
0xbb: {  	s6 =	sshll.u32 s26, $0x1;
	_ =	strace $0x80000049;
	[dreg:$0x1] =	wrdreg $0xFFFFFFFF  }
0xbc: {  	s28 =	simm.s32 $_size_execute0_lowered;
	s4 =	sadd.s32 s4, s6;
	[dreg:$0x0] =	wrdreg $0x0  }
0xbd: {  	s6 =	sshll.u32 s28, $0x1;
	[dreg:$0x2] =	wrdreg s4  }
0xbe: {  	[dreg:$0x3] =	wrdreg s6  }
0xbf: {  	[dreg:$0x4] =	wrdreg $0xC0  }
0xc0: {  	_ =	task [dreg:s22], $0x5FFFF  }
0xc1: {  	[dreg:$0x1] =	wrdreg $0xFFFFFFFF  }
0xc2: {  	[dreg:$0x0] =	wrdreg $0x60  }
0xc3: {  	[dreg:$0x2] =	wrdreg s24  }
0xc4: {  	[dreg:$0x3] =	wrdreg s17  }
0xc5: {  	[dreg:$0x4] =	wrdreg $0x54600  }
0xc6: {  	[dreg:$0x5] =	wrdreg $0x9  }
0xc7: {  	_ =	task.clear_ibuf [dreg:s22], $0x6FFFF;
	_ =	strace $0x90000049  }
0xc8: {  	s29 =	simm.s32 $0x9;
	_ =	strace $0x8000004B  }
0xc9: {  	_ =	swait.ge [sflag:s29], $0x1  }
0xca: {  	[sflag:s29] =	ssyncadd.s32 $0xFFFFFFFF  }
0xcb: {  	_ =	strace $0x9000004B  }
0xcc: {  	_ =	sfence  }
0xcd: {  	s30 =	sld [smem:$0x0];
	_ =	sdelay $0x2  }
0xce: {  	s31 =	sshll.u32 s1, $0xD;
	s1 =	sshrl.u32 s1, $0x2  }
0xcf: {  	s4 =	sand.u32 $0x4000, s31;
	s1 =	sadd.s32 s1, s30  }
0xd0: {  	s0 =	sor.u32 s4, s0;
	s1 =	sshll.u32 s1, $0x11  }
0xd1: {  	s0 =	sor.u32 s1, s0  }
0xd2: {  	s0 =	sadd.s32 $0x8F2B, s0  }
0xd3: {  	[sflag:s0] =	ssyncadd.remote.s32 $0x1  }
0xd4: {  	_ =	sfence.sel $0xFFFF  }
0xd5: {  	[dreg:$0x0] =	wrdreg $0xFFFFFFFF;
	(pc) =	sbr.abs _section_cstart, $3  }
0xd6: {  	[dreg:$0x1] =	wrdreg $0xFFFFFFFF  }
0xd7: {  	_ =	task.clear_ibuf [dreg:s22], $0x2FFFF;
	_ =	strace $0x9FFFFFFF  }
0xd8: {  	(tm) =	ssettm $0x7FFFFFFF  }
0xd9: {  	_ =	shalt  }
tec
execute0_lowered:
.L_overlay_start_1:
0x0: {  	(tag) =	ssettag $0x1  }
0x1: {  	s7 =	rddreg [dreg:$0x0]  }
0x2: {  	s0 =	srdreg.scid;
	s1 =	rddreg [dreg:$0x1]  }
0x3: {  	s11 =	stileid.u32;
	s2 =	rddreg [dreg:$0x2]  }
0x4: {  	s3 =	simm.s32 $0x0;
	s15 =	simm.s32 $0x1;
	s16 =	simm.s32 $0xC8  }
0x5: {  	s17 =	simm.s32 $0x0;
	s5 =	sand.u32 $0x1, s0;
	s0 =	rddreg [dreg:$0x3]  }
0x6: {  	s29 =	sshll.u32 s11, $0x1;
	[smem:$0x7FF] =	sst s3;
	s8 =	smul.u32 $0x1380, s11  }
0x7: {  	s10 =	sadd.s32 $0x54000, s7;
	s31 =	sshll.u32 s11, $0x6;
	s14 =	sadd.s32 $0x13800, s2  }
0x8: {  	p0 =	sne.s32 s11, $0x0;
	s4 =	sor.u32 s5, s29;
	_ =	strace $0x8000004A  }
0x9: {  	s9 =	ssub.s32 $0x2, s5;
	s30 =	smul.u32 $0x13880, s5;
	s14 =	sshrl.u32 @!p0 s14, $0x3  }
0xa: {  	s4 =	smul.u32 $0x9C4, s4;
	s6 =	sshrl.u32 s8, $0x3;
	s12 =	sshrl.u32 s9, $0x1  }
0xb: {  	s13 =	sadd.s32 s8, s2;
	s6 =	sadd.s32 s6, s7;
	s12 =	ssub.s32 s9, s12  }
0xc: {  	s8 =	sadd.s32 s8, s30;
	s9 =	sshrl.u32 s30, $0x3;
	s11 =	sshrl.u32 s13, $0x3  }
0xd: {  	s13 =	simm.s32 $0x4E20;
	s4 =	sadd.s32 s4, s7;
	s5 =	sadd.s32 $0x51800, s6  }
0xe: {  	s6 =	sor.u32 $0x1C02, s31;
	s8 =	sshrl.u32 s8, $0x3;
	s9 =	sadd.s32 s10, s9  }
0xf: {  	s7 =	sadd.s32 $0x53F00, s7;
	s4 =	sadd.s32 $0x3200, s4;
	s8 =	sadd.s32 s10, s8  }
0x10: {  	s9 =	sadd.s32 $0x2700, s9;
	s10 =	smax.u32 s12, $0x1;
	s12 =	simm.s32 $0x2  }
.LBB2_1:
0x11: {  	[tilespmem:s3], [sflag:$0x1] =	stream.linear.gather [hbm4b:s4+s3], $0x4E20, $0x38;
	[tilespmem:$0x67E8] =	vst v63  }
0x12: {  	[spmem:s11], [sflag:s6] =	dma.local [hbm:s5], $0x270  }
0x13: {  	_ =	swait.ge [sflag:s12], $0x270  }
0x14: {  	[sflag:s12] =	ssyncset.done $0x0  }
0x15: {  	[sflag:s12] =	ssyncadd.s32 $0xFFFFFD90  }
0x16: {  	[tilespmem:s13], [sflag:$0x2] =	stream.linear.gather [hbm4b:s1+s3], $0x640, $0x38;
	[tilespmem:$0x67E8] =	vst v63  }
0x17: {  	_ =	swait.ge [sflag:s12], $0x640  }
0x18: {  	[sflag:s12] =	ssyncset.done $0x0  }
0x19: {  	s18 =	simm.s32 @!p0 $0x2;
	[sflag:s12] =	ssyncadd.s32 $0xFFFFF9C0  }
0x1a: {  	[spmem:s14], [sflag:s6] =	dma.local @!p0 [hbm:s7], $0x10  }
0x1b: {  	_ =	swait.ge @!p0 [sflag:s18], $0x10  }
0x1c: {  	[sflag:s18] =	ssyncset.done @!p0 $0x0  }
0x1d: {  	[sflag:s18] =	ssyncadd.s32 @!p0 $0xFFFFFFF0  }
0x1e: {  	_ =	swait.ge [sflag:s15], $0x4E20  }
0x1f: {  	[sflag:s15] =	ssyncset.done $0x0  }
0x20: {  	[sflag:s15] =	ssyncadd.s32 $0xFFFFB1E0  }
0x21: {  	s31 =	simm.s32 $0xC8;
	[bflag:$0x0] =	sbarrier.arrive $0xFFFF  }
0x22: {  	[spmem:s2] =	stream.indirect.scatter.add.f32 [tilespmem:s13], [sflag:$0x2], $0x8, s31, s16, $0xb8;
	[tilespmem:$0x67E8] =	vst v63  }
0x23: {  	_ =	swait.ge [sflag:s12], $0x640  }
0x24: {  	s18 =	simm.s32 $0x960;
	[sflag:s12] =	ssyncset.done $0x0  }
.LBB2_2:
0x25: {  	s19 =	sshra.s32 s18, $0x2;
	[sflag:s12] =	ssyncadd.s32 $0xFFFFF9C0;
	p1 =	sne.s32 s18, $0x13560  }
0x26: {  	[spmem:s2] =	stream.indirect.scatter.add.f32 [tilespmem:s13], [sflag:$0x2], $0x8, s19, s16, $0xb8;
	[tilespmem:$0x67E8] =	vst v63  }
.Ltmp0:
0x27: {  	_ = 	snop;
	(pc) =	sbr.rel @p1 .LBB2_2-.Ltmp0, $4  }
0x28: {  	_ = 	snop  }
0x29: {  	s18 =	sadd.s32 $0x640, s18  }
0x2a: {  	_ =	swait.ge [sflag:s12], $0x640  }
0x2b: {  	[sflag:s12] =	ssyncset.done $0x0  }
0x2c: {  	[sflag:s12] =	ssyncadd.s32 $0xFFFFF9C0  }
0x2d: {  	[bflag:$0x0] =	sbarrier.arrive $0xFFFF  }
0x2e: {  	[hbm:s8], [sflag:s6] =	dma.local [spmem:s11], $0x270  }
0x2f: {  	s17 =	sadd.s32 $0x1, s17;
	_ =	swait.ge [sflag:s12], $0x270  }
0x30: {  	p1 =	sne.s32 s17, s10;
	[sflag:s12] =	ssyncset.done $0x0  }
.Ltmp1:
0x31: {  	s18 =	simm.s32 @!p0 $0x2;
	[sflag:s12] =	ssyncadd.s32 $0xFFFFFD90;
	(pc) =	sbr.rel @p1 .LBB2_1-.Ltmp1, $4  }
0x32: {  	[hbm:s9], [sflag:s6] =	dma.local @!p0 [spmem:s14], $0x10  }
0x33: {  	_ =	swait.ge @!p0 [sflag:s18], $0x10  }
0x34: {  	[sflag:s18] =	ssyncset.done @!p0 $0x0  }
0x35: {  	[sflag:s18] =	ssyncadd.s32 @!p0 $0xFFFFFFF0  }
0x36: {  	_ =	sfence.sel $0x180000  }
0x37: {  	[bflag:$0x0] =	sbarrier.arrive $0xFFFF  }
0x38: {  	_ =	strace $0x9000004A  }
0x39: {  	s0 =	sadd.s32 @!p0 $0x100000, s0;
	[bflag:$0x2] =	sbarrier.arrive $0xFFFF  }
0x3a: {  	[sflag:s0] =	ssyncadd.tile.s32 @!p0 $0x1;
	_ =	shalt  }
.Lfunc_end2:
_tile_overlayer_lowered:
.L_overlay_start_2:
0x3b: {  	(tag) =	ssettag $0x2  }
0x3c: {  	s0 =	rddreg [dreg:$0x0];
	s2 =	stileid.u32  }
0x3d: {  	s1 =	rddreg [dreg:$0x1];
	p0 =	sne.s32 s2, $0x0  }
0x3e: {  	s3 =	rddreg [dreg:$0x2];
	[bflag:$0x3] =	sbarrier.arrive $0xFFFF;
	s2 =	simm.s32 @!p0 $0x1C02  }
0x3f: {  	[timem:s3], [sflag:s2] =	dma.local @!p0 [hbm:s0], s1  }
0x40: {  	s0 =	simm.s32 @!p0 $0x2  }
0x41: {  	_ =	swait.ge @!p0 [sflag:s0], s1  }
0x42: {  	s1 =	ssub.s32 @!p0 $0x0, s1;
	[sflag:s0] =	ssyncset.done @!p0 $0x0  }
0x43: {  	[sflag:s0] =	ssyncadd.s32 @!p0 s1  }
0x44: {  	[bflag:$0x3] =	sbarrier.arrive $0xFFFF  }
0x45: {  	_ =	shalt  }

</sc_bundles>
